<compile_context>
chip_gen: v7x
topology: tpu7x:2x2x1
jax: 0.10.2.dev20260603
libtpu: 0.0.44.dev20260713+nightly
codegen_flags: <defaults>
</compile_context>

<pallas_src>
import jax
import jax.numpy as jnp
from jax import lax
from jax.experimental import pallas as pl
from jax.experimental.pallas import tpu as pltpu
from jax.experimental.pallas import tpu_sc as plsc

N = 100000
VOX = 729
VOXP = 736
D = 9
LW = 128
P = 2000
NB = N // P

NC, NS = 2, 16
NW = NC * NS
CH = 128
ROUNDS = 25
B_PER_W = ROUNDS * CH
NPAD = NW * B_PER_W


def _mesh():
    return plsc.VectorSubcoreMesh(core_axis_name="c", subcore_axis_name="s",
                                  num_cores=NC, num_subcores=NS)



def _sc_passb_body(g1t_hbm, cnc_hbm, cc_hbm, zeros_hbm, s2b_hbm,
                   acc, idxg0, idxg1, idxs, buf0, buf1, sem0, sem1):
    c = lax.axis_index("c")
    s = lax.axis_index("s")
    wid = s * NC + c
    base_w = wid * B_PER_W

    @pl.when(s == 0)
    def _():
        pltpu.sync_copy(zeros_hbm, acc)
    plsc.subcore_barrier()

    pltpu.sync_copy(cnc_hbm.at[pl.ds(base_w, CH)], idxg0)
    pltpu.async_copy(g1t_hbm.at[idxg0], buf0, sem0)

    def body(j, carry):
        r0 = 2 * j
        pltpu.sync_copy(cnc_hbm.at[pl.ds(base_w + (r0 + 1) * CH, CH)], idxg1)
        pltpu.async_copy(g1t_hbm.at[idxg1], buf1, sem1)
        pltpu.make_async_copy(g1t_hbm.at[idxg0], buf0, sem0).wait()
        pltpu.sync_copy(cc_hbm.at[pl.ds(base_w + r0 * CH, CH)], idxs)
        pltpu.sync_copy(buf0, acc.at[idxs], add=True)
        pltpu.sync_copy(cnc_hbm.at[pl.ds(base_w + (r0 + 2) * CH, CH)], idxg0)
        pltpu.async_copy(g1t_hbm.at[idxg0], buf0, sem0)
        pltpu.make_async_copy(g1t_hbm.at[idxg1], buf1, sem1).wait()
        pltpu.sync_copy(cc_hbm.at[pl.ds(base_w + (r0 + 1) * CH, CH)], idxs)
        pltpu.sync_copy(buf1, acc.at[idxs], add=True)
        return carry

    lax.fori_loop(0, (ROUNDS - 1) // 2, body, 0)
    pltpu.make_async_copy(g1t_hbm.at[idxg0], buf0, sem0).wait()
    pltpu.sync_copy(cc_hbm.at[pl.ds(base_w + (ROUNDS - 1) * CH, CH)], idxs)
    pltpu.sync_copy(buf0, acc.at[idxs], add=True)
    plsc.subcore_barrier()

    @pl.when(s == 0)
    def _():
        pltpu.sync_copy(acc, s2b_hbm.at[c])


def _make_sc_kernels():
    sc_passb = pl.kernel(
        _sc_passb_body,
        out_type=jax.ShapeDtypeStruct((NC, VOXP, LW), jnp.float32),
        mesh=_mesh(),
        scratch_types=[pltpu.VMEM_SHARED((VOXP, LW), jnp.float32),
                       pltpu.VMEM((CH,), jnp.int32),
                       pltpu.VMEM((CH,), jnp.int32),
                       pltpu.VMEM((CH,), jnp.int32),
                       pltpu.VMEM((CH, LW), jnp.float32),
                       pltpu.VMEM((CH, LW), jnp.float32),
                       pltpu.SemaphoreType.DMA,
                       pltpu.SemaphoreType.DMA],
    )
    return sc_passb



def _onehot(idx, width):
    cols = jax.lax.broadcasted_iota(jnp.int32, (idx.shape[0], width), 1)
    return (idx[:, None] == cols).astype(jnp.float32)


def _hist_kernel(x_ref, cc_ref, cnc_ref, hcc_ref, hcnc_ref):
    @pl.when(pl.program_id(0) == 0)
    def _():
        hcc_ref[...] = jnp.zeros_like(hcc_ref)
        hcnc_ref[...] = jnp.zeros_like(hcnc_ref)

    x = x_ref[...]
    cc = cc_ref[0, 0, :]
    cnc = cnc_ref[0, 0, :]
    xb4 = jnp.concatenate([x, jnp.ones((P, 1), jnp.float32)], axis=1)
    oh_cc = _onehot(cc, VOX)
    oh_cnc = _onehot(cnc, VOX)
    hcc_ref[...] += jax.lax.dot_general(
        oh_cc, xb4, (((0,), (0,)), ((), ())),
        preferred_element_type=jnp.float32)
    hcnc_ref[...] += jax.lax.dot_general(
        oh_cnc, jnp.ones((P, 1), jnp.float32), (((0,), (0,)), ((), ())),
        preferred_element_type=jnp.float32)


def _rank_perm(pcnt):
    present = (pcnt > 0.0).astype(jnp.float32)
    rows = jax.lax.broadcasted_iota(jnp.int32, (VOX, VOX), 0)
    cols = jax.lax.broadcasted_iota(jnp.int32, (VOX, VOX), 1)
    lower = (cols < rows).astype(jnp.float32)
    rank = jax.lax.dot_general(lower, present, (((1,), (0,)), ((), ())),
                               preferred_element_type=jnp.float32)
    return (rank == cols.astype(jnp.float32)).astype(jnp.float32) * present


def _conv_grid(grid_vc, kr_ref, kb):
    cin = grid_vc.shape[1]
    cout = kr_ref.shape[2]
    pad = jnp.zeros((96, cin), jnp.float32)
    padded = jnp.concatenate([pad, grid_vc, pad], axis=0)
    v = jax.lax.broadcasted_iota(jnp.int32, (VOX, 1), 0)
    vz = v // 81
    vy = (v // 9) % 9
    vx = v % 9
    acc = jnp.zeros((VOX, cout), jnp.float32)
    for dz in range(3):
        for dy in range(3):
            for dx in range(3):
                o = (dz * 3 + dy) * 3 + dx
                k = (dz - 1) * 81 + (dy - 1) * 9 + (dx - 1)
                shifted = padded[96 + k: 96 + k + VOX, :]
                okz = jnp.logical_and(vz + (dz - 1) >= 0, vz + (dz - 1) < 9)
                oky = jnp.logical_and(vy + (dy - 1) >= 0, vy + (dy - 1) < 9)
                okx = jnp.logical_and(vx + (dx - 1) >= 0, vx + (dx - 1) < 9)
                m = jnp.logical_and(okz, jnp.logical_and(oky, okx))
                contrib = jnp.where(m, shifted, 0.0)
                acc += jax.lax.dot_general(
                    contrib, kr_ref[o], (((1,), (0,)), ((), ())),
                    preferred_element_type=jnp.float32)
    return acc + kb


def _pad_table(t64):
    return jnp.pad(t64, ((0, VOXP - VOX), (0, LW - 64)))


def _dense1_kernel(hcc_ref, hcnc_ref, w1_ref, b1_ref, k1r_ref, kb1_ref,
                   g1t_ref, s2a_ref):
    sums1 = hcc_ref[:, 0:3]
    cnt = hcc_ref[:, 3:4]
    pm = _rank_perm(hcnc_ref[...])
    means1 = sums1 / jnp.maximum(cnt, 1.0)
    grid1 = jax.lax.dot_general(pm, means1, (((1,), (0,)), ((), ())),
                                preferred_element_type=jnp.float32)
    g1t = _conv_grid(grid1, k1r_ref, kb1_ref[...])
    g1t_ref[...] = _pad_table(g1t)
    s2a_ref[...] = jax.lax.dot_general(
        sums1, w1_ref[...], (((1,), (1,)), ((), ())),
        preferred_element_type=jnp.float32) + cnt * b1_ref[...]


def _dense2_kernel(hcc_ref, hcnc_ref, s2a_ref, s2b_ref, g1t_ref,
                   w1_ref, b1_ref, w2_ref, b2_ref, k2r_ref, kb2_ref,
                   gct_ref, at_ref, bp_ref):
    cnt = hcc_ref[:, 3:4]
    pm = _rank_perm(hcnc_ref[...])
    sums2 = (s2a_ref[...] + s2b_ref[0, 0:VOX, 0:64]
             + s2b_ref[1, 0:VOX, 0:64])
    means2 = sums2 / jnp.maximum(cnt, 1.0)
    grid2 = jax.lax.dot_general(pm, means2, (((1,), (0,)), ((), ())),
                                preferred_element_type=jnp.float32)
    g2t = _conv_grid(grid2, k2r_ref, kb2_ref[...])
    gct = g2t + jax.lax.dot_general(
        g1t_ref[0:VOX, 0:64], w2_ref[...], (((1,), (1,)), ((), ())),
        preferred_element_type=jnp.float32)
    gct_ref[...] = gct
    at_ref[...] = jax.lax.dot_general(
        w1_ref[...], w2_ref[...], (((0,), (1,)), ((), ())),
        preferred_element_type=jnp.float32)
    bp_ref[...] = jax.lax.dot_general(
        b1_ref[...], w2_ref[...], (((1,), (1,)), ((), ())),
        preferred_element_type=jnp.float32) + b2_ref[...]


def _out_kernel(x_ref, cnc_ref, gct_ref, at_ref, bp_ref, out_ref):
    cnc = cnc_ref[0, 0, :]
    oh_cnc = _onehot(cnc, VOX)
    outer = jax.lax.dot_general(oh_cnc, gct_ref[...], (((1,), (0,)), ((), ())),
                                preferred_element_type=jnp.float32)
    inner = jax.lax.dot_general(x_ref[...], at_ref[...],
                                (((1,), (0,)), ((), ())),
                                preferred_element_type=jnp.float32)
    out_ref[...] = inner + outer + bp_ref[...]


@jax.jit
def kernel(x, consecutive_cluster, cluster_non_consecutive,
           W1, b1, K1, kb1, W2, b2, K2, kb2):
    f32 = jnp.float32
    cc = consecutive_cluster.astype(jnp.int32)
    cnc = cluster_non_consecutive.astype(jnp.int32)
    cc3 = cc.reshape(NB, 1, P)
    cnc3 = cnc.reshape(NB, 1, P)
    cc_pad = jnp.concatenate([cc, jnp.zeros((NPAD - N,), jnp.int32)])
    cnc_pad = jnp.concatenate([cnc, jnp.full((NPAD - N,), VOX, jnp.int32)])
    zeros_t = jnp.zeros((VOXP, LW), f32)
    k1r = jnp.transpose(K1, (2, 3, 4, 1, 0)).reshape(27, 3, 64)
    k2r = jnp.transpose(K2, (2, 3, 4, 1, 0)).reshape(27, 64, 64)
    b1r = b1.reshape(1, 64)
    b2r = b2.reshape(1, 64)
    kb1r = kb1.reshape(1, 64)
    kb2r = kb2.reshape(1, 64)
    sc_passb = _make_sc_kernels()

    idx_spec = pl.BlockSpec((1, 1, P), lambda i: (i, 0, 0))
    full = lambda s: pl.BlockSpec(s, lambda i: tuple(0 for _ in s))

    hcc, hcnc = pl.pallas_call(
        _hist_kernel,
        grid=(NB,),
        in_specs=[pl.BlockSpec((P, 3), lambda i: (i, 0)), idx_spec, idx_spec],
        out_specs=[full((VOX, 4)), full((VOX, 1))],
        out_shape=[jax.ShapeDtypeStruct((VOX, 4), f32),
                   jax.ShapeDtypeStruct((VOX, 1), f32)],
    )(x, cc3, cnc3)

    g1t, s2a = pl.pallas_call(
        _dense1_kernel,
        out_shape=[jax.ShapeDtypeStruct((VOXP, LW), f32),
                   jax.ShapeDtypeStruct((VOX, 64), f32)],
    )(hcc, hcnc, W1, b1r, k1r, kb1r)

    s2b = sc_passb(g1t, cnc_pad, cc_pad, zeros_t)

    gct, at, bp = pl.pallas_call(
        _dense2_kernel,
        out_shape=[jax.ShapeDtypeStruct((VOX, 64), f32),
                   jax.ShapeDtypeStruct((3, 64), f32),
                   jax.ShapeDtypeStruct((1, 64), f32)],
    )(hcc, hcnc, s2a, s2b, g1t, W1, b1r, W2, b2r, k2r, kb2r)

    out = pl.pallas_call(
        _out_kernel,
        grid=(NB,),
        in_specs=[pl.BlockSpec((P, 3), lambda i: (i, 0)), idx_spec,
                  pl.BlockSpec((VOX, 64), lambda i: (0, 0)),
                  pl.BlockSpec((3, 64), lambda i: (0, 0)),
                  pl.BlockSpec((1, 64), lambda i: (0, 0))],
        out_specs=pl.BlockSpec((P, 64), lambda i: (i, 0)),
        out_shape=jax.ShapeDtypeStruct((N, 64), f32),
    )(x, cnc3, gct, at, bp)
    return out

# --- scband reference (transcript-rebuilt; emitter-appended) ---
"""Pipeline reference for scband-emhslayer-56513179680782 (READ-ONLY COPY).

The authoritative reference and input builder live on the scoring server;
editing this copy changes nothing except your own understanding.
"""

import jax, jax.numpy as jnp
import numpy as np

N = 100000
VOX = 729
D = 9
C0, C1, C2 = 3, 64, 64


def setup_inputs(seed: int = 0) -> dict:
    key = jax.random.key(seed)
    ks = jax.random.split(key, 12)
    x = jax.random.normal(ks[0], (N, C0), dtype=jnp.float32)
    consecutive_cluster = jax.random.randint(ks[1], (N,), 0, VOX, dtype=jnp.int32)
    cluster_non_consecutive = jax.random.randint(ks[2], (N,), 0, VOX, dtype=jnp.int32)
    W1 = jax.random.normal(ks[3], (C1, C0), dtype=jnp.float32) * 0.1
    b1 = jnp.zeros((C1,), dtype=jnp.float32)
    K1 = jax.random.normal(ks[4], (C1, C0, 3, 3, 3), dtype=jnp.float32) * 0.05
    kb1 = jnp.zeros((C1,), dtype=jnp.float32)
    W2 = jax.random.normal(ks[5], (C2, C1), dtype=jnp.float32) * 0.05
    b2 = jnp.zeros((C2,), dtype=jnp.float32)
    K2 = jax.random.normal(ks[6], (C2, C1, 3, 3, 3), dtype=jnp.float32) * 0.05
    kb2 = jnp.zeros((C2,), dtype=jnp.float32)
    return {"x": x, "consecutive_cluster": consecutive_cluster,
            "cluster_non_consecutive": cluster_non_consecutive,
            "W1": W1, "b1": b1, "K1": K1, "kb1": kb1,
            "W2": W2, "b2": b2, "K2": K2, "kb2": kb2}


def _elm(x, cc, cnc, uniq, num_seg, W, b, K, kb):
    # inner equivariant map: pointwise linear
    inner = x @ W.T + b
    # scatter_mean(x, cc, dim=0)
    sums = jax.ops.segment_sum(x, cc, num_segments=num_seg)
    cnt = jax.ops.segment_sum(jnp.ones((x.shape[0],), x.dtype), cc, num_segments=num_seg)
    means = sums / jnp.maximum(cnt, 1.0)[:, None]
    # scatter-overwrite means into the voxel grid at the unique occupied cells
    c_in = W.shape[1]
    grid = jnp.zeros((c_in, VOX), x.dtype).at[:, uniq].set(means.T)
    g = grid.reshape(1, c_in, D, D, D)
    g = jax.lax.conv_general_dilated(g, K, window_strides=(1, 1, 1),
                                     padding=((1, 1), (1, 1), (1, 1)),
                                     dimension_numbers=("NCDHW", "OIDHW", "NCDHW"))
    g = g + kb.reshape(1, -1, 1, 1, 1)
    # gather back per-point from the conv'd grid
    outer = g.reshape(W.shape[0], VOX)[:, cnc].T
    return inner + outer


def reference(x, consecutive_cluster, cluster_non_consecutive,
              W1, b1, K1, kb1, W2, b2, K2, kb2):
    cc = consecutive_cluster.astype(jnp.int32)
    cnc = cluster_non_consecutive.astype(jnp.int32)
    num_seg = VOX
    uniq = jnp.unique(cnc, size=VOX, fill_value=jnp.int32(VOX))
    h = _elm(x, cc, cnc, uniq, num_seg, W1, b1, K1, kb1)
    h = _elm(h, cc, cnc, uniq, num_seg, W2, b2, K2, kb2)
    return h

if __name__ == "__main__":
    import jax
    _d = setup_inputs()
    print(jax.jit(kernel)(*tuple(_d.values())))

</pallas_src>

<mosaic_0001>
#map = affine_map<(d0, d1) -> (0, 0)>
#map1 = affine_map<(d0, d1) -> (0)>
#map2 = affine_map<(d0, d1) -> (0, 0, 0)>
module attributes {stable_mosaic.version = 14 : i64} {
  func.func @_sc_passb_body(%arg0: i32, %arg1: i32, %arg2: memref<736x128xf32, #tpu.memory_space<hbm>>, %arg3: memref<102400xi32, #tpu.memory_space<hbm>>, %arg4: memref<102400xi32, #tpu.memory_space<hbm>>, %arg5: memref<736x128xf32, #tpu.memory_space<hbm>>, %arg6: memref<2x736x128xf32, #tpu.memory_space<hbm>>, %arg7: memref<736x128xf32, #tpu.memory_space<vmem_shared>>, %arg8: memref<128xi32, #tpu.memory_space<vmem>>, %arg9: memref<128xi32, #tpu.memory_space<vmem>>, %arg10: memref<128xi32, #tpu.memory_space<vmem>>, %arg11: memref<128x128xf32, #tpu.memory_space<vmem>>, %arg12: memref<128x128xf32, #tpu.memory_space<vmem>>, %arg13: memref<!tpu.dma_semaphore, #tpu.memory_space<semaphore_mem>>, %arg14: memref<!tpu.dma_semaphore, #tpu.memory_space<semaphore_mem>>) attributes {dimension_semantics = [#tpu.dimension_semantics<core_parallel>, #tpu.dimension_semantics<subcore_parallel>], iteration_bounds = array<i64: 2, 16>, scalar_prefetch = 0 : i64, scratch_operands = 8 : i64, tpu.core_type = #tpu.core_type<sc_vector_subcore>, window_params = [{transform_indices = #map}, {transform_indices = #map1}, {transform_indices = #map1}, {transform_indices = #map}, {transform_indices = #map2}]} {
    %mul3A = arith.constant 2 : i32
    %mul3A_0 = arith.muli %arg1, %mul3A : i32
    %add3A = arith.addi %mul3A_0, %arg0 : i32
    %mul3A_1 = arith.constant 3200 : i32
    %mul3A_2 = arith.muli %add3A, %mul3A_1 : i32
    %eq3A = arith.constant 0 : i32
    %eq3A_3 = arith.cmpi eq, %arg1, %eq3A : i32
    %convert_element_type3A = arith.extui %eq3A_3 : i1 to i32
    %cond3A = arith.constant 0 : i32
    %cond3A_4 = arith.cmpi ne, %convert_element_type3A, %cond3A : i32
    scf.if %cond3A_4 {
      "tpu.region"() ({
        %run_scoped3A = tpu.sem_alloc : memref<!tpu.dma_semaphore, #tpu.memory_space<semaphore_mem>>
        tpu.enqueue_dma source(%arg5 : memref<736x128xf32, #tpu.memory_space<hbm>>) target(%arg7 : memref<736x128xf32, #tpu.memory_space<vmem_shared>>) target_semaphore(%run_scoped3A : memref<!tpu.dma_semaphore, #tpu.memory_space<semaphore_mem>>)
        tpu.wait_dma2 semaphore(%run_scoped3A : memref<!tpu.dma_semaphore, #tpu.memory_space<semaphore_mem>>) src(%arg5 : memref<736x128xf32, #tpu.memory_space<hbm>>) dst(%arg7 : memref<736x128xf32, #tpu.memory_space<vmem_shared>>)
        tpu.yield
      }) : () -> ()
    } else {
    }
    %barrier3A = arith.constant 0 : index
    tpu.barrier barrier_id(%barrier3A)
    "tpu.region"() ({
      %run_scoped3A = tpu.sem_alloc : memref<!tpu.dma_semaphore, #tpu.memory_space<semaphore_mem>>
      %dma_start3A_22 = tpu.memref_slice %arg3[%mul3A_2] : memref<102400xi32, #tpu.memory_space<hbm>> -> memref<128xi32, #tpu.memory_space<hbm>>
      %dma_start3A_23 = tpu.memref_slice %arg3[%mul3A_2] : memref<102400xi32, #tpu.memory_space<hbm>> -> memref<128xi32, #tpu.memory_space<hbm>>
      tpu.enqueue_dma source(%dma_start3A_23 : memref<128xi32, #tpu.memory_space<hbm>>) target(%arg8 : memref<128xi32, #tpu.memory_space<vmem>>) target_semaphore(%run_scoped3A : memref<!tpu.dma_semaphore, #tpu.memory_space<semaphore_mem>>)
      %dma_wait3A_24 = tpu.memref_slice %arg3[%mul3A_2] : memref<102400xi32, #tpu.memory_space<hbm>> -> memref<128xi32, #tpu.memory_space<hbm>>
      %dma_wait3A_25 = tpu.memref_slice %arg3[%mul3A_2] : memref<102400xi32, #tpu.memory_space<hbm>> -> memref<128xi32, #tpu.memory_space<hbm>>
      tpu.wait_dma2 semaphore(%run_scoped3A : memref<!tpu.dma_semaphore, #tpu.memory_space<semaphore_mem>>) src(%dma_wait3A_25 : memref<128xi32, #tpu.memory_space<hbm>>) dst(%arg8 : memref<128xi32, #tpu.memory_space<vmem>>)
      tpu.yield
    }) : () -> ()
    %dma_start3A = arith.constant 0 : i32
    %dma_start3A_5 = arith.constant 0 : i32
    %dma_start3A_6 = tpu.memref_slice %arg2[%dma_start3A, %dma_start3A_5] : memref<736x128xf32, #tpu.memory_space<hbm>> -> memref<736x128xf32, #tpu.memory_space<hbm>>
    tpu.enqueue_indirect_dma source(%dma_start3A_6 : memref<736x128xf32, #tpu.memory_space<hbm>>) target(%arg11 : memref<128x128xf32, #tpu.memory_space<vmem>>) offsets(%arg8 : memref<128xi32, #tpu.memory_space<vmem>>) semaphore(%arg13 : memref<!tpu.dma_semaphore, #tpu.memory_space<semaphore_mem>>)
    %scan3A = arith.constant 0 : i32
    %scan3A_7 = arith.constant 0 : i32
    %scan3A_8 = arith.constant 12 : i32
    %scan3A_9 = arith.addi %scan3A_7, %scan3A_8 : i32
    %scan3A_10 = arith.constant 1 : i32
    scf.for %scan3A_22 = %scan3A_7 to %scan3A_9 step %scan3A_10  : i32 {
      %mul3A_23 = arith.constant 2 : i32
      %mul3A_24 = arith.muli %mul3A_23, %scan3A_22 : i32
      %add3A_25 = arith.constant 1 : i32
      %add3A_26 = arith.addi %mul3A_24, %add3A_25 : i32
      %mul3A_27 = arith.constant 128 : i32
      %mul3A_28 = arith.muli %add3A_26, %mul3A_27 : i32
      %add3A_29 = arith.addi %mul3A_2, %mul3A_28 : i32
      "tpu.region"() ({
        %run_scoped3A = tpu.sem_alloc : memref<!tpu.dma_semaphore, #tpu.memory_space<semaphore_mem>>
        %dma_start3A_55 = tpu.memref_slice %arg3[%add3A_29] : memref<102400xi32, #tpu.memory_space<hbm>> -> memref<128xi32, #tpu.memory_space<hbm>>
        %dma_start3A_56 = tpu.memref_slice %arg3[%add3A_29] : memref<102400xi32, #tpu.memory_space<hbm>> -> memref<128xi32, #tpu.memory_space<hbm>>
        tpu.enqueue_dma source(%dma_start3A_56 : memref<128xi32, #tpu.memory_space<hbm>>) target(%arg9 : memref<128xi32, #tpu.memory_space<vmem>>) target_semaphore(%run_scoped3A : memref<!tpu.dma_semaphore, #tpu.memory_space<semaphore_mem>>)
        %dma_wait3A_57 = tpu.memref_slice %arg3[%add3A_29] : memref<102400xi32, #tpu.memory_space<hbm>> -> memref<128xi32, #tpu.memory_space<hbm>>
        %dma_wait3A_58 = tpu.memref_slice %arg3[%add3A_29] : memref<102400xi32, #tpu.memory_space<hbm>> -> memref<128xi32, #tpu.memory_space<hbm>>
        tpu.wait_dma2 semaphore(%run_scoped3A : memref<!tpu.dma_semaphore, #tpu.memory_space<semaphore_mem>>) src(%dma_wait3A_58 : memref<128xi32, #tpu.memory_space<hbm>>) dst(%arg9 : memref<128xi32, #tpu.memory_space<vmem>>)
        tpu.yield
      }) : () -> ()
      %dma_start3A_30 = arith.constant 0 : i32
      %dma_start3A_31 = arith.constant 0 : i32
      %dma_start3A_32 = tpu.memref_slice %arg2[%dma_start3A_30, %dma_start3A_31] : memref<736x128xf32, #tpu.memory_space<hbm>> -> memref<736x128xf32, #tpu.memory_space<hbm>>
      tpu.enqueue_indirect_dma source(%dma_start3A_32 : memref<736x128xf32, #tpu.memory_space<hbm>>) target(%arg12 : memref<128x128xf32, #tpu.memory_space<vmem>>) offsets(%arg9 : memref<128xi32, #tpu.memory_space<vmem>>) semaphore(%arg14 : memref<!tpu.dma_semaphore, #tpu.memory_space<semaphore_mem>>)
      %dma_wait3A_33 = arith.constant 0 : i32
      %dma_wait3A_34 = arith.constant 0 : i32
      %dma_wait3A_35 = tpu.memref_slice %arg2[%dma_wait3A_33, %dma_wait3A_34] : memref<736x128xf32, #tpu.memory_space<hbm>> -> memref<736x128xf32, #tpu.memory_space<hbm>>
      tpu.wait_indirect_dma semaphore(%arg13 : memref<!tpu.dma_semaphore, #tpu.memory_space<semaphore_mem>>) src(%dma_wait3A_35 : memref<736x128xf32, #tpu.memory_space<hbm>>) dst(%arg11 : memref<128x128xf32, #tpu.memory_space<vmem>>)
      %mul3A_36 = arith.constant 128 : i32
      %mul3A_37 = arith.muli %mul3A_24, %mul3A_36 : i32
      %add3A_38 = arith.addi %mul3A_2, %mul3A_37 : i32
      "tpu.region"() ({
        %run_scoped3A = tpu.sem_alloc : memref<!tpu.dma_semaphore, #tpu.memory_space<semaphore_mem>>
        %dma_start3A_55 = tpu.memref_slice %arg4[%add3A_38] : memref<102400xi32, #tpu.memory_space<hbm>> -> memref<128xi32, #tpu.memory_space<hbm>>
        %dma_start3A_56 = tpu.memref_slice %arg4[%add3A_38] : memref<102400xi32, #tpu.memory_space<hbm>> -> memref<128xi32, #tpu.memory_space<hbm>>
        tpu.enqueue_dma source(%dma_start3A_56 : memref<128xi32, #tpu.memory_space<hbm>>) target(%arg10 : memref<128xi32, #tpu.memory_space<vmem>>) target_semaphore(%run_scoped3A : memref<!tpu.dma_semaphore, #tpu.memory_space<semaphore_mem>>)
        %dma_wait3A_57 = tpu.memref_slice %arg4[%add3A_38] : memref<102400xi32, #tpu.memory_space<hbm>> -> memref<128xi32, #tpu.memory_space<hbm>>
        %dma_wait3A_58 = tpu.memref_slice %arg4[%add3A_38] : memref<102400xi32, #tpu.memory_space<hbm>> -> memref<128xi32, #tpu.memory_space<hbm>>
        tpu.wait_dma2 semaphore(%run_scoped3A : memref<!tpu.dma_semaphore, #tpu.memory_space<semaphore_mem>>) src(%dma_wait3A_58 : memref<128xi32, #tpu.memory_space<hbm>>) dst(%arg10 : memref<128xi32, #tpu.memory_space<vmem>>)
        tpu.yield
      }) : () -> ()
      "tpu.region"() ({
        %run_scoped3A = tpu.sem_alloc : memref<!tpu.dma_semaphore, #tpu.memory_space<semaphore_mem>>
        %dma_start3A_55 = arith.constant 0 : i32
        %dma_start3A_56 = arith.constant 0 : i32
        %dma_start3A_57 = tpu.memref_slice %arg7[%dma_start3A_55, %dma_start3A_56] : memref<736x128xf32, #tpu.memory_space<vmem_shared>> -> memref<736x128xf32, #tpu.memory_space<vmem_shared>>
        tpu.enqueue_indirect_dma source(%arg11 : memref<128x128xf32, #tpu.memory_space<vmem>>) target(%dma_start3A_57 : memref<736x128xf32, #tpu.memory_space<vmem_shared>>) offsets(%arg10 : memref<128xi32, #tpu.memory_space<vmem>>) semaphore(%run_scoped3A : memref<!tpu.dma_semaphore, #tpu.memory_space<semaphore_mem>>) {add = true}
        %dma_wait3A_58 = arith.constant 0 : i32
        %dma_wait3A_59 = arith.constant 0 : i32
        %dma_wait3A_60 = tpu.memref_slice %arg7[%dma_wait3A_58, %dma_wait3A_59] : memref<736x128xf32, #tpu.memory_space<vmem_shared>> -> memref<736x128xf32, #tpu.memory_space<vmem_shared>>
        tpu.wait_indirect_dma semaphore(%run_scoped3A : memref<!tpu.dma_semaphore, #tpu.memory_space<semaphore_mem>>) src(%arg11 : memref<128x128xf32, #tpu.memory_space<vmem>>) dst(%dma_wait3A_60 : memref<736x128xf32, #tpu.memory_space<vmem_shared>>)
        tpu.yield
      }) : () -> ()
      %add3A_39 = arith.constant 2 : i32
      %add3A_40 = arith.addi %mul3A_24, %add3A_39 : i32
      %mul3A_41 = arith.constant 128 : i32
      %mul3A_42 = arith.muli %add3A_40, %mul3A_41 : i32
      %add3A_43 = arith.addi %mul3A_2, %mul3A_42 : i32
      "tpu.region"() ({
        %run_scoped3A = tpu.sem_alloc : memref<!tpu.dma_semaphore, #tpu.memory_space<semaphore_mem>>
        %dma_start3A_55 = tpu.memref_slice %arg3[%add3A_43] : memref<102400xi32, #tpu.memory_space<hbm>> -> memref<128xi32, #tpu.memory_space<hbm>>
        %dma_start3A_56 = tpu.memref_slice %arg3[%add3A_43] : memref<102400xi32, #tpu.memory_space<hbm>> -> memref<128xi32, #tpu.memory_space<hbm>>
        tpu.enqueue_dma source(%dma_start3A_56 : memref<128xi32, #tpu.memory_space<hbm>>) target(%arg8 : memref<128xi32, #tpu.memory_space<vmem>>) target_semaphore(%run_scoped3A : memref<!tpu.dma_semaphore, #tpu.memory_space<semaphore_mem>>)
        %dma_wait3A_57 = tpu.memref_slice %arg3[%add3A_43] : memref<102400xi32, #tpu.memory_space<hbm>> -> memref<128xi32, #tpu.memory_space<hbm>>
        %dma_wait3A_58 = tpu.memref_slice %arg3[%add3A_43] : memref<102400xi32, #tpu.memory_space<hbm>> -> memref<128xi32, #tpu.memory_space<hbm>>
        tpu.wait_dma2 semaphore(%run_scoped3A : memref<!tpu.dma_semaphore, #tpu.memory_space<semaphore_mem>>) src(%dma_wait3A_58 : memref<128xi32, #tpu.memory_space<hbm>>) dst(%arg8 : memref<128xi32, #tpu.memory_space<vmem>>)
        tpu.yield
      }) : () -> ()
      %dma_start3A_44 = arith.constant 0 : i32
      %dma_start3A_45 = arith.constant 0 : i32
      %dma_start3A_46 = tpu.memref_slice %arg2[%dma_start3A_44, %dma_start3A_45] : memref<736x128xf32, #tpu.memory_space<hbm>> -> memref<736x128xf32, #tpu.memory_space<hbm>>
      tpu.enqueue_indirect_dma source(%dma_start3A_46 : memref<736x128xf32, #tpu.memory_space<hbm>>) target(%arg11 : memref<128x128xf32, #tpu.memory_space<vmem>>) offsets(%arg8 : memref<128xi32, #tpu.memory_space<vmem>>) semaphore(%arg13 : memref<!tpu.dma_semaphore, #tpu.memory_space<semaphore_mem>>)
      %dma_wait3A_47 = arith.constant 0 : i32
      %dma_wait3A_48 = arith.constant 0 : i32
      %dma_wait3A_49 = tpu.memref_slice %arg2[%dma_wait3A_47, %dma_wait3A_48] : memref<736x128xf32, #tpu.memory_space<hbm>> -> memref<736x128xf32, #tpu.memory_space<hbm>>
      tpu.wait_indirect_dma semaphore(%arg14 : memref<!tpu.dma_semaphore, #tpu.memory_space<semaphore_mem>>) src(%dma_wait3A_49 : memref<736x128xf32, #tpu.memory_space<hbm>>) dst(%arg12 : memref<128x128xf32, #tpu.memory_space<vmem>>)
      %add3A_50 = arith.constant 1 : i32
      %add3A_51 = arith.addi %mul3A_24, %add3A_50 : i32
      %mul3A_52 = arith.constant 128 : i32
      %mul3A_53 = arith.muli %add3A_51, %mul3A_52 : i32
      %add3A_54 = arith.addi %mul3A_2, %mul3A_53 : i32
      "tpu.region"() ({
        %run_scoped3A = tpu.sem_alloc : memref<!tpu.dma_semaphore, #tpu.memory_space<semaphore_mem>>
        %dma_start3A_55 = tpu.memref_slice %arg4[%add3A_54] : memref<102400xi32, #tpu.memory_space<hbm>> -> memref<128xi32, #tpu.memory_space<hbm>>
        %dma_start3A_56 = tpu.memref_slice %arg4[%add3A_54] : memref<102400xi32, #tpu.memory_space<hbm>> -> memref<128xi32, #tpu.memory_space<hbm>>
        tpu.enqueue_dma source(%dma_start3A_56 : memref<128xi32, #tpu.memory_space<hbm>>) target(%arg10 : memref<128xi32, #tpu.memory_space<vmem>>) target_semaphore(%run_scoped3A : memref<!tpu.dma_semaphore, #tpu.memory_space<semaphore_mem>>)
        %dma_wait3A_57 = tpu.memref_slice %arg4[%add3A_54] : memref<102400xi32, #tpu.memory_space<hbm>> -> memref<128xi32, #tpu.memory_space<hbm>>
        %dma_wait3A_58 = tpu.memref_slice %arg4[%add3A_54] : memref<102400xi32, #tpu.memory_space<hbm>> -> memref<128xi32, #tpu.memory_space<hbm>>
        tpu.wait_dma2 semaphore(%run_scoped3A : memref<!tpu.dma_semaphore, #tpu.memory_space<semaphore_mem>>) src(%dma_wait3A_58 : memref<128xi32, #tpu.memory_space<hbm>>) dst(%arg10 : memref<128xi32, #tpu.memory_space<vmem>>)
        tpu.yield
      }) : () -> ()
      "tpu.region"() ({
        %run_scoped3A = tpu.sem_alloc : memref<!tpu.dma_semaphore, #tpu.memory_space<semaphore_mem>>
        %dma_start3A_55 = arith.constant 0 : i32
        %dma_start3A_56 = arith.constant 0 : i32
        %dma_start3A_57 = tpu.memref_slice %arg7[%dma_start3A_55, %dma_start3A_56] : memref<736x128xf32, #tpu.memory_space<vmem_shared>> -> memref<736x128xf32, #tpu.memory_space<vmem_shared>>
        tpu.enqueue_indirect_dma source(%arg12 : memref<128x128xf32, #tpu.memory_space<vmem>>) target(%dma_start3A_57 : memref<736x128xf32, #tpu.memory_space<vmem_shared>>) offsets(%arg10 : memref<128xi32, #tpu.memory_space<vmem>>) semaphore(%run_scoped3A : memref<!tpu.dma_semaphore, #tpu.memory_space<semaphore_mem>>) {add = true}
        %dma_wait3A_58 = arith.constant 0 : i32
        %dma_wait3A_59 = arith.constant 0 : i32
        %dma_wait3A_60 = tpu.memref_slice %arg7[%dma_wait3A_58, %dma_wait3A_59] : memref<736x128xf32, #tpu.memory_space<vmem_shared>> -> memref<736x128xf32, #tpu.memory_space<vmem_shared>>
        tpu.wait_indirect_dma semaphore(%run_scoped3A : memref<!tpu.dma_semaphore, #tpu.memory_space<semaphore_mem>>) src(%arg12 : memref<128x128xf32, #tpu.memory_space<vmem>>) dst(%dma_wait3A_60 : memref<736x128xf32, #tpu.memory_space<vmem_shared>>)
        tpu.yield
      }) : () -> ()
    }
    %scan3A_11 = arith.constant 12 : i32
    %dma_wait3A = arith.constant 0 : i32
    %dma_wait3A_12 = arith.constant 0 : i32
    %dma_wait3A_13 = tpu.memref_slice %arg2[%dma_wait3A, %dma_wait3A_12] : memref<736x128xf32, #tpu.memory_space<hbm>> -> memref<736x128xf32, #tpu.memory_space<hbm>>
    tpu.wait_indirect_dma semaphore(%arg13 : memref<!tpu.dma_semaphore, #tpu.memory_space<semaphore_mem>>) src(%dma_wait3A_13 : memref<736x128xf32, #tpu.memory_space<hbm>>) dst(%arg11 : memref<128x128xf32, #tpu.memory_space<vmem>>)
    %add3A_14 = arith.constant 3072 : i32
    %add3A_15 = arith.addi %mul3A_2, %add3A_14 : i32
    "tpu.region"() ({
      %run_scoped3A = tpu.sem_alloc : memref<!tpu.dma_semaphore, #tpu.memory_space<semaphore_mem>>
      %dma_start3A_22 = tpu.memref_slice %arg4[%add3A_15] : memref<102400xi32, #tpu.memory_space<hbm>> -> memref<128xi32, #tpu.memory_space<hbm>>
      %dma_start3A_23 = tpu.memref_slice %arg4[%add3A_15] : memref<102400xi32, #tpu.memory_space<hbm>> -> memref<128xi32, #tpu.memory_space<hbm>>
      tpu.enqueue_dma source(%dma_start3A_23 : memref<128xi32, #tpu.memory_space<hbm>>) target(%arg10 : memref<128xi32, #tpu.memory_space<vmem>>) target_semaphore(%run_scoped3A : memref<!tpu.dma_semaphore, #tpu.memory_space<semaphore_mem>>)
      %dma_wait3A_24 = tpu.memref_slice %arg4[%add3A_15] : memref<102400xi32, #tpu.memory_space<hbm>> -> memref<128xi32, #tpu.memory_space<hbm>>
      %dma_wait3A_25 = tpu.memref_slice %arg4[%add3A_15] : memref<102400xi32, #tpu.memory_space<hbm>> -> memref<128xi32, #tpu.memory_space<hbm>>
      tpu.wait_dma2 semaphore(%run_scoped3A : memref<!tpu.dma_semaphore, #tpu.memory_space<semaphore_mem>>) src(%dma_wait3A_25 : memref<128xi32, #tpu.memory_space<hbm>>) dst(%arg10 : memref<128xi32, #tpu.memory_space<vmem>>)
      tpu.yield
    }) : () -> ()
    "tpu.region"() ({
      %run_scoped3A = tpu.sem_alloc : memref<!tpu.dma_semaphore, #tpu.memory_space<semaphore_mem>>
      %dma_start3A_22 = arith.constant 0 : i32
      %dma_start3A_23 = arith.constant 0 : i32
      %dma_start3A_24 = tpu.memref_slice %arg7[%dma_start3A_22, %dma_start3A_23] : memref<736x128xf32, #tpu.memory_space<vmem_shared>> -> memref<736x128xf32, #tpu.memory_space<vmem_shared>>
      tpu.enqueue_indirect_dma source(%arg11 : memref<128x128xf32, #tpu.memory_space<vmem>>) target(%dma_start3A_24 : memref<736x128xf32, #tpu.memory_space<vmem_shared>>) offsets(%arg10 : memref<128xi32, #tpu.memory_space<vmem>>) semaphore(%run_scoped3A : memref<!tpu.dma_semaphore, #tpu.memory_space<semaphore_mem>>) {add = true}
      %dma_wait3A_25 = arith.constant 0 : i32
      %dma_wait3A_26 = arith.constant 0 : i32
      %dma_wait3A_27 = tpu.memref_slice %arg7[%dma_wait3A_25, %dma_wait3A_26] : memref<736x128xf32, #tpu.memory_space<vmem_shared>> -> memref<736x128xf32, #tpu.memory_space<vmem_shared>>
      tpu.wait_indirect_dma semaphore(%run_scoped3A : memref<!tpu.dma_semaphore, #tpu.memory_space<semaphore_mem>>) src(%arg11 : memref<128x128xf32, #tpu.memory_space<vmem>>) dst(%dma_wait3A_27 : memref<736x128xf32, #tpu.memory_space<vmem_shared>>)
      tpu.yield
    }) : () -> ()
    %barrier3A_16 = arith.constant 0 : index
    tpu.barrier barrier_id(%barrier3A_16)
    %eq3A_17 = arith.constant 0 : i32
    %eq3A_18 = arith.cmpi eq, %arg1, %eq3A_17 : i32
    %convert_element_type3A_19 = arith.extui %eq3A_18 : i1 to i32
    %cond3A_20 = arith.constant 0 : i32
    %cond3A_21 = arith.cmpi ne, %convert_element_type3A_19, %cond3A_20 : i32
    scf.if %cond3A_21 {
      "tpu.region"() ({
        %run_scoped3A = tpu.sem_alloc : memref<!tpu.dma_semaphore, #tpu.memory_space<semaphore_mem>>
        %dma_start3A_22 = arith.constant 0 : i32
        %dma_start3A_23 = arith.constant 0 : i32
        %dma_start3A_24 = tpu.memref_slice %arg6[%arg0, %dma_start3A_22, %dma_start3A_23] : memref<2x736x128xf32, #tpu.memory_space<hbm>> -> memref<1x736x128xf32, #tpu.memory_space<hbm>>
        %dma_start3A_25 = tpu.memref_squeeze %dma_start3A_24 : memref<1x736x128xf32, #tpu.memory_space<hbm>> -> memref<736x128xf32, #tpu.memory_space<hbm>>
        tpu.enqueue_dma source(%arg7 : memref<736x128xf32, #tpu.memory_space<vmem_shared>>) target(%dma_start3A_25 : memref<736x128xf32, #tpu.memory_space<hbm>>) target_semaphore(%run_scoped3A : memref<!tpu.dma_semaphore, #tpu.memory_space<semaphore_mem>>)
        %dma_wait3A_26 = arith.constant 0 : i32
        %dma_wait3A_27 = arith.constant 0 : i32
        %dma_wait3A_28 = tpu.memref_slice %arg6[%arg0, %dma_wait3A_26, %dma_wait3A_27] : memref<2x736x128xf32, #tpu.memory_space<hbm>> -> memref<1x736x128xf32, #tpu.memory_space<hbm>>
        %dma_wait3A_29 = tpu.memref_squeeze %dma_wait3A_28 : memref<1x736x128xf32, #tpu.memory_space<hbm>> -> memref<736x128xf32, #tpu.memory_space<hbm>>
        tpu.wait_dma2 semaphore(%run_scoped3A : memref<!tpu.dma_semaphore, #tpu.memory_space<semaphore_mem>>) src(%arg7 : memref<736x128xf32, #tpu.memory_space<vmem_shared>>) dst(%dma_wait3A_29 : memref<736x128xf32, #tpu.memory_space<hbm>>)
        tpu.yield
      }) : () -> ()
    } else {
    }
    return
  }
}

module attributes {stable_mosaic.version = 14 : i64} {
  func.func @_dense1_kernel(%arg0: memref<729x4xf32, #tpu.memory_space<vmem>>, %arg1: memref<729x1xf32, #tpu.memory_space<vmem>>, %arg2: memref<64x3xf32, #tpu.memory_space<vmem>>, %arg3: memref<1x64xf32, #tpu.memory_space<vmem>>, %arg4: memref<27x3x64xf32, #tpu.memory_space<vmem>>, %arg5: memref<1x64xf32, #tpu.memory_space<vmem>>, %arg6: memref<736x128xf32, #tpu.memory_space<vmem>>, %arg7: memref<729x64xf32, #tpu.memory_space<vmem>>) attributes {dimension_semantics = [], scalar_prefetch = 0 : i64, scratch_operands = 0 : i64, tpu.core_type = #tpu.core_type<tc>} {
    %get3A = arith.constant 0 : index
    %get3A_0 = arith.constant 0 : index
    %get3A_1 = vector.load %arg0[%get3A, %get3A_0] : memref<729x4xf32, #tpu.memory_space<vmem>>, vector<729x3xf32>
    %get3A_2 = arith.constant 0 : index
    %get3A_3 = arith.constant 3 : index
    %get3A_4 = vector.load %arg0[%get3A_2, %get3A_3] : memref<729x4xf32, #tpu.memory_space<vmem>>, vector<729x1xf32>
    %get3A_5 = arith.constant 0 : index
    %get3A_6 = arith.constant 0 : index
    %get3A_7 = vector.load %arg1[%get3A_5, %get3A_6] : memref<729x1xf32, #tpu.memory_space<vmem>>, vector<729x1xf32>
    %gt3A = arith.constant 0.000000e+00 : f32
    %gt3A_8 = vector.broadcast %gt3A : f32 to vector<729x1xf32>
    %gt3A_9 = arith.cmpf ogt, %get3A_7, %gt3A_8 : vector<729x1xf32>
    %convert_element_type3A = arith.extui %gt3A_9 : vector<729x1xi1> to vector<729x1xi32>
    %convert_element_type3A_10 = arith.sitofp %convert_element_type3A : vector<729x1xi32> to vector<729x1xf32>
    %iota3A = tpu.iota {dimensions = array<i32: 0>} : vector<729x729xi32>
    %iota3A_11 = tpu.iota {dimensions = array<i32: 1>} : vector<729x729xi32>
    %lt3A = arith.cmpi slt, %iota3A_11, %iota3A : vector<729x729xi32>
    %convert_element_type3A_12 = arith.extui %lt3A : vector<729x729xi1> to vector<729x729xi32>
    %convert_element_type3A_13 = arith.sitofp %convert_element_type3A_12 : vector<729x729xi32> to vector<729x729xf32>
    %dot_general3A = arith.constant dense<0.000000e+00> : vector<729x1xf32>
    %dot_general3A_14 = tpu.matmul %convert_element_type3A_13, %convert_element_type3A_10, %dot_general3A {dimension_numbers = #tpu.dot_dimension_numbers<[1], [0], [0], [1], [0, 0, 1, 1], [], []>, transpose_lhs_hint = false} : vector<729x729xf32>, vector<729x1xf32>, vector<729x1xf32> -> vector<729x1xf32>
    %convert_element_type3A_15 = arith.sitofp %iota3A_11 : vector<729x729xi32> to vector<729x729xf32>
    %eq3A = vector.broadcast %dot_general3A_14 : vector<729x1xf32> to vector<729x729xf32>
    %eq3A_16 = arith.cmpf oeq, %eq3A, %convert_element_type3A_15 : vector<729x729xf32>
    %convert_element_type3A_17 = arith.extui %eq3A_16 : vector<729x729xi1> to vector<729x729xi32>
    %convert_element_type3A_18 = arith.sitofp %convert_element_type3A_17 : vector<729x729xi32> to vector<729x729xf32>
    %mul3A = vector.broadcast %convert_element_type3A_10 : vector<729x1xf32> to vector<729x729xf32>
    %mul3A_19 = arith.mulf %convert_element_type3A_18, %mul3A : vector<729x729xf32>
    %max3A = arith.constant 1.000000e+00 : f32
    %max3A_20 = vector.broadcast %max3A : f32 to vector<729x1xf32>
    %max3A_21 = arith.maximumf %get3A_4, %max3A_20 : vector<729x1xf32>
    %div3A = vector.broadcast %max3A_21 : vector<729x1xf32> to vector<729x3xf32>
    %div3A_22 = arith.divf %get3A_1, %div3A : vector<729x3xf32>
    %dot_general3A_23 = arith.constant dense<0.000000e+00> : vector<729x3xf32>
    %dot_general3A_24 = tpu.matmul %mul3A_19, %div3A_22, %dot_general3A_23 {dimension_numbers = #tpu.dot_dimension_numbers<[1], [0], [0], [1], [0, 0, 1, 1], [], []>, transpose_lhs_hint = false} : vector<729x729xf32>, vector<729x3xf32>, vector<729x3xf32> -> vector<729x3xf32>
    %get3A_25 = arith.constant 0 : index
    %get3A_26 = arith.constant 0 : index
    %get3A_27 = vector.load %arg5[%get3A_25, %get3A_26] : memref<1x64xf32, #tpu.memory_space<vmem>>, vector<1x64xf32>
    %broadcast_in_dim3A = arith.constant 0.000000e+00 : f32
    %broadcast_in_dim3A_28 = vector.broadcast %broadcast_in_dim3A : f32 to vector<96x3xf32>
    %concatenate3A = tpu.concatenate %broadcast_in_dim3A_28, %dot_general3A_24, %broadcast_in_dim3A_28 in 0 : vector<96x3xf32>, vector<729x3xf32>, vector<96x3xf32> -> vector<921x3xf32>
    %iota3A_29 = tpu.iota {dimensions = array<i32: 0>} : vector<729x1xi32>
    %jit3A = arith.constant 81 : i32
    %div3A_30 = vector.broadcast %jit3A : i32 to vector<729x1xi32>
    %div3A_31 = arith.divsi %iota3A_29, %div3A_30 : vector<729x1xi32>
    %sign3A = arith.constant 0 : i32
    %sign3A_32 = vector.broadcast %sign3A : i32 to vector<729x1xi32>
    %sign3A_33 = arith.cmpi sgt, %iota3A_29, %sign3A_32 : vector<729x1xi32>
    %sign3A_34 = arith.extui %sign3A_33 : vector<729x1xi1> to vector<729x1xi32>
    %sign3A_35 = arith.constant 0 : i32
    %sign3A_36 = vector.broadcast %sign3A_35 : i32 to vector<729x1xi32>
    %sign3A_37 = arith.cmpi slt, %iota3A_29, %sign3A_36 : vector<729x1xi32>
    %sign3A_38 = arith.extui %sign3A_37 : vector<729x1xi1> to vector<729x1xi32>
    %sign3A_39 = arith.subi %sign3A_34, %sign3A_38 : vector<729x1xi32>
    %sign3A_40 = arith.constant 0 : i32
    %sign3A_41 = arith.cmpi sgt, %jit3A, %sign3A_40 : i32
    %sign3A_42 = arith.extui %sign3A_41 : i1 to i32
    %sign3A_43 = arith.constant 0 : i32
    %sign3A_44 = arith.cmpi slt, %jit3A, %sign3A_43 : i32
    %sign3A_45 = arith.extui %sign3A_44 : i1 to i32
    %sign3A_46 = arith.subi %sign3A_42, %sign3A_45 : i32
    %ne3A = vector.broadcast %sign3A_46 : i32 to vector<729x1xi32>
    %ne3A_47 = arith.cmpi ne, %sign3A_39, %ne3A : vector<729x1xi32>
    %rem3A = vector.broadcast %jit3A : i32 to vector<729x1xi32>
    %rem3A_48 = arith.remsi %iota3A_29, %rem3A : vector<729x1xi32>
    %ne3A_49 = arith.constant 0 : i32
    %ne3A_50 = vector.broadcast %ne3A_49 : i32 to vector<729x1xi32>
    %ne3A_51 = arith.cmpi ne, %rem3A_48, %ne3A_50 : vector<729x1xi32>
    %and3A = arith.andi %ne3A_47, %ne3A_51 : vector<729x1xi1>
    %sub3A = arith.constant 1 : i32
    %sub3A_52 = vector.broadcast %sub3A : i32 to vector<729x1xi32>
    %sub3A_53 = arith.subi %div3A_31, %sub3A_52 : vector<729x1xi32>
    %select_n3A = arith.select %and3A, %sub3A_53, %div3A_31 : vector<729x1xi1>, vector<729x1xi32>
    %jit3A_54 = arith.constant 9 : i32
    %div3A_55 = vector.broadcast %jit3A_54 : i32 to vector<729x1xi32>
    %div3A_56 = arith.divsi %iota3A_29, %div3A_55 : vector<729x1xi32>
    %sign3A_57 = arith.constant 0 : i32
    %sign3A_58 = vector.broadcast %sign3A_57 : i32 to vector<729x1xi32>
    %sign3A_59 = arith.cmpi sgt, %iota3A_29, %sign3A_58 : vector<729x1xi32>
    %sign3A_60 = arith.extui %sign3A_59 : vector<729x1xi1> to vector<729x1xi32>
    %sign3A_61 = arith.constant 0 : i32
    %sign3A_62 = vector.broadcast %sign3A_61 : i32 to vector<729x1xi32>
    %sign3A_63 = arith.cmpi slt, %iota3A_29, %sign3A_62 : vector<729x1xi32>
    %sign3A_64 = arith.extui %sign3A_63 : vector<729x1xi1> to vector<729x1xi32>
    %sign3A_65 = arith.subi %sign3A_60, %sign3A_64 : vector<729x1xi32>
    %sign3A_66 = arith.constant 0 : i32
    %sign3A_67 = arith.cmpi sgt, %jit3A_54, %sign3A_66 : i32
    %sign3A_68 = arith.extui %sign3A_67 : i1 to i32
    %sign3A_69 = arith.constant 0 : i32
    %sign3A_70 = arith.cmpi slt, %jit3A_54, %sign3A_69 : i32
    %sign3A_71 = arith.extui %sign3A_70 : i1 to i32
    %sign3A_72 = arith.subi %sign3A_68, %sign3A_71 : i32
    %ne3A_73 = vector.broadcast %sign3A_72 : i32 to vector<729x1xi32>
    %ne3A_74 = arith.cmpi ne, %sign3A_65, %ne3A_73 : vector<729x1xi32>
    %rem3A_75 = vector.broadcast %jit3A_54 : i32 to vector<729x1xi32>
    %rem3A_76 = arith.remsi %iota3A_29, %rem3A_75 : vector<729x1xi32>
    %ne3A_77 = arith.constant 0 : i32
    %ne3A_78 = vector.broadcast %ne3A_77 : i32 to vector<729x1xi32>
    %ne3A_79 = arith.cmpi ne, %rem3A_76, %ne3A_78 : vector<729x1xi32>
    %and3A_80 = arith.andi %ne3A_74, %ne3A_79 : vector<729x1xi1>
    %sub3A_81 = arith.constant 1 : i32
    %sub3A_82 = vector.broadcast %sub3A_81 : i32 to vector<729x1xi32>
    %sub3A_83 = arith.subi %div3A_56, %sub3A_82 : vector<729x1xi32>
    %select_n3A_84 = arith.select %and3A_80, %sub3A_83, %div3A_56 : vector<729x1xi1>, vector<729x1xi32>
    %jit3A_85 = arith.constant 9 : i32
    %eq3A_86 = arith.constant 0 : i32
    %eq3A_87 = arith.cmpi eq, %jit3A_85, %eq3A_86 : i32
    %jit3A_88 = arith.constant 1 : i32
    %select_n3A_89 = arith.select %eq3A_87, %jit3A_88, %jit3A_85 : i32
    %rem3A_90 = vector.broadcast %select_n3A_89 : i32 to vector<729x1xi32>
    %rem3A_91 = arith.remsi %select_n3A_84, %rem3A_90 : vector<729x1xi32>
    %ne3A_92 = arith.constant 0 : i32
    %ne3A_93 = vector.broadcast %ne3A_92 : i32 to vector<729x1xi32>
    %ne3A_94 = arith.cmpi ne, %rem3A_91, %ne3A_93 : vector<729x1xi32>
    %lt3A_95 = arith.constant 0 : i32
    %lt3A_96 = vector.broadcast %lt3A_95 : i32 to vector<729x1xi32>
    %lt3A_97 = arith.cmpi slt, %rem3A_91, %lt3A_96 : vector<729x1xi32>
    %lt3A_98 = arith.constant 0 : i32
    %lt3A_99 = arith.cmpi slt, %select_n3A_89, %lt3A_98 : i32
    %ne3A_100 = vector.broadcast %lt3A_99 : i1 to vector<729x1xi1>
    %ne3A_101 = vector.broadcast %ne3A_100 : vector<729x1xi1> to vector<729x1xi1>
    %ne3A_102 = arith.xori %lt3A_97, %ne3A_101 : vector<729x1xi1>
    %and3A_103 = arith.andi %ne3A_102, %ne3A_94 : vector<729x1xi1>
    %add3A = vector.broadcast %select_n3A_89 : i32 to vector<729x1xi32>
    %add3A_104 = arith.addi %rem3A_91, %add3A : vector<729x1xi32>
    %select_n3A_105 = arith.select %and3A_103, %add3A_104, %rem3A_91 : vector<729x1xi1>, vector<729x1xi32>
    %jit3A_106 = arith.constant 9 : i32
    %eq3A_107 = arith.constant 0 : i32
    %eq3A_108 = arith.cmpi eq, %jit3A_106, %eq3A_107 : i32
    %jit3A_109 = arith.constant 1 : i32
    %select_n3A_110 = arith.select %eq3A_108, %jit3A_109, %jit3A_106 : i32
    %rem3A_111 = vector.broadcast %select_n3A_110 : i32 to vector<729x1xi32>
    %rem3A_112 = arith.remsi %iota3A_29, %rem3A_111 : vector<729x1xi32>
    %ne3A_113 = arith.constant 0 : i32
    %ne3A_114 = vector.broadcast %ne3A_113 : i32 to vector<729x1xi32>
    %ne3A_115 = arith.cmpi ne, %rem3A_112, %ne3A_114 : vector<729x1xi32>
    %lt3A_116 = arith.constant 0 : i32
    %lt3A_117 = vector.broadcast %lt3A_116 : i32 to vector<729x1xi32>
    %lt3A_118 = arith.cmpi slt, %rem3A_112, %lt3A_117 : vector<729x1xi32>
    %lt3A_119 = arith.constant 0 : i32
    %lt3A_120 = arith.cmpi slt, %select_n3A_110, %lt3A_119 : i32
    %ne3A_121 = vector.broadcast %lt3A_120 : i1 to vector<729x1xi1>
    %ne3A_122 = vector.broadcast %ne3A_121 : vector<729x1xi1> to vector<729x1xi1>
    %ne3A_123 = arith.xori %lt3A_118, %ne3A_122 : vector<729x1xi1>
    %and3A_124 = arith.andi %ne3A_123, %ne3A_115 : vector<729x1xi1>
    %add3A_125 = vector.broadcast %select_n3A_110 : i32 to vector<729x1xi32>
    %add3A_126 = arith.addi %rem3A_112, %add3A_125 : vector<729x1xi32>
    %select_n3A_127 = arith.select %and3A_124, %add3A_126, %rem3A_112 : vector<729x1xi1>, vector<729x1xi32>
    %broadcast_in_dim3A_128 = arith.constant 0.000000e+00 : f32
    %broadcast_in_dim3A_129 = vector.broadcast %broadcast_in_dim3A_128 : f32 to vector<729x64xf32>
    %slice3A = vector.extract_strided_slice %concatenate3A {offsets = [5, 0], sizes = [729, 3], strides = [1, 1]} : vector<921x3xf32> to vector<729x3xf32>
    %add3A_130 = arith.constant -1 : i32
    %add3A_131 = vector.broadcast %add3A_130 : i32 to vector<729x1xi32>
    %add3A_132 = arith.addi %select_n3A, %add3A_131 : vector<729x1xi32>
    %ge3A = arith.constant 0 : i32
    %ge3A_133 = vector.broadcast %ge3A : i32 to vector<729x1xi32>
    %ge3A_134 = arith.cmpi sge, %add3A_132, %ge3A_133 : vector<729x1xi32>
    %add3A_135 = arith.constant -1 : i32
    %add3A_136 = vector.broadcast %add3A_135 : i32 to vector<729x1xi32>
    %add3A_137 = arith.addi %select_n3A, %add3A_136 : vector<729x1xi32>
    %lt3A_138 = arith.constant 9 : i32
    %lt3A_139 = vector.broadcast %lt3A_138 : i32 to vector<729x1xi32>
    %lt3A_140 = arith.cmpi slt, %add3A_137, %lt3A_139 : vector<729x1xi32>
    %and3A_141 = arith.andi %ge3A_134, %lt3A_140 : vector<729x1xi1>
    %add3A_142 = arith.constant -1 : i32
    %add3A_143 = vector.broadcast %add3A_142 : i32 to vector<729x1xi32>
    %add3A_144 = arith.addi %select_n3A_105, %add3A_143 : vector<729x1xi32>
    %ge3A_145 = arith.constant 0 : i32
    %ge3A_146 = vector.broadcast %ge3A_145 : i32 to vector<729x1xi32>
    %ge3A_147 = arith.cmpi sge, %add3A_144, %ge3A_146 : vector<729x1xi32>
    %add3A_148 = arith.constant -1 : i32
    %add3A_149 = vector.broadcast %add3A_148 : i32 to vector<729x1xi32>
    %add3A_150 = arith.addi %select_n3A_105, %add3A_149 : vector<729x1xi32>
    %lt3A_151 = arith.constant 9 : i32
    %lt3A_152 = vector.broadcast %lt3A_151 : i32 to vector<729x1xi32>
    %lt3A_153 = arith.cmpi slt, %add3A_150, %lt3A_152 : vector<729x1xi32>
    %and3A_154 = arith.andi %ge3A_147, %lt3A_153 : vector<729x1xi1>
    %add3A_155 = arith.constant -1 : i32
    %add3A_156 = vector.broadcast %add3A_155 : i32 to vector<729x1xi32>
    %add3A_157 = arith.addi %select_n3A_127, %add3A_156 : vector<729x1xi32>
    %ge3A_158 = arith.constant 0 : i32
    %ge3A_159 = vector.broadcast %ge3A_158 : i32 to vector<729x1xi32>
    %ge3A_160 = arith.cmpi sge, %add3A_157, %ge3A_159 : vector<729x1xi32>
    %add3A_161 = arith.constant -1 : i32
    %add3A_162 = vector.broadcast %add3A_161 : i32 to vector<729x1xi32>
    %add3A_163 = arith.addi %select_n3A_127, %add3A_162 : vector<729x1xi32>
    %lt3A_164 = arith.constant 9 : i32
    %lt3A_165 = vector.broadcast %lt3A_164 : i32 to vector<729x1xi32>
    %lt3A_166 = arith.cmpi slt, %add3A_163, %lt3A_165 : vector<729x1xi32>
    %and3A_167 = arith.andi %ge3A_160, %lt3A_166 : vector<729x1xi1>
    %and3A_168 = arith.andi %and3A_154, %and3A_167 : vector<729x1xi1>
    %and3A_169 = arith.andi %and3A_141, %and3A_168 : vector<729x1xi1>
    %jit3A_170 = arith.constant 0.000000e+00 : f32
    %broadcast_in_dim3A_171 = vector.shape_cast %and3A_169 : vector<729x1xi1> to vector<729x1xi1>
    %broadcast_in_dim3A_172 = vector.broadcast %broadcast_in_dim3A_171 : vector<729x1xi1> to vector<729x3xi1>
    %broadcast_in_dim3A_173 = vector.broadcast %jit3A_170 : f32 to vector<729x3xf32>
    %select_n3A_174 = arith.select %broadcast_in_dim3A_172, %slice3A, %broadcast_in_dim3A_173 : vector<729x3xi1>, vector<729x3xf32>
    %get3A_175 = arith.constant 0 : index
    %get3A_176 = arith.constant 0 : index
    %get3A_177 = arith.constant 0 : index
    %get3A_178 = vector.load %arg4[%get3A_175, %get3A_176, %get3A_177] : memref<27x3x64xf32, #tpu.memory_space<vmem>>, vector<1x3x64xf32>
    %get3A_179 = vector.shape_cast %get3A_178 : vector<1x3x64xf32> to vector<3x64xf32>
    %dot_general3A_180 = arith.constant dense<0.000000e+00> : vector<729x64xf32>
    %dot_general3A_181 = tpu.matmul %select_n3A_174, %get3A_179, %dot_general3A_180 {dimension_numbers = #tpu.dot_dimension_numbers<[1], [0], [0], [1], [0, 0, 1, 1], [], []>, transpose_lhs_hint = false} : vector<729x3xf32>, vector<3x64xf32>, vector<729x64xf32> -> vector<729x64xf32>
    %add3A_182 = arith.addf %broadcast_in_dim3A_129, %dot_general3A_181 : vector<729x64xf32>
    %slice3A_183 = vector.extract_strided_slice %concatenate3A {offsets = [6, 0], sizes = [729, 3], strides = [1, 1]} : vector<921x3xf32> to vector<729x3xf32>
    %add3A_184 = arith.constant -1 : i32
    %add3A_185 = vector.broadcast %add3A_184 : i32 to vector<729x1xi32>
    %add3A_186 = arith.addi %select_n3A, %add3A_185 : vector<729x1xi32>
    %ge3A_187 = arith.constant 0 : i32
    %ge3A_188 = vector.broadcast %ge3A_187 : i32 to vector<729x1xi32>
    %ge3A_189 = arith.cmpi sge, %add3A_186, %ge3A_188 : vector<729x1xi32>
    %add3A_190 = arith.constant -1 : i32
    %add3A_191 = vector.broadcast %add3A_190 : i32 to vector<729x1xi32>
    %add3A_192 = arith.addi %select_n3A, %add3A_191 : vector<729x1xi32>
    %lt3A_193 = arith.constant 9 : i32
    %lt3A_194 = vector.broadcast %lt3A_193 : i32 to vector<729x1xi32>
    %lt3A_195 = arith.cmpi slt, %add3A_192, %lt3A_194 : vector<729x1xi32>
    %and3A_196 = arith.andi %ge3A_189, %lt3A_195 : vector<729x1xi1>
    %add3A_197 = arith.constant -1 : i32
    %add3A_198 = vector.broadcast %add3A_197 : i32 to vector<729x1xi32>
    %add3A_199 = arith.addi %select_n3A_105, %add3A_198 : vector<729x1xi32>
    %ge3A_200 = arith.constant 0 : i32
    %ge3A_201 = vector.broadcast %ge3A_200 : i32 to vector<729x1xi32>
    %ge3A_202 = arith.cmpi sge, %add3A_199, %ge3A_201 : vector<729x1xi32>
    %add3A_203 = arith.constant -1 : i32
    %add3A_204 = vector.broadcast %add3A_203 : i32 to vector<729x1xi32>
    %add3A_205 = arith.addi %select_n3A_105, %add3A_204 : vector<729x1xi32>
    %lt3A_206 = arith.constant 9 : i32
    %lt3A_207 = vector.broadcast %lt3A_206 : i32 to vector<729x1xi32>
    %lt3A_208 = arith.cmpi slt, %add3A_205, %lt3A_207 : vector<729x1xi32>
    %and3A_209 = arith.andi %ge3A_202, %lt3A_208 : vector<729x1xi1>
    %add3A_210 = arith.constant 0 : i32
    %add3A_211 = vector.broadcast %add3A_210 : i32 to vector<729x1xi32>
    %add3A_212 = arith.addi %select_n3A_127, %add3A_211 : vector<729x1xi32>
    %ge3A_213 = arith.constant 0 : i32
    %ge3A_214 = vector.broadcast %ge3A_213 : i32 to vector<729x1xi32>
    %ge3A_215 = arith.cmpi sge, %add3A_212, %ge3A_214 : vector<729x1xi32>
    %add3A_216 = arith.constant 0 : i32
    %add3A_217 = vector.broadcast %add3A_216 : i32 to vector<729x1xi32>
    %add3A_218 = arith.addi %select_n3A_127, %add3A_217 : vector<729x1xi32>
    %lt3A_219 = arith.constant 9 : i32
    %lt3A_220 = vector.broadcast %lt3A_219 : i32 to vector<729x1xi32>
    %lt3A_221 = arith.cmpi slt, %add3A_218, %lt3A_220 : vector<729x1xi32>
    %and3A_222 = arith.andi %ge3A_215, %lt3A_221 : vector<729x1xi1>
    %and3A_223 = arith.andi %and3A_209, %and3A_222 : vector<729x1xi1>
    %and3A_224 = arith.andi %and3A_196, %and3A_223 : vector<729x1xi1>
    %jit3A_225 = arith.constant 0.000000e+00 : f32
    %broadcast_in_dim3A_226 = vector.shape_cast %and3A_224 : vector<729x1xi1> to vector<729x1xi1>
    %broadcast_in_dim3A_227 = vector.broadcast %broadcast_in_dim3A_226 : vector<729x1xi1> to vector<729x3xi1>
    %broadcast_in_dim3A_228 = vector.broadcast %jit3A_225 : f32 to vector<729x3xf32>
    %select_n3A_229 = arith.select %broadcast_in_dim3A_227, %slice3A_183, %broadcast_in_dim3A_228 : vector<729x3xi1>, vector<729x3xf32>
    %get3A_230 = arith.constant 1 : index
    %get3A_231 = arith.constant 0 : index
    %get3A_232 = arith.constant 0 : index
    %get3A_233 = vector.load %arg4[%get3A_230, %get3A_231, %get3A_232] : memref<27x3x64xf32, #tpu.memory_space<vmem>>, vector<1x3x64xf32>
    %get3A_234 = vector.shape_cast %get3A_233 : vector<1x3x64xf32> to vector<3x64xf32>
    %dot_general3A_235 = arith.constant dense<0.000000e+00> : vector<729x64xf32>
    %dot_general3A_236 = tpu.matmul %select_n3A_229, %get3A_234, %dot_general3A_235 {dimension_numbers = #tpu.dot_dimension_numbers<[1], [0], [0], [1], [0, 0, 1, 1], [], []>, transpose_lhs_hint = false} : vector<729x3xf32>, vector<3x64xf32>, vector<729x64xf32> -> vector<729x64xf32>
    %add3A_237 = arith.addf %add3A_182, %dot_general3A_236 : vector<729x64xf32>
    %slice3A_238 = vector.extract_strided_slice %concatenate3A {offsets = [7, 0], sizes = [729, 3], strides = [1, 1]} : vector<921x3xf32> to vector<729x3xf32>
    %add3A_239 = arith.constant -1 : i32
    %add3A_240 = vector.broadcast %add3A_239 : i32 to vector<729x1xi32>
    %add3A_241 = arith.addi %select_n3A, %add3A_240 : vector<729x1xi32>
    %ge3A_242 = arith.constant 0 : i32
    %ge3A_243 = vector.broadcast %ge3A_242 : i32 to vector<729x1xi32>
    %ge3A_244 = arith.cmpi sge, %add3A_241, %ge3A_243 : vector<729x1xi32>
    %add3A_245 = arith.constant -1 : i32
    %add3A_246 = vector.broadcast %add3A_245 : i32 to vector<729x1xi32>
    %add3A_247 = arith.addi %select_n3A, %add3A_246 : vector<729x1xi32>
    %lt3A_248 = arith.constant 9 : i32
    %lt3A_249 = vector.broadcast %lt3A_248 : i32 to vector<729x1xi32>
    %lt3A_250 = arith.cmpi slt, %add3A_247, %lt3A_249 : vector<729x1xi32>
    %and3A_251 = arith.andi %ge3A_244, %lt3A_250 : vector<729x1xi1>
    %add3A_252 = arith.constant -1 : i32
    %add3A_253 = vector.broadcast %add3A_252 : i32 to vector<729x1xi32>
    %add3A_254 = arith.addi %select_n3A_105, %add3A_253 : vector<729x1xi32>
    %ge3A_255 = arith.constant 0 : i32
    %ge3A_256 = vector.broadcast %ge3A_255 : i32 to vector<729x1xi32>
    %ge3A_257 = arith.cmpi sge, %add3A_254, %ge3A_256 : vector<729x1xi32>
    %add3A_258 = arith.constant -1 : i32
    %add3A_259 = vector.broadcast %add3A_258 : i32 to vector<729x1xi32>
    %add3A_260 = arith.addi %select_n3A_105, %add3A_259 : vector<729x1xi32>
    %lt3A_261 = arith.constant 9 : i32
    %lt3A_262 = vector.broadcast %lt3A_261 : i32 to vector<729x1xi32>
    %lt3A_263 = arith.cmpi slt, %add3A_260, %lt3A_262 : vector<729x1xi32>
    %and3A_264 = arith.andi %ge3A_257, %lt3A_263 : vector<729x1xi1>
    %add3A_265 = arith.constant 1 : i32
    %add3A_266 = vector.broadcast %add3A_265 : i32 to vector<729x1xi32>
    %add3A_267 = arith.addi %select_n3A_127, %add3A_266 : vector<729x1xi32>
    %ge3A_268 = arith.constant 0 : i32
    %ge3A_269 = vector.broadcast %ge3A_268 : i32 to vector<729x1xi32>
    %ge3A_270 = arith.cmpi sge, %add3A_267, %ge3A_269 : vector<729x1xi32>
    %add3A_271 = arith.constant 1 : i32
    %add3A_272 = vector.broadcast %add3A_271 : i32 to vector<729x1xi32>
    %add3A_273 = arith.addi %select_n3A_127, %add3A_272 : vector<729x1xi32>
    %lt3A_274 = arith.constant 9 : i32
    %lt3A_275 = vector.broadcast %lt3A_274 : i32 to vector<729x1xi32>
    %lt3A_276 = arith.cmpi slt, %add3A_273, %lt3A_275 : vector<729x1xi32>
    %and3A_277 = arith.andi %ge3A_270, %lt3A_276 : vector<729x1xi1>
    %and3A_278 = arith.andi %and3A_264, %and3A_277 : vector<729x1xi1>
    %and3A_279 = arith.andi %and3A_251, %and3A_278 : vector<729x1xi1>
    %jit3A_280 = arith.constant 0.000000e+00 : f32
    %broadcast_in_dim3A_281 = vector.shape_cast %and3A_279 : vector<729x1xi1> to vector<729x1xi1>
    %broadcast_in_dim3A_282 = vector.broadcast %broadcast_in_dim3A_281 : vector<729x1xi1> to vector<729x3xi1>
    %broadcast_in_dim3A_283 = vector.broadcast %jit3A_280 : f32 to vector<729x3xf32>
    %select_n3A_284 = arith.select %broadcast_in_dim3A_282, %slice3A_238, %broadcast_in_dim3A_283 : vector<729x3xi1>, vector<729x3xf32>
    %get3A_285 = arith.constant 2 : index
    %get3A_286 = arith.constant 0 : index
    %get3A_287 = arith.constant 0 : index
    %get3A_288 = vector.load %arg4[%get3A_285, %get3A_286, %get3A_287] : memref<27x3x64xf32, #tpu.memory_space<vmem>>, vector<1x3x64xf32>
    %get3A_289 = vector.shape_cast %get3A_288 : vector<1x3x64xf32> to vector<3x64xf32>
    %dot_general3A_290 = arith.constant dense<0.000000e+00> : vector<729x64xf32>
    %dot_general3A_291 = tpu.matmul %select_n3A_284, %get3A_289, %dot_general3A_290 {dimension_numbers = #tpu.dot_dimension_numbers<[1], [0], [0], [1], [0, 0, 1, 1], [], []>, transpose_lhs_hint = false} : vector<729x3xf32>, vector<3x64xf32>, vector<729x64xf32> -> vector<729x64xf32>
    %add3A_292 = arith.addf %add3A_237, %dot_general3A_291 : vector<729x64xf32>
    %slice3A_293 = vector.extract_strided_slice %concatenate3A {offsets = [14, 0], sizes = [729, 3], strides = [1, 1]} : vector<921x3xf32> to vector<729x3xf32>
    %add3A_294 = arith.constant -1 : i32
    %add3A_295 = vector.broadcast %add3A_294 : i32 to vector<729x1xi32>
    %add3A_296 = arith.addi %select_n3A, %add3A_295 : vector<729x1xi32>
    %ge3A_297 = arith.constant 0 : i32
    %ge3A_298 = vector.broadcast %ge3A_297 : i32 to vector<729x1xi32>
    %ge3A_299 = arith.cmpi sge, %add3A_296, %ge3A_298 : vector<729x1xi32>
    %add3A_300 = arith.constant -1 : i32
    %add3A_301 = vector.broadcast %add3A_300 : i32 to vector<729x1xi32>
    %add3A_302 = arith.addi %select_n3A, %add3A_301 : vector<729x1xi32>
    %lt3A_303 = arith.constant 9 : i32
    %lt3A_304 = vector.broadcast %lt3A_303 : i32 to vector<729x1xi32>
    %lt3A_305 = arith.cmpi slt, %add3A_302, %lt3A_304 : vector<729x1xi32>
    %and3A_306 = arith.andi %ge3A_299, %lt3A_305 : vector<729x1xi1>
    %add3A_307 = arith.constant 0 : i32
    %add3A_308 = vector.broadcast %add3A_307 : i32 to vector<729x1xi32>
    %add3A_309 = arith.addi %select_n3A_105, %add3A_308 : vector<729x1xi32>
    %ge3A_310 = arith.constant 0 : i32
    %ge3A_311 = vector.broadcast %ge3A_310 : i32 to vector<729x1xi32>
    %ge3A_312 = arith.cmpi sge, %add3A_309, %ge3A_311 : vector<729x1xi32>
    %add3A_313 = arith.constant 0 : i32
    %add3A_314 = vector.broadcast %add3A_313 : i32 to vector<729x1xi32>
    %add3A_315 = arith.addi %select_n3A_105, %add3A_314 : vector<729x1xi32>
    %lt3A_316 = arith.constant 9 : i32
    %lt3A_317 = vector.broadcast %lt3A_316 : i32 to vector<729x1xi32>
    %lt3A_318 = arith.cmpi slt, %add3A_315, %lt3A_317 : vector<729x1xi32>
    %and3A_319 = arith.andi %ge3A_312, %lt3A_318 : vector<729x1xi1>
    %add3A_320 = arith.constant -1 : i32
    %add3A_321 = vector.broadcast %add3A_320 : i32 to vector<729x1xi32>
    %add3A_322 = arith.addi %select_n3A_127, %add3A_321 : vector<729x1xi32>
    %ge3A_323 = arith.constant 0 : i32
    %ge3A_324 = vector.broadcast %ge3A_323 : i32 to vector<729x1xi32>
    %ge3A_325 = arith.cmpi sge, %add3A_322, %ge3A_324 : vector<729x1xi32>
    %add3A_326 = arith.constant -1 : i32
    %add3A_327 = vector.broadcast %add3A_326 : i32 to vector<729x1xi32>
    %add3A_328 = arith.addi %select_n3A_127, %add3A_327 : vector<729x1xi32>
    %lt3A_329 = arith.constant 9 : i32
    %lt3A_330 = vector.broadcast %lt3A_329 : i32 to vector<729x1xi32>
    %lt3A_331 = arith.cmpi slt, %add3A_328, %lt3A_330 : vector<729x1xi32>
    %and3A_332 = arith.andi %ge3A_325, %lt3A_331 : vector<729x1xi1>
    %and3A_333 = arith.andi %and3A_319, %and3A_332 : vector<729x1xi1>
    %and3A_334 = arith.andi %and3A_306, %and3A_333 : vector<729x1xi1>
    %jit3A_335 = arith.constant 0.000000e+00 : f32
    %broadcast_in_dim3A_336 = vector.shape_cast %and3A_334 : vector<729x1xi1> to vector<729x1xi1>
    %broadcast_in_dim3A_337 = vector.broadcast %broadcast_in_dim3A_336 : vector<729x1xi1> to vector<729x3xi1>
    %broadcast_in_dim3A_338 = vector.broadcast %jit3A_335 : f32 to vector<729x3xf32>
    %select_n3A_339 = arith.select %broadcast_in_dim3A_337, %slice3A_293, %broadcast_in_dim3A_338 : vector<729x3xi1>, vector<729x3xf32>
    %get3A_340 = arith.constant 3 : index
    %get3A_341 = arith.constant 0 : index
    %get3A_342 = arith.constant 0 : index
    %get3A_343 = vector.load %arg4[%get3A_340, %get3A_341, %get3A_342] : memref<27x3x64xf32, #tpu.memory_space<vmem>>, vector<1x3x64xf32>
    %get3A_344 = vector.shape_cast %get3A_343 : vector<1x3x64xf32> to vector<3x64xf32>
    %dot_general3A_345 = arith.constant dense<0.000000e+00> : vector<729x64xf32>
    %dot_general3A_346 = tpu.matmul %select_n3A_339, %get3A_344, %dot_general3A_345 {dimension_numbers = #tpu.dot_dimension_numbers<[1], [0], [0], [1], [0, 0, 1, 1], [], []>, transpose_lhs_hint = false} : vector<729x3xf32>, vector<3x64xf32>, vector<729x64xf32> -> vector<729x64xf32>
    %add3A_347 = arith.addf %add3A_292, %dot_general3A_346 : vector<729x64xf32>
    %slice3A_348 = vector.extract_strided_slice %concatenate3A {offsets = [15, 0], sizes = [729, 3], strides = [1, 1]} : vector<921x3xf32> to vector<729x3xf32>
    %add3A_349 = arith.constant -1 : i32
    %add3A_350 = vector.broadcast %add3A_349 : i32 to vector<729x1xi32>
    %add3A_351 = arith.addi %select_n3A, %add3A_350 : vector<729x1xi32>
    %ge3A_352 = arith.constant 0 : i32
    %ge3A_353 = vector.broadcast %ge3A_352 : i32 to vector<729x1xi32>
    %ge3A_354 = arith.cmpi sge, %add3A_351, %ge3A_353 : vector<729x1xi32>
    %add3A_355 = arith.constant -1 : i32
    %add3A_356 = vector.broadcast %add3A_355 : i32 to vector<729x1xi32>
    %add3A_357 = arith.addi %select_n3A, %add3A_356 : vector<729x1xi32>
    %lt3A_358 = arith.constant 9 : i32
    %lt3A_359 = vector.broadcast %lt3A_358 : i32 to vector<729x1xi32>
    %lt3A_360 = arith.cmpi slt, %add3A_357, %lt3A_359 : vector<729x1xi32>
    %and3A_361 = arith.andi %ge3A_354, %lt3A_360 : vector<729x1xi1>
    %add3A_362 = arith.constant 0 : i32
    %add3A_363 = vector.broadcast %add3A_362 : i32 to vector<729x1xi32>
    %add3A_364 = arith.addi %select_n3A_105, %add3A_363 : vector<729x1xi32>
    %ge3A_365 = arith.constant 0 : i32
    %ge3A_366 = vector.broadcast %ge3A_365 : i32 to vector<729x1xi32>
    %ge3A_367 = arith.cmpi sge, %add3A_364, %ge3A_366 : vector<729x1xi32>
    %add3A_368 = arith.constant 0 : i32
    %add3A_369 = vector.broadcast %add3A_368 : i32 to vector<729x1xi32>
    %add3A_370 = arith.addi %select_n3A_105, %add3A_369 : vector<729x1xi32>
    %lt3A_371 = arith.constant 9 : i32
    %lt3A_372 = vector.broadcast %lt3A_371 : i32 to vector<729x1xi32>
    %lt3A_373 = arith.cmpi slt, %add3A_370, %lt3A_372 : vector<729x1xi32>
    %and3A_374 = arith.andi %ge3A_367, %lt3A_373 : vector<729x1xi1>
    %add3A_375 = arith.constant 0 : i32
    %add3A_376 = vector.broadcast %add3A_375 : i32 to vector<729x1xi32>
    %add3A_377 = arith.addi %select_n3A_127, %add3A_376 : vector<729x1xi32>
    %ge3A_378 = arith.constant 0 : i32
    %ge3A_379 = vector.broadcast %ge3A_378 : i32 to vector<729x1xi32>
    %ge3A_380 = arith.cmpi sge, %add3A_377, %ge3A_379 : vector<729x1xi32>
    %add3A_381 = arith.constant 0 : i32
    %add3A_382 = vector.broadcast %add3A_381 : i32 to vector<729x1xi32>
    %add3A_383 = arith.addi %select_n3A_127, %add3A_382 : vector<729x1xi32>
    %lt3A_384 = arith.constant 9 : i32
    %lt3A_385 = vector.broadcast %lt3A_384 : i32 to vector<729x1xi32>
    %lt3A_386 = arith.cmpi slt, %add3A_383, %lt3A_385 : vector<729x1xi32>
    %and3A_387 = arith.andi %ge3A_380, %lt3A_386 : vector<729x1xi1>
    %and3A_388 = arith.andi %and3A_374, %and3A_387 : vector<729x1xi1>
    %and3A_389 = arith.andi %and3A_361, %and3A_388 : vector<729x1xi1>
    %jit3A_390 = arith.constant 0.000000e+00 : f32
    %broadcast_in_dim3A_391 = vector.shape_cast %and3A_389 : vector<729x1xi1> to vector<729x1xi1>
    %broadcast_in_dim3A_392 = vector.broadcast %broadcast_in_dim3A_391 : vector<729x1xi1> to vector<729x3xi1>
    %broadcast_in_dim3A_393 = vector.broadcast %jit3A_390 : f32 to vector<729x3xf32>
    %select_n3A_394 = arith.select %broadcast_in_dim3A_392, %slice3A_348, %broadcast_in_dim3A_393 : vector<729x3xi1>, vector<729x3xf32>
    %get3A_395 = arith.constant 4 : index
    %get3A_396 = arith.constant 0 : index
    %get3A_397 = arith.constant 0 : index
    %get3A_398 = vector.load %arg4[%get3A_395, %get3A_396, %get3A_397] : memref<27x3x64xf32, #tpu.memory_space<vmem>>, vector<1x3x64xf32>
    %get3A_399 = vector.shape_cast %get3A_398 : vector<1x3x64xf32> to vector<3x64xf32>
    %dot_general3A_400 = arith.constant dense<0.000000e+00> : vector<729x64xf32>
    %dot_general3A_401 = tpu.matmul %select_n3A_394, %get3A_399, %dot_general3A_400 {dimension_numbers = #tpu.dot_dimension_numbers<[1], [0], [0], [1], [0, 0, 1, 1], [], []>, transpose_lhs_hint = false} : vector<729x3xf32>, vector<3x64xf32>, vector<729x64xf32> -> vector<729x64xf32>
    %add3A_402 = arith.addf %add3A_347, %dot_general3A_401 : vector<729x64xf32>
    %slice3A_403 = vector.extract_strided_slice %concatenate3A {offsets = [16, 0], sizes = [729, 3], strides = [1, 1]} : vector<921x3xf32> to vector<729x3xf32>
    %add3A_404 = arith.constant -1 : i32
    %add3A_405 = vector.broadcast %add3A_404 : i32 to vector<729x1xi32>
    %add3A_406 = arith.addi %select_n3A, %add3A_405 : vector<729x1xi32>
    %ge3A_407 = arith.constant 0 : i32
    %ge3A_408 = vector.broadcast %ge3A_407 : i32 to vector<729x1xi32>
    %ge3A_409 = arith.cmpi sge, %add3A_406, %ge3A_408 : vector<729x1xi32>
    %add3A_410 = arith.constant -1 : i32
    %add3A_411 = vector.broadcast %add3A_410 : i32 to vector<729x1xi32>
    %add3A_412 = arith.addi %select_n3A, %add3A_411 : vector<729x1xi32>
    %lt3A_413 = arith.constant 9 : i32
    %lt3A_414 = vector.broadcast %lt3A_413 : i32 to vector<729x1xi32>
    %lt3A_415 = arith.cmpi slt, %add3A_412, %lt3A_414 : vector<729x1xi32>
    %and3A_416 = arith.andi %ge3A_409, %lt3A_415 : vector<729x1xi1>
    %add3A_417 = arith.constant 0 : i32
    %add3A_418 = vector.broadcast %add3A_417 : i32 to vector<729x1xi32>
    %add3A_419 = arith.addi %select_n3A_105, %add3A_418 : vector<729x1xi32>
    %ge3A_420 = arith.constant 0 : i32
    %ge3A_421 = vector.broadcast %ge3A_420 : i32 to vector<729x1xi32>
    %ge3A_422 = arith.cmpi sge, %add3A_419, %ge3A_421 : vector<729x1xi32>
    %add3A_423 = arith.constant 0 : i32
    %add3A_424 = vector.broadcast %add3A_423 : i32 to vector<729x1xi32>
    %add3A_425 = arith.addi %select_n3A_105, %add3A_424 : vector<729x1xi32>
    %lt3A_426 = arith.constant 9 : i32
    %lt3A_427 = vector.broadcast %lt3A_426 : i32 to vector<729x1xi32>
    %lt3A_428 = arith.cmpi slt, %add3A_425, %lt3A_427 : vector<729x1xi32>
    %and3A_429 = arith.andi %ge3A_422, %lt3A_428 : vector<729x1xi1>
    %add3A_430 = arith.constant 1 : i32
    %add3A_431 = vector.broadcast %add3A_430 : i32 to vector<729x1xi32>
    %add3A_432 = arith.addi %select_n3A_127, %add3A_431 : vector<729x1xi32>
    %ge3A_433 = arith.constant 0 : i32
    %ge3A_434 = vector.broadcast %ge3A_433 : i32 to vector<729x1xi32>
    %ge3A_435 = arith.cmpi sge, %add3A_432, %ge3A_434 : vector<729x1xi32>
    %add3A_436 = arith.constant 1 : i32
    %add3A_437 = vector.broadcast %add3A_436 : i32 to vector<729x1xi32>
    %add3A_438 = arith.addi %select_n3A_127, %add3A_437 : vector<729x1xi32>
    %lt3A_439 = arith.constant 9 : i32
    %lt3A_440 = vector.broadcast %lt3A_439 : i32 to vector<729x1xi32>
    %lt3A_441 = arith.cmpi slt, %add3A_438, %lt3A_440 : vector<729x1xi32>
    %and3A_442 = arith.andi %ge3A_435, %lt3A_441 : vector<729x1xi1>
    %and3A_443 = arith.andi %and3A_429, %and3A_442 : vector<729x1xi1>
    %and3A_444 = arith.andi %and3A_416, %and3A_443 : vector<729x1xi1>
    %jit3A_445 = arith.constant 0.000000e+00 : f32
    %broadcast_in_dim3A_446 = vector.shape_cast %and3A_444 : vector<729x1xi1> to vector<729x1xi1>
    %broadcast_in_dim3A_447 = vector.broadcast %broadcast_in_dim3A_446 : vector<729x1xi1> to vector<729x3xi1>
    %broadcast_in_dim3A_448 = vector.broadcast %jit3A_445 : f32 to vector<729x3xf32>
    %select_n3A_449 = arith.select %broadcast_in_dim3A_447, %slice3A_403, %broadcast_in_dim3A_448 : vector<729x3xi1>, vector<729x3xf32>
    %get3A_450 = arith.constant 5 : index
    %get3A_451 = arith.constant 0 : index
    %get3A_452 = arith.constant 0 : index
    %get3A_453 = vector.load %arg4[%get3A_450, %get3A_451, %get3A_452] : memref<27x3x64xf32, #tpu.memory_space<vmem>>, vector<1x3x64xf32>
    %get3A_454 = vector.shape_cast %get3A_453 : vector<1x3x64xf32> to vector<3x64xf32>
    %dot_general3A_455 = arith.constant dense<0.000000e+00> : vector<729x64xf32>
    %dot_general3A_456 = tpu.matmul %select_n3A_449, %get3A_454, %dot_general3A_455 {dimension_numbers = #tpu.dot_dimension_numbers<[1], [0], [0], [1], [0, 0, 1, 1], [], []>, transpose_lhs_hint = false} : vector<729x3xf32>, vector<3x64xf32>, vector<729x64xf32> -> vector<729x64xf32>
    %add3A_457 = arith.addf %add3A_402, %dot_general3A_456 : vector<729x64xf32>
    %slice3A_458 = vector.extract_strided_slice %concatenate3A {offsets = [23, 0], sizes = [729, 3], strides = [1, 1]} : vector<921x3xf32> to vector<729x3xf32>
    %add3A_459 = arith.constant -1 : i32
    %add3A_460 = vector.broadcast %add3A_459 : i32 to vector<729x1xi32>
    %add3A_461 = arith.addi %select_n3A, %add3A_460 : vector<729x1xi32>
    %ge3A_462 = arith.constant 0 : i32
    %ge3A_463 = vector.broadcast %ge3A_462 : i32 to vector<729x1xi32>
    %ge3A_464 = arith.cmpi sge, %add3A_461, %ge3A_463 : vector<729x1xi32>
    %add3A_465 = arith.constant -1 : i32
    %add3A_466 = vector.broadcast %add3A_465 : i32 to vector<729x1xi32>
    %add3A_467 = arith.addi %select_n3A, %add3A_466 : vector<729x1xi32>
    %lt3A_468 = arith.constant 9 : i32
    %lt3A_469 = vector.broadcast %lt3A_468 : i32 to vector<729x1xi32>
    %lt3A_470 = arith.cmpi slt, %add3A_467, %lt3A_469 : vector<729x1xi32>
    %and3A_471 = arith.andi %ge3A_464, %lt3A_470 : vector<729x1xi1>
    %add3A_472 = arith.constant 1 : i32
    %add3A_473 = vector.broadcast %add3A_472 : i32 to vector<729x1xi32>
    %add3A_474 = arith.addi %select_n3A_105, %add3A_473 : vector<729x1xi32>
    %ge3A_475 = arith.constant 0 : i32
    %ge3A_476 = vector.broadcast %ge3A_475 : i32 to vector<729x1xi32>
    %ge3A_477 = arith.cmpi sge, %add3A_474, %ge3A_476 : vector<729x1xi32>
    %add3A_478 = arith.constant 1 : i32
    %add3A_479 = vector.broadcast %add3A_478 : i32 to vector<729x1xi32>
    %add3A_480 = arith.addi %select_n3A_105, %add3A_479 : vector<729x1xi32>
    %lt3A_481 = arith.constant 9 : i32
    %lt3A_482 = vector.broadcast %lt3A_481 : i32 to vector<729x1xi32>
    %lt3A_483 = arith.cmpi slt, %add3A_480, %lt3A_482 : vector<729x1xi32>
    %and3A_484 = arith.andi %ge3A_477, %lt3A_483 : vector<729x1xi1>
    %add3A_485 = arith.constant -1 : i32
    %add3A_486 = vector.broadcast %add3A_485 : i32 to vector<729x1xi32>
    %add3A_487 = arith.addi %select_n3A_127, %add3A_486 : vector<729x1xi32>
    %ge3A_488 = arith.constant 0 : i32
    %ge3A_489 = vector.broadcast %ge3A_488 : i32 to vector<729x1xi32>
    %ge3A_490 = arith.cmpi sge, %add3A_487, %ge3A_489 : vector<729x1xi32>
    %add3A_491 = arith.constant -1 : i32
    %add3A_492 = vector.broadcast %add3A_491 : i32 to vector<729x1xi32>
    %add3A_493 = arith.addi %select_n3A_127, %add3A_492 : vector<729x1xi32>
    %lt3A_494 = arith.constant 9 : i32
    %lt3A_495 = vector.broadcast %lt3A_494 : i32 to vector<729x1xi32>
    %lt3A_496 = arith.cmpi slt, %add3A_493, %lt3A_495 : vector<729x1xi32>
    %and3A_497 = arith.andi %ge3A_490, %lt3A_496 : vector<729x1xi1>
    %and3A_498 = arith.andi %and3A_484, %and3A_497 : vector<729x1xi1>
    %and3A_499 = arith.andi %and3A_471, %and3A_498 : vector<729x1xi1>
    %jit3A_500 = arith.constant 0.000000e+00 : f32
    %broadcast_in_dim3A_501 = vector.shape_cast %and3A_499 : vector<729x1xi1> to vector<729x1xi1>
    %broadcast_in_dim3A_502 = vector.broadcast %broadcast_in_dim3A_501 : vector<729x1xi1> to vector<729x3xi1>
    %broadcast_in_dim3A_503 = vector.broadcast %jit3A_500 : f32 to vector<729x3xf32>
    %select_n3A_504 = arith.select %broadcast_in_dim3A_502, %slice3A_458, %broadcast_in_dim3A_503 : vector<729x3xi1>, vector<729x3xf32>
    %get3A_505 = arith.constant 6 : index
    %get3A_506 = arith.constant 0 : index
    %get3A_507 = arith.constant 0 : index
    %get3A_508 = vector.load %arg4[%get3A_505, %get3A_506, %get3A_507] : memref<27x3x64xf32, #tpu.memory_space<vmem>>, vector<1x3x64xf32>
    %get3A_509 = vector.shape_cast %get3A_508 : vector<1x3x64xf32> to vector<3x64xf32>
    %dot_general3A_510 = arith.constant dense<0.000000e+00> : vector<729x64xf32>
    %dot_general3A_511 = tpu.matmul %select_n3A_504, %get3A_509, %dot_general3A_510 {dimension_numbers = #tpu.dot_dimension_numbers<[1], [0], [0], [1], [0, 0, 1, 1], [], []>, transpose_lhs_hint = false} : vector<729x3xf32>, vector<3x64xf32>, vector<729x64xf32> -> vector<729x64xf32>
    %add3A_512 = arith.addf %add3A_457, %dot_general3A_511 : vector<729x64xf32>
    %slice3A_513 = vector.extract_strided_slice %concatenate3A {offsets = [24, 0], sizes = [729, 3], strides = [1, 1]} : vector<921x3xf32> to vector<729x3xf32>
    %add3A_514 = arith.constant -1 : i32
    %add3A_515 = vector.broadcast %add3A_514 : i32 to vector<729x1xi32>
    %add3A_516 = arith.addi %select_n3A, %add3A_515 : vector<729x1xi32>
    %ge3A_517 = arith.constant 0 : i32
    %ge3A_518 = vector.broadcast %ge3A_517 : i32 to vector<729x1xi32>
    %ge3A_519 = arith.cmpi sge, %add3A_516, %ge3A_518 : vector<729x1xi32>
    %add3A_520 = arith.constant -1 : i32
    %add3A_521 = vector.broadcast %add3A_520 : i32 to vector<729x1xi32>
    %add3A_522 = arith.addi %select_n3A, %add3A_521 : vector<729x1xi32>
    %lt3A_523 = arith.constant 9 : i32
    %lt3A_524 = vector.broadcast %lt3A_523 : i32 to vector<729x1xi32>
    %lt3A_525 = arith.cmpi slt, %add3A_522, %lt3A_524 : vector<729x1xi32>
    %and3A_526 = arith.andi %ge3A_519, %lt3A_525 : vector<729x1xi1>
    %add3A_527 = arith.constant 1 : i32
    %add3A_528 = vector.broadcast %add3A_527 : i32 to vector<729x1xi32>
    %add3A_529 = arith.addi %select_n3A_105, %add3A_528 : vector<729x1xi32>
    %ge3A_530 = arith.constant 0 : i32
    %ge3A_531 = vector.broadcast %ge3A_530 : i32 to vector<729x1xi32>
    %ge3A_532 = arith.cmpi sge, %add3A_529, %ge3A_531 : vector<729x1xi32>
    %add3A_533 = arith.constant 1 : i32
    %add3A_534 = vector.broadcast %add3A_533 : i32 to vector<729x1xi32>
    %add3A_535 = arith.addi %select_n3A_105, %add3A_534 : vector<729x1xi32>
    %lt3A_536 = arith.constant 9 : i32
    %lt3A_537 = vector.broadcast %lt3A_536 : i32 to vector<729x1xi32>
    %lt3A_538 = arith.cmpi slt, %add3A_535, %lt3A_537 : vector<729x1xi32>
    %and3A_539 = arith.andi %ge3A_532, %lt3A_538 : vector<729x1xi1>
    %add3A_540 = arith.constant 0 : i32
    %add3A_541 = vector.broadcast %add3A_540 : i32 to vector<729x1xi32>
    %add3A_542 = arith.addi %select_n3A_127, %add3A_541 : vector<729x1xi32>
    %ge3A_543 = arith.constant 0 : i32
    %ge3A_544 = vector.broadcast %ge3A_543 : i32 to vector<729x1xi32>
    %ge3A_545 = arith.cmpi sge, %add3A_542, %ge3A_544 : vector<729x1xi32>
    %add3A_546 = arith.constant 0 : i32
    %add3A_547 = vector.broadcast %add3A_546 : i32 to vector<729x1xi32>
    %add3A_548 = arith.addi %select_n3A_127, %add3A_547 : vector<729x1xi32>
    %lt3A_549 = arith.constant 9 : i32
    %lt3A_550 = vector.broadcast %lt3A_549 : i32 to vector<729x1xi32>
    %lt3A_551 = arith.cmpi slt, %add3A_548, %lt3A_550 : vector<729x1xi32>
    %and3A_552 = arith.andi %ge3A_545, %lt3A_551 : vector<729x1xi1>
    %and3A_553 = arith.andi %and3A_539, %and3A_552 : vector<729x1xi1>
    %and3A_554 = arith.andi %and3A_526, %and3A_553 : vector<729x1xi1>
    %jit3A_555 = arith.constant 0.000000e+00 : f32
    %broadcast_in_dim3A_556 = vector.shape_cast %and3A_554 : vector<729x1xi1> to vector<729x1xi1>
    %broadcast_in_dim3A_557 = vector.broadcast %broadcast_in_dim3A_556 : vector<729x1xi1> to vector<729x3xi1>
    %broadcast_in_dim3A_558 = vector.broadcast %jit3A_555 : f32 to vector<729x3xf32>
    %select_n3A_559 = arith.select %broadcast_in_dim3A_557, %slice3A_513, %broadcast_in_dim3A_558 : vector<729x3xi1>, vector<729x3xf32>
    %get3A_560 = arith.constant 7 : index
    %get3A_561 = arith.constant 0 : index
    %get3A_562 = arith.constant 0 : index
    %get3A_563 = vector.load %arg4[%get3A_560, %get3A_561, %get3A_562] : memref<27x3x64xf32, #tpu.memory_space<vmem>>, vector<1x3x64xf32>
    %get3A_564 = vector.shape_cast %get3A_563 : vector<1x3x64xf32> to vector<3x64xf32>
    %dot_general3A_565 = arith.constant dense<0.000000e+00> : vector<729x64xf32>
    %dot_general3A_566 = tpu.matmul %select_n3A_559, %get3A_564, %dot_general3A_565 {dimension_numbers = #tpu.dot_dimension_numbers<[1], [0], [0], [1], [0, 0, 1, 1], [], []>, transpose_lhs_hint = false} : vector<729x3xf32>, vector<3x64xf32>, vector<729x64xf32> -> vector<729x64xf32>
    %add3A_567 = arith.addf %add3A_512, %dot_general3A_566 : vector<729x64xf32>
    %slice3A_568 = vector.extract_strided_slice %concatenate3A {offsets = [25, 0], sizes = [729, 3], strides = [1, 1]} : vector<921x3xf32> to vector<729x3xf32>
    %add3A_569 = arith.constant -1 : i32
    %add3A_570 = vector.broadcast %add3A_569 : i32 to vector<729x1xi32>
    %add3A_571 = arith.addi %select_n3A, %add3A_570 : vector<729x1xi32>
    %ge3A_572 = arith.constant 0 : i32
    %ge3A_573 = vector.broadcast %ge3A_572 : i32 to vector<729x1xi32>
    %ge3A_574 = arith.cmpi sge, %add3A_571, %ge3A_573 : vector<729x1xi32>
    %add3A_575 = arith.constant -1 : i32
    %add3A_576 = vector.broadcast %add3A_575 : i32 to vector<729x1xi32>
    %add3A_577 = arith.addi %select_n3A, %add3A_576 : vector<729x1xi32>
    %lt3A_578 = arith.constant 9 : i32
    %lt3A_579 = vector.broadcast %lt3A_578 : i32 to vector<729x1xi32>
    %lt3A_580 = arith.cmpi slt, %add3A_577, %lt3A_579 : vector<729x1xi32>
    %and3A_581 = arith.andi %ge3A_574, %lt3A_580 : vector<729x1xi1>
    %add3A_582 = arith.constant 1 : i32
    %add3A_583 = vector.broadcast %add3A_582 : i32 to vector<729x1xi32>
    %add3A_584 = arith.addi %select_n3A_105, %add3A_583 : vector<729x1xi32>
    %ge3A_585 = arith.constant 0 : i32
    %ge3A_586 = vector.broadcast %ge3A_585 : i32 to vector<729x1xi32>
    %ge3A_587 = arith.cmpi sge, %add3A_584, %ge3A_586 : vector<729x1xi32>
    %add3A_588 = arith.constant 1 : i32
    %add3A_589 = vector.broadcast %add3A_588 : i32 to vector<729x1xi32>
    %add3A_590 = arith.addi %select_n3A_105, %add3A_589 : vector<729x1xi32>
    %lt3A_591 = arith.constant 9 : i32
    %lt3A_592 = vector.broadcast %lt3A_591 : i32 to vector<729x1xi32>
    %lt3A_593 = arith.cmpi slt, %add3A_590, %lt3A_592 : vector<729x1xi32>
    %and3A_594 = arith.andi %ge3A_587, %lt3A_593 : vector<729x1xi1>
    %add3A_595 = arith.constant 1 : i32
    %add3A_596 = vector.broadcast %add3A_595 : i32 to vector<729x1xi32>
    %add3A_597 = arith.addi %select_n3A_127, %add3A_596 : vector<729x1xi32>
    %ge3A_598 = arith.constant 0 : i32
    %ge3A_599 = vector.broadcast %ge3A_598 : i32 to vector<729x1xi32>
    %ge3A_600 = arith.cmpi sge, %add3A_597, %ge3A_599 : vector<729x1xi32>
    %add3A_601 = arith.constant 1 : i32
    %add3A_602 = vector.broadcast %add3A_601 : i32 to vector<729x1xi32>
    %add3A_603 = arith.addi %select_n3A_127, %add3A_602 : vector<729x1xi32>
    %lt3A_604 = arith.constant 9 : i32
    %lt3A_605 = vector.broadcast %lt3A_604 : i32 to vector<729x1xi32>
    %lt3A_606 = arith.cmpi slt, %add3A_603, %lt3A_605 : vector<729x1xi32>
    %and3A_607 = arith.andi %ge3A_600, %lt3A_606 : vector<729x1xi1>
    %and3A_608 = arith.andi %and3A_594, %and3A_607 : vector<729x1xi1>
    %and3A_609 = arith.andi %and3A_581, %and3A_608 : vector<729x1xi1>
    %jit3A_610 = arith.constant 0.000000e+00 : f32
    %broadcast_in_dim3A_611 = vector.shape_cast %and3A_609 : vector<729x1xi1> to vector<729x1xi1>
    %broadcast_in_dim3A_612 = vector.broadcast %broadcast_in_dim3A_611 : vector<729x1xi1> to vector<729x3xi1>
    %broadcast_in_dim3A_613 = vector.broadcast %jit3A_610 : f32 to vector<729x3xf32>
    %select_n3A_614 = arith.select %broadcast_in_dim3A_612, %slice3A_568, %broadcast_in_dim3A_613 : vector<729x3xi1>, vector<729x3xf32>
    %get3A_615 = arith.constant 8 : index
    %get3A_616 = arith.constant 0 : index
    %get3A_617 = arith.constant 0 : index
    %get3A_618 = vector.load %arg4[%get3A_615, %get3A_616, %get3A_617] : memref<27x3x64xf32, #tpu.memory_space<vmem>>, vector<1x3x64xf32>
    %get3A_619 = vector.shape_cast %get3A_618 : vector<1x3x64xf32> to vector<3x64xf32>
    %dot_general3A_620 = arith.constant dense<0.000000e+00> : vector<729x64xf32>
    %dot_general3A_621 = tpu.matmul %select_n3A_614, %get3A_619, %dot_general3A_620 {dimension_numbers = #tpu.dot_dimension_numbers<[1], [0], [0], [1], [0, 0, 1, 1], [], []>, transpose_lhs_hint = false} : vector<729x3xf32>, vector<3x64xf32>, vector<729x64xf32> -> vector<729x64xf32>
    %add3A_622 = arith.addf %add3A_567, %dot_general3A_621 : vector<729x64xf32>
    %slice3A_623 = vector.extract_strided_slice %concatenate3A {offsets = [86, 0], sizes = [729, 3], strides = [1, 1]} : vector<921x3xf32> to vector<729x3xf32>
    %add3A_624 = arith.constant 0 : i32
    %add3A_625 = vector.broadcast %add3A_624 : i32 to vector<729x1xi32>
    %add3A_626 = arith.addi %select_n3A, %add3A_625 : vector<729x1xi32>
    %ge3A_627 = arith.constant 0 : i32
    %ge3A_628 = vector.broadcast %ge3A_627 : i32 to vector<729x1xi32>
    %ge3A_629 = arith.cmpi sge, %add3A_626, %ge3A_628 : vector<729x1xi32>
    %add3A_630 = arith.constant 0 : i32
    %add3A_631 = vector.broadcast %add3A_630 : i32 to vector<729x1xi32>
    %add3A_632 = arith.addi %select_n3A, %add3A_631 : vector<729x1xi32>
    %lt3A_633 = arith.constant 9 : i32
    %lt3A_634 = vector.broadcast %lt3A_633 : i32 to vector<729x1xi32>
    %lt3A_635 = arith.cmpi slt, %add3A_632, %lt3A_634 : vector<729x1xi32>
    %and3A_636 = arith.andi %ge3A_629, %lt3A_635 : vector<729x1xi1>
    %add3A_637 = arith.constant -1 : i32
    %add3A_638 = vector.broadcast %add3A_637 : i32 to vector<729x1xi32>
    %add3A_639 = arith.addi %select_n3A_105, %add3A_638 : vector<729x1xi32>
    %ge3A_640 = arith.constant 0 : i32
    %ge3A_641 = vector.broadcast %ge3A_640 : i32 to vector<729x1xi32>
    %ge3A_642 = arith.cmpi sge, %add3A_639, %ge3A_641 : vector<729x1xi32>
    %add3A_643 = arith.constant -1 : i32
    %add3A_644 = vector.broadcast %add3A_643 : i32 to vector<729x1xi32>
    %add3A_645 = arith.addi %select_n3A_105, %add3A_644 : vector<729x1xi32>
    %lt3A_646 = arith.constant 9 : i32
    %lt3A_647 = vector.broadcast %lt3A_646 : i32 to vector<729x1xi32>
    %lt3A_648 = arith.cmpi slt, %add3A_645, %lt3A_647 : vector<729x1xi32>
    %and3A_649 = arith.andi %ge3A_642, %lt3A_648 : vector<729x1xi1>
    %add3A_650 = arith.constant -1 : i32
    %add3A_651 = vector.broadcast %add3A_650 : i32 to vector<729x1xi32>
    %add3A_652 = arith.addi %select_n3A_127, %add3A_651 : vector<729x1xi32>
    %ge3A_653 = arith.constant 0 : i32
    %ge3A_654 = vector.broadcast %ge3A_653 : i32 to vector<729x1xi32>
    %ge3A_655 = arith.cmpi sge, %add3A_652, %ge3A_654 : vector<729x1xi32>
    %add3A_656 = arith.constant -1 : i32
    %add3A_657 = vector.broadcast %add3A_656 : i32 to vector<729x1xi32>
    %add3A_658 = arith.addi %select_n3A_127, %add3A_657 : vector<729x1xi32>
    %lt3A_659 = arith.constant 9 : i32
    %lt3A_660 = vector.broadcast %lt3A_659 : i32 to vector<729x1xi32>
    %lt3A_661 = arith.cmpi slt, %add3A_658, %lt3A_660 : vector<729x1xi32>
    %and3A_662 = arith.andi %ge3A_655, %lt3A_661 : vector<729x1xi1>
    %and3A_663 = arith.andi %and3A_649, %and3A_662 : vector<729x1xi1>
    %and3A_664 = arith.andi %and3A_636, %and3A_663 : vector<729x1xi1>
    %jit3A_665 = arith.constant 0.000000e+00 : f32
    %broadcast_in_dim3A_666 = vector.shape_cast %and3A_664 : vector<729x1xi1> to vector<729x1xi1>
    %broadcast_in_dim3A_667 = vector.broadcast %broadcast_in_dim3A_666 : vector<729x1xi1> to vector<729x3xi1>
    %broadcast_in_dim3A_668 = vector.broadcast %jit3A_665 : f32 to vector<729x3xf32>
    %select_n3A_669 = arith.select %broadcast_in_dim3A_667, %slice3A_623, %broadcast_in_dim3A_668 : vector<729x3xi1>, vector<729x3xf32>
    %get3A_670 = arith.constant 9 : index
    %get3A_671 = arith.constant 0 : index
    %get3A_672 = arith.constant 0 : index
    %get3A_673 = vector.load %arg4[%get3A_670, %get3A_671, %get3A_672] : memref<27x3x64xf32, #tpu.memory_space<vmem>>, vector<1x3x64xf32>
    %get3A_674 = vector.shape_cast %get3A_673 : vector<1x3x64xf32> to vector<3x64xf32>
    %dot_general3A_675 = arith.constant dense<0.000000e+00> : vector<729x64xf32>
    %dot_general3A_676 = tpu.matmul %select_n3A_669, %get3A_674, %dot_general3A_675 {dimension_numbers = #tpu.dot_dimension_numbers<[1], [0], [0], [1], [0, 0, 1, 1], [], []>, transpose_lhs_hint = false} : vector<729x3xf32>, vector<3x64xf32>, vector<729x64xf32> -> vector<729x64xf32>
    %add3A_677 = arith.addf %add3A_622, %dot_general3A_676 : vector<729x64xf32>
    %slice3A_678 = vector.extract_strided_slice %concatenate3A {offsets = [87, 0], sizes = [729, 3], strides = [1, 1]} : vector<921x3xf32> to vector<729x3xf32>
    %add3A_679 = arith.constant 0 : i32
    %add3A_680 = vector.broadcast %add3A_679 : i32 to vector<729x1xi32>
    %add3A_681 = arith.addi %select_n3A, %add3A_680 : vector<729x1xi32>
    %ge3A_682 = arith.constant 0 : i32
    %ge3A_683 = vector.broadcast %ge3A_682 : i32 to vector<729x1xi32>
    %ge3A_684 = arith.cmpi sge, %add3A_681, %ge3A_683 : vector<729x1xi32>
    %add3A_685 = arith.constant 0 : i32
    %add3A_686 = vector.broadcast %add3A_685 : i32 to vector<729x1xi32>
    %add3A_687 = arith.addi %select_n3A, %add3A_686 : vector<729x1xi32>
    %lt3A_688 = arith.constant 9 : i32
    %lt3A_689 = vector.broadcast %lt3A_688 : i32 to vector<729x1xi32>
    %lt3A_690 = arith.cmpi slt, %add3A_687, %lt3A_689 : vector<729x1xi32>
    %and3A_691 = arith.andi %ge3A_684, %lt3A_690 : vector<729x1xi1>
    %add3A_692 = arith.constant -1 : i32
    %add3A_693 = vector.broadcast %add3A_692 : i32 to vector<729x1xi32>
    %add3A_694 = arith.addi %select_n3A_105, %add3A_693 : vector<729x1xi32>
    %ge3A_695 = arith.constant 0 : i32
    %ge3A_696 = vector.broadcast %ge3A_695 : i32 to vector<729x1xi32>
    %ge3A_697 = arith.cmpi sge, %add3A_694, %ge3A_696 : vector<729x1xi32>
    %add3A_698 = arith.constant -1 : i32
    %add3A_699 = vector.broadcast %add3A_698 : i32 to vector<729x1xi32>
    %add3A_700 = arith.addi %select_n3A_105, %add3A_699 : vector<729x1xi32>
    %lt3A_701 = arith.constant 9 : i32
    %lt3A_702 = vector.broadcast %lt3A_701 : i32 to vector<729x1xi32>
    %lt3A_703 = arith.cmpi slt, %add3A_700, %lt3A_702 : vector<729x1xi32>
    %and3A_704 = arith.andi %ge3A_697, %lt3A_703 : vector<729x1xi1>
    %add3A_705 = arith.constant 0 : i32
    %add3A_706 = vector.broadcast %add3A_705 : i32 to vector<729x1xi32>
    %add3A_707 = arith.addi %select_n3A_127, %add3A_706 : vector<729x1xi32>
    %ge3A_708 = arith.constant 0 : i32
    %ge3A_709 = vector.broadcast %ge3A_708 : i32 to vector<729x1xi32>
    %ge3A_710 = arith.cmpi sge, %add3A_707, %ge3A_709 : vector<729x1xi32>
    %add3A_711 = arith.constant 0 : i32
    %add3A_712 = vector.broadcast %add3A_711 : i32 to vector<729x1xi32>
    %add3A_713 = arith.addi %select_n3A_127, %add3A_712 : vector<729x1xi32>
    %lt3A_714 = arith.constant 9 : i32
    %lt3A_715 = vector.broadcast %lt3A_714 : i32 to vector<729x1xi32>
    %lt3A_716 = arith.cmpi slt, %add3A_713, %lt3A_715 : vector<729x1xi32>
    %and3A_717 = arith.andi %ge3A_710, %lt3A_716 : vector<729x1xi1>
    %and3A_718 = arith.andi %and3A_704, %and3A_717 : vector<729x1xi1>
    %and3A_719 = arith.andi %and3A_691, %and3A_718 : vector<729x1xi1>
    %jit3A_720 = arith.constant 0.000000e+00 : f32
    %broadcast_in_dim3A_721 = vector.shape_cast %and3A_719 : vector<729x1xi1> to vector<729x1xi1>
    %broadcast_in_dim3A_722 = vector.broadcast %broadcast_in_dim3A_721 : vector<729x1xi1> to vector<729x3xi1>
    %broadcast_in_dim3A_723 = vector.broadcast %jit3A_720 : f32 to vector<729x3xf32>
    %select_n3A_724 = arith.select %broadcast_in_dim3A_722, %slice3A_678, %broadcast_in_dim3A_723 : vector<729x3xi1>, vector<729x3xf32>
    %get3A_725 = arith.constant 10 : index
    %get3A_726 = arith.constant 0 : index
    %get3A_727 = arith.constant 0 : index
    %get3A_728 = vector.load %arg4[%get3A_725, %get3A_726, %get3A_727] : memref<27x3x64xf32, #tpu.memory_space<vmem>>, vector<1x3x64xf32>
    %get3A_729 = vector.shape_cast %get3A_728 : vector<1x3x64xf32> to vector<3x64xf32>
    %dot_general3A_730 = arith.constant dense<0.000000e+00> : vector<729x64xf32>
    %dot_general3A_731 = tpu.matmul %select_n3A_724, %get3A_729, %dot_general3A_730 {dimension_numbers = #tpu.dot_dimension_numbers<[1], [0], [0], [1], [0, 0, 1, 1], [], []>, transpose_lhs_hint = false} : vector<729x3xf32>, vector<3x64xf32>, vector<729x64xf32> -> vector<729x64xf32>
    %add3A_732 = arith.addf %add3A_677, %dot_general3A_731 : vector<729x64xf32>
    %slice3A_733 = vector.extract_strided_slice %concatenate3A {offsets = [88, 0], sizes = [729, 3], strides = [1, 1]} : vector<921x3xf32> to vector<729x3xf32>
    %add3A_734 = arith.constant 0 : i32
    %add3A_735 = vector.broadcast %add3A_734 : i32 to vector<729x1xi32>
    %add3A_736 = arith.addi %select_n3A, %add3A_735 : vector<729x1xi32>
    %ge3A_737 = arith.constant 0 : i32
    %ge3A_738 = vector.broadcast %ge3A_737 : i32 to vector<729x1xi32>
    %ge3A_739 = arith.cmpi sge, %add3A_736, %ge3A_738 : vector<729x1xi32>
    %add3A_740 = arith.constant 0 : i32
    %add3A_741 = vector.broadcast %add3A_740 : i32 to vector<729x1xi32>
    %add3A_742 = arith.addi %select_n3A, %add3A_741 : vector<729x1xi32>
    %lt3A_743 = arith.constant 9 : i32
    %lt3A_744 = vector.broadcast %lt3A_743 : i32 to vector<729x1xi32>
    %lt3A_745 = arith.cmpi slt, %add3A_742, %lt3A_744 : vector<729x1xi32>
    %and3A_746 = arith.andi %ge3A_739, %lt3A_745 : vector<729x1xi1>
    %add3A_747 = arith.constant -1 : i32
    %add3A_748 = vector.broadcast %add3A_747 : i32 to vector<729x1xi32>
    %add3A_749 = arith.addi %select_n3A_105, %add3A_748 : vector<729x1xi32>
    %ge3A_750 = arith.constant 0 : i32
    %ge3A_751 = vector.broadcast %ge3A_750 : i32 to vector<729x1xi32>
    %ge3A_752 = arith.cmpi sge, %add3A_749, %ge3A_751 : vector<729x1xi32>
    %add3A_753 = arith.constant -1 : i32
    %add3A_754 = vector.broadcast %add3A_753 : i32 to vector<729x1xi32>
    %add3A_755 = arith.addi %select_n3A_105, %add3A_754 : vector<729x1xi32>
    %lt3A_756 = arith.constant 9 : i32
    %lt3A_757 = vector.broadcast %lt3A_756 : i32 to vector<729x1xi32>
    %lt3A_758 = arith.cmpi slt, %add3A_755, %lt3A_757 : vector<729x1xi32>
    %and3A_759 = arith.andi %ge3A_752, %lt3A_758 : vector<729x1xi1>
    %add3A_760 = arith.constant 1 : i32
    %add3A_761 = vector.broadcast %add3A_760 : i32 to vector<729x1xi32>
    %add3A_762 = arith.addi %select_n3A_127, %add3A_761 : vector<729x1xi32>
    %ge3A_763 = arith.constant 0 : i32
    %ge3A_764 = vector.broadcast %ge3A_763 : i32 to vector<729x1xi32>
    %ge3A_765 = arith.cmpi sge, %add3A_762, %ge3A_764 : vector<729x1xi32>
    %add3A_766 = arith.constant 1 : i32
    %add3A_767 = vector.broadcast %add3A_766 : i32 to vector<729x1xi32>
    %add3A_768 = arith.addi %select_n3A_127, %add3A_767 : vector<729x1xi32>
    %lt3A_769 = arith.constant 9 : i32
    %lt3A_770 = vector.broadcast %lt3A_769 : i32 to vector<729x1xi32>
    %lt3A_771 = arith.cmpi slt, %add3A_768, %lt3A_770 : vector<729x1xi32>
    %and3A_772 = arith.andi %ge3A_765, %lt3A_771 : vector<729x1xi1>
    %and3A_773 = arith.andi %and3A_759, %and3A_772 : vector<729x1xi1>
    %and3A_774 = arith.andi %and3A_746, %and3A_773 : vector<729x1xi1>
    %jit3A_775 = arith.constant 0.000000e+00 : f32
    %broadcast_in_dim3A_776 = vector.shape_cast %and3A_774 : vector<729x1xi1> to vector<729x1xi1>
    %broadcast_in_dim3A_777 = vector.broadcast %broadcast_in_dim3A_776 : vector<729x1xi1> to vector<729x3xi1>
    %broadcast_in_dim3A_778 = vector.broadcast %jit3A_775 : f32 to vector<729x3xf32>
    %select_n3A_779 = arith.select %broadcast_in_dim3A_777, %slice3A_733, %broadcast_in_dim3A_778 : vector<729x3xi1>, vector<729x3xf32>
    %get3A_780 = arith.constant 11 : index
    %get3A_781 = arith.constant 0 : index
    %get3A_782 = arith.constant 0 : index
    %get3A_783 = vector.load %arg4[%get3A_780, %get3A_781, %get3A_782] : memref<27x3x64xf32, #tpu.memory_space<vmem>>, vector<1x3x64xf32>
    %get3A_784 = vector.shape_cast %get3A_783 : vector<1x3x64xf32> to vector<3x64xf32>
    %dot_general3A_785 = arith.constant dense<0.000000e+00> : vector<729x64xf32>
    %dot_general3A_786 = tpu.matmul %select_n3A_779, %get3A_784, %dot_general3A_785 {dimension_numbers = #tpu.dot_dimension_numbers<[1], [0], [0], [1], [0, 0, 1, 1], [], []>, transpose_lhs_hint = false} : vector<729x3xf32>, vector<3x64xf32>, vector<729x64xf32> -> vector<729x64xf32>
    %add3A_787 = arith.addf %add3A_732, %dot_general3A_786 : vector<729x64xf32>
    %slice3A_788 = vector.extract_strided_slice %concatenate3A {offsets = [95, 0], sizes = [729, 3], strides = [1, 1]} : vector<921x3xf32> to vector<729x3xf32>
    %add3A_789 = arith.constant 0 : i32
    %add3A_790 = vector.broadcast %add3A_789 : i32 to vector<729x1xi32>
    %add3A_791 = arith.addi %select_n3A, %add3A_790 : vector<729x1xi32>
    %ge3A_792 = arith.constant 0 : i32
    %ge3A_793 = vector.broadcast %ge3A_792 : i32 to vector<729x1xi32>
    %ge3A_794 = arith.cmpi sge, %add3A_791, %ge3A_793 : vector<729x1xi32>
    %add3A_795 = arith.constant 0 : i32
    %add3A_796 = vector.broadcast %add3A_795 : i32 to vector<729x1xi32>
    %add3A_797 = arith.addi %select_n3A, %add3A_796 : vector<729x1xi32>
    %lt3A_798 = arith.constant 9 : i32
    %lt3A_799 = vector.broadcast %lt3A_798 : i32 to vector<729x1xi32>
    %lt3A_800 = arith.cmpi slt, %add3A_797, %lt3A_799 : vector<729x1xi32>
    %and3A_801 = arith.andi %ge3A_794, %lt3A_800 : vector<729x1xi1>
    %add3A_802 = arith.constant 0 : i32
    %add3A_803 = vector.broadcast %add3A_802 : i32 to vector<729x1xi32>
    %add3A_804 = arith.addi %select_n3A_105, %add3A_803 : vector<729x1xi32>
    %ge3A_805 = arith.constant 0 : i32
    %ge3A_806 = vector.broadcast %ge3A_805 : i32 to vector<729x1xi32>
    %ge3A_807 = arith.cmpi sge, %add3A_804, %ge3A_806 : vector<729x1xi32>
    %add3A_808 = arith.constant 0 : i32
    %add3A_809 = vector.broadcast %add3A_808 : i32 to vector<729x1xi32>
    %add3A_810 = arith.addi %select_n3A_105, %add3A_809 : vector<729x1xi32>
    %lt3A_811 = arith.constant 9 : i32
    %lt3A_812 = vector.broadcast %lt3A_811 : i32 to vector<729x1xi32>
    %lt3A_813 = arith.cmpi slt, %add3A_810, %lt3A_812 : vector<729x1xi32>
    %and3A_814 = arith.andi %ge3A_807, %lt3A_813 : vector<729x1xi1>
    %add3A_815 = arith.constant -1 : i32
    %add3A_816 = vector.broadcast %add3A_815 : i32 to vector<729x1xi32>
    %add3A_817 = arith.addi %select_n3A_127, %add3A_816 : vector<729x1xi32>
    %ge3A_818 = arith.constant 0 : i32
    %ge3A_819 = vector.broadcast %ge3A_818 : i32 to vector<729x1xi32>
    %ge3A_820 = arith.cmpi sge, %add3A_817, %ge3A_819 : vector<729x1xi32>
    %add3A_821 = arith.constant -1 : i32
    %add3A_822 = vector.broadcast %add3A_821 : i32 to vector<729x1xi32>
    %add3A_823 = arith.addi %select_n3A_127, %add3A_822 : vector<729x1xi32>
    %lt3A_824 = arith.constant 9 : i32
    %lt3A_825 = vector.broadcast %lt3A_824 : i32 to vector<729x1xi32>
    %lt3A_826 = arith.cmpi slt, %add3A_823, %lt3A_825 : vector<729x1xi32>
    %and3A_827 = arith.andi %ge3A_820, %lt3A_826 : vector<729x1xi1>
    %and3A_828 = arith.andi %and3A_814, %and3A_827 : vector<729x1xi1>
    %and3A_829 = arith.andi %and3A_801, %and3A_828 : vector<729x1xi1>
    %jit3A_830 = arith.constant 0.000000e+00 : f32
    %broadcast_in_dim3A_831 = vector.shape_cast %and3A_829 : vector<729x1xi1> to vector<729x1xi1>
    %broadcast_in_dim3A_832 = vector.broadcast %broadcast_in_dim3A_831 : vector<729x1xi1> to vector<729x3xi1>
    %broadcast_in_dim3A_833 = vector.broadcast %jit3A_830 : f32 to vector<729x3xf32>
    %select_n3A_834 = arith.select %broadcast_in_dim3A_832, %slice3A_788, %broadcast_in_dim3A_833 : vector<729x3xi1>, vector<729x3xf32>
    %get3A_835 = arith.constant 12 : index
    %get3A_836 = arith.constant 0 : index
    %get3A_837 = arith.constant 0 : index
    %get3A_838 = vector.load %arg4[%get3A_835, %get3A_836, %get3A_837] : memref<27x3x64xf32, #tpu.memory_space<vmem>>, vector<1x3x64xf32>
    %get3A_839 = vector.shape_cast %get3A_838 : vector<1x3x64xf32> to vector<3x64xf32>
    %dot_general3A_840 = arith.constant dense<0.000000e+00> : vector<729x64xf32>
    %dot_general3A_841 = tpu.matmul %select_n3A_834, %get3A_839, %dot_general3A_840 {dimension_numbers = #tpu.dot_dimension_numbers<[1], [0], [0], [1], [0, 0, 1, 1], [], []>, transpose_lhs_hint = false} : vector<729x3xf32>, vector<3x64xf32>, vector<729x64xf32> -> vector<729x64xf32>
    %add3A_842 = arith.addf %add3A_787, %dot_general3A_841 : vector<729x64xf32>
    %slice3A_843 = vector.extract_strided_slice %concatenate3A {offsets = [96, 0], sizes = [729, 3], strides = [1, 1]} : vector<921x3xf32> to vector<729x3xf32>
    %add3A_844 = arith.constant 0 : i32
    %add3A_845 = vector.broadcast %add3A_844 : i32 to vector<729x1xi32>
    %add3A_846 = arith.addi %select_n3A, %add3A_845 : vector<729x1xi32>
    %ge3A_847 = arith.constant 0 : i32
    %ge3A_848 = vector.broadcast %ge3A_847 : i32 to vector<729x1xi32>
    %ge3A_849 = arith.cmpi sge, %add3A_846, %ge3A_848 : vector<729x1xi32>
    %add3A_850 = arith.constant 0 : i32
    %add3A_851 = vector.broadcast %add3A_850 : i32 to vector<729x1xi32>
    %add3A_852 = arith.addi %select_n3A, %add3A_851 : vector<729x1xi32>
    %lt3A_853 = arith.constant 9 : i32
    %lt3A_854 = vector.broadcast %lt3A_853 : i32 to vector<729x1xi32>
    %lt3A_855 = arith.cmpi slt, %add3A_852, %lt3A_854 : vector<729x1xi32>
    %and3A_856 = arith.andi %ge3A_849, %lt3A_855 : vector<729x1xi1>
    %add3A_857 = arith.constant 0 : i32
    %add3A_858 = vector.broadcast %add3A_857 : i32 to vector<729x1xi32>
    %add3A_859 = arith.addi %select_n3A_105, %add3A_858 : vector<729x1xi32>
    %ge3A_860 = arith.constant 0 : i32
    %ge3A_861 = vector.broadcast %ge3A_860 : i32 to vector<729x1xi32>
    %ge3A_862 = arith.cmpi sge, %add3A_859, %ge3A_861 : vector<729x1xi32>
    %add3A_863 = arith.constant 0 : i32
    %add3A_864 = vector.broadcast %add3A_863 : i32 to vector<729x1xi32>
    %add3A_865 = arith.addi %select_n3A_105, %add3A_864 : vector<729x1xi32>
    %lt3A_866 = arith.constant 9 : i32
    %lt3A_867 = vector.broadcast %lt3A_866 : i32 to vector<729x1xi32>
    %lt3A_868 = arith.cmpi slt, %add3A_865, %lt3A_867 : vector<729x1xi32>
    %and3A_869 = arith.andi %ge3A_862, %lt3A_868 : vector<729x1xi1>
    %add3A_870 = arith.constant 0 : i32
    %add3A_871 = vector.broadcast %add3A_870 : i32 to vector<729x1xi32>
    %add3A_872 = arith.addi %select_n3A_127, %add3A_871 : vector<729x1xi32>
    %ge3A_873 = arith.constant 0 : i32
    %ge3A_874 = vector.broadcast %ge3A_873 : i32 to vector<729x1xi32>
    %ge3A_875 = arith.cmpi sge, %add3A_872, %ge3A_874 : vector<729x1xi32>
    %add3A_876 = arith.constant 0 : i32
    %add3A_877 = vector.broadcast %add3A_876 : i32 to vector<729x1xi32>
    %add3A_878 = arith.addi %select_n3A_127, %add3A_877 : vector<729x1xi32>
    %lt3A_879 = arith.constant 9 : i32
    %lt3A_880 = vector.broadcast %lt3A_879 : i32 to vector<729x1xi32>
    %lt3A_881 = arith.cmpi slt, %add3A_878, %lt3A_880 : vector<729x1xi32>
    %and3A_882 = arith.andi %ge3A_875, %lt3A_881 : vector<729x1xi1>
    %and3A_883 = arith.andi %and3A_869, %and3A_882 : vector<729x1xi1>
    %and3A_884 = arith.andi %and3A_856, %and3A_883 : vector<729x1xi1>
    %jit3A_885 = arith.constant 0.000000e+00 : f32
    %broadcast_in_dim3A_886 = vector.shape_cast %and3A_884 : vector<729x1xi1> to vector<729x1xi1>
    %broadcast_in_dim3A_887 = vector.broadcast %broadcast_in_dim3A_886 : vector<729x1xi1> to vector<729x3xi1>
    %broadcast_in_dim3A_888 = vector.broadcast %jit3A_885 : f32 to vector<729x3xf32>
    %select_n3A_889 = arith.select %broadcast_in_dim3A_887, %slice3A_843, %broadcast_in_dim3A_888 : vector<729x3xi1>, vector<729x3xf32>
    %get3A_890 = arith.constant 13 : index
    %get3A_891 = arith.constant 0 : index
    %get3A_892 = arith.constant 0 : index
    %get3A_893 = vector.load %arg4[%get3A_890, %get3A_891, %get3A_892] : memref<27x3x64xf32, #tpu.memory_space<vmem>>, vector<1x3x64xf32>
    %get3A_894 = vector.shape_cast %get3A_893 : vector<1x3x64xf32> to vector<3x64xf32>
    %dot_general3A_895 = arith.constant dense<0.000000e+00> : vector<729x64xf32>
    %dot_general3A_896 = tpu.matmul %select_n3A_889, %get3A_894, %dot_general3A_895 {dimension_numbers = #tpu.dot_dimension_numbers<[1], [0], [0], [1], [0, 0, 1, 1], [], []>, transpose_lhs_hint = false} : vector<729x3xf32>, vector<3x64xf32>, vector<729x64xf32> -> vector<729x64xf32>
    %add3A_897 = arith.addf %add3A_842, %dot_general3A_896 : vector<729x64xf32>
    %slice3A_898 = vector.extract_strided_slice %concatenate3A {offsets = [97, 0], sizes = [729, 3], strides = [1, 1]} : vector<921x3xf32> to vector<729x3xf32>
    %add3A_899 = arith.constant 0 : i32
    %add3A_900 = vector.broadcast %add3A_899 : i32 to vector<729x1xi32>
    %add3A_901 = arith.addi %select_n3A, %add3A_900 : vector<729x1xi32>
    %ge3A_902 = arith.constant 0 : i32
    %ge3A_903 = vector.broadcast %ge3A_902 : i32 to vector<729x1xi32>
    %ge3A_904 = arith.cmpi sge, %add3A_901, %ge3A_903 : vector<729x1xi32>
    %add3A_905 = arith.constant 0 : i32
    %add3A_906 = vector.broadcast %add3A_905 : i32 to vector<729x1xi32>
    %add3A_907 = arith.addi %select_n3A, %add3A_906 : vector<729x1xi32>
    %lt3A_908 = arith.constant 9 : i32
    %lt3A_909 = vector.broadcast %lt3A_908 : i32 to vector<729x1xi32>
    %lt3A_910 = arith.cmpi slt, %add3A_907, %lt3A_909 : vector<729x1xi32>
    %and3A_911 = arith.andi %ge3A_904, %lt3A_910 : vector<729x1xi1>
    %add3A_912 = arith.constant 0 : i32
    %add3A_913 = vector.broadcast %add3A_912 : i32 to vector<729x1xi32>
    %add3A_914 = arith.addi %select_n3A_105, %add3A_913 : vector<729x1xi32>
    %ge3A_915 = arith.constant 0 : i32
    %ge3A_916 = vector.broadcast %ge3A_915 : i32 to vector<729x1xi32>
    %ge3A_917 = arith.cmpi sge, %add3A_914, %ge3A_916 : vector<729x1xi32>
    %add3A_918 = arith.constant 0 : i32
    %add3A_919 = vector.broadcast %add3A_918 : i32 to vector<729x1xi32>
    %add3A_920 = arith.addi %select_n3A_105, %add3A_919 : vector<729x1xi32>
    %lt3A_921 = arith.constant 9 : i32
    %lt3A_922 = vector.broadcast %lt3A_921 : i32 to vector<729x1xi32>
    %lt3A_923 = arith.cmpi slt, %add3A_920, %lt3A_922 : vector<729x1xi32>
    %and3A_924 = arith.andi %ge3A_917, %lt3A_923 : vector<729x1xi1>
    %add3A_925 = arith.constant 1 : i32
    %add3A_926 = vector.broadcast %add3A_925 : i32 to vector<729x1xi32>
    %add3A_927 = arith.addi %select_n3A_127, %add3A_926 : vector<729x1xi32>
    %ge3A_928 = arith.constant 0 : i32
    %ge3A_929 = vector.broadcast %ge3A_928 : i32 to vector<729x1xi32>
    %ge3A_930 = arith.cmpi sge, %add3A_927, %ge3A_929 : vector<729x1xi32>
    %add3A_931 = arith.constant 1 : i32
    %add3A_932 = vector.broadcast %add3A_931 : i32 to vector<729x1xi32>
    %add3A_933 = arith.addi %select_n3A_127, %add3A_932 : vector<729x1xi32>
    %lt3A_934 = arith.constant 9 : i32
    %lt3A_935 = vector.broadcast %lt3A_934 : i32 to vector<729x1xi32>
    %lt3A_936 = arith.cmpi slt, %add3A_933, %lt3A_935 : vector<729x1xi32>
    %and3A_937 = arith.andi %ge3A_930, %lt3A_936 : vector<729x1xi1>
    %and3A_938 = arith.andi %and3A_924, %and3A_937 : vector<729x1xi1>
    %and3A_939 = arith.andi %and3A_911, %and3A_938 : vector<729x1xi1>
    %jit3A_940 = arith.constant 0.000000e+00 : f32
    %broadcast_in_dim3A_941 = vector.shape_cast %and3A_939 : vector<729x1xi1> to vector<729x1xi1>
    %broadcast_in_dim3A_942 = vector.broadcast %broadcast_in_dim3A_941 : vector<729x1xi1> to vector<729x3xi1>
    %broadcast_in_dim3A_943 = vector.broadcast %jit3A_940 : f32 to vector<729x3xf32>
    %select_n3A_944 = arith.select %broadcast_in_dim3A_942, %slice3A_898, %broadcast_in_dim3A_943 : vector<729x3xi1>, vector<729x3xf32>
    %get3A_945 = arith.constant 14 : index
    %get3A_946 = arith.constant 0 : index
    %get3A_947 = arith.constant 0 : index
    %get3A_948 = vector.load %arg4[%get3A_945, %get3A_946, %get3A_947] : memref<27x3x64xf32, #tpu.memory_space<vmem>>, vector<1x3x64xf32>
    %get3A_949 = vector.shape_cast %get3A_948 : vector<1x3x64xf32> to vector<3x64xf32>
    %dot_general3A_950 = arith.constant dense<0.000000e+00> : vector<729x64xf32>
    %dot_general3A_951 = tpu.matmul %select_n3A_944, %get3A_949, %dot_general3A_950 {dimension_numbers = #tpu.dot_dimension_numbers<[1], [0], [0], [1], [0, 0, 1, 1], [], []>, transpose_lhs_hint = false} : vector<729x3xf32>, vector<3x64xf32>, vector<729x64xf32> -> vector<729x64xf32>
    %add3A_952 = arith.addf %add3A_897, %dot_general3A_951 : vector<729x64xf32>
    %slice3A_953 = vector.extract_strided_slice %concatenate3A {offsets = [104, 0], sizes = [729, 3], strides = [1, 1]} : vector<921x3xf32> to vector<729x3xf32>
    %add3A_954 = arith.constant 0 : i32
    %add3A_955 = vector.broadcast %add3A_954 : i32 to vector<729x1xi32>
    %add3A_956 = arith.addi %select_n3A, %add3A_955 : vector<729x1xi32>
    %ge3A_957 = arith.constant 0 : i32
    %ge3A_958 = vector.broadcast %ge3A_957 : i32 to vector<729x1xi32>
    %ge3A_959 = arith.cmpi sge, %add3A_956, %ge3A_958 : vector<729x1xi32>
    %add3A_960 = arith.constant 0 : i32
    %add3A_961 = vector.broadcast %add3A_960 : i32 to vector<729x1xi32>
    %add3A_962 = arith.addi %select_n3A, %add3A_961 : vector<729x1xi32>
    %lt3A_963 = arith.constant 9 : i32
    %lt3A_964 = vector.broadcast %lt3A_963 : i32 to vector<729x1xi32>
    %lt3A_965 = arith.cmpi slt, %add3A_962, %lt3A_964 : vector<729x1xi32>
    %and3A_966 = arith.andi %ge3A_959, %lt3A_965 : vector<729x1xi1>
    %add3A_967 = arith.constant 1 : i32
    %add3A_968 = vector.broadcast %add3A_967 : i32 to vector<729x1xi32>
    %add3A_969 = arith.addi %select_n3A_105, %add3A_968 : vector<729x1xi32>
    %ge3A_970 = arith.constant 0 : i32
    %ge3A_971 = vector.broadcast %ge3A_970 : i32 to vector<729x1xi32>
    %ge3A_972 = arith.cmpi sge, %add3A_969, %ge3A_971 : vector<729x1xi32>
    %add3A_973 = arith.constant 1 : i32
    %add3A_974 = vector.broadcast %add3A_973 : i32 to vector<729x1xi32>
    %add3A_975 = arith.addi %select_n3A_105, %add3A_974 : vector<729x1xi32>
    %lt3A_976 = arith.constant 9 : i32
    %lt3A_977 = vector.broadcast %lt3A_976 : i32 to vector<729x1xi32>
    %lt3A_978 = arith.cmpi slt, %add3A_975, %lt3A_977 : vector<729x1xi32>
    %and3A_979 = arith.andi %ge3A_972, %lt3A_978 : vector<729x1xi1>
    %add3A_980 = arith.constant -1 : i32
    %add3A_981 = vector.broadcast %add3A_980 : i32 to vector<729x1xi32>
    %add3A_982 = arith.addi %select_n3A_127, %add3A_981 : vector<729x1xi32>
    %ge3A_983 = arith.constant 0 : i32
    %ge3A_984 = vector.broadcast %ge3A_983 : i32 to vector<729x1xi32>
    %ge3A_985 = arith.cmpi sge, %add3A_982, %ge3A_984 : vector<729x1xi32>
    %add3A_986 = arith.constant -1 : i32
    %add3A_987 = vector.broadcast %add3A_986 : i32 to vector<729x1xi32>
    %add3A_988 = arith.addi %select_n3A_127, %add3A_987 : vector<729x1xi32>
    %lt3A_989 = arith.constant 9 : i32
    %lt3A_990 = vector.broadcast %lt3A_989 : i32 to vector<729x1xi32>
    %lt3A_991 = arith.cmpi slt, %add3A_988, %lt3A_990 : vector<729x1xi32>
    %and3A_992 = arith.andi %ge3A_985, %lt3A_991 : vector<729x1xi1>
    %and3A_993 = arith.andi %and3A_979, %and3A_992 : vector<729x1xi1>
    %and3A_994 = arith.andi %and3A_966, %and3A_993 : vector<729x1xi1>
    %jit3A_995 = arith.constant 0.000000e+00 : f32
    %broadcast_in_dim3A_996 = vector.shape_cast %and3A_994 : vector<729x1xi1> to vector<729x1xi1>
    %broadcast_in_dim3A_997 = vector.broadcast %broadcast_in_dim3A_996 : vector<729x1xi1> to vector<729x3xi1>
    %broadcast_in_dim3A_998 = vector.broadcast %jit3A_995 : f32 to vector<729x3xf32>
    %select_n3A_999 = arith.select %broadcast_in_dim3A_997, %slice3A_953, %broadcast_in_dim3A_998 : vector<729x3xi1>, vector<729x3xf32>
    %get3A_1000 = arith.constant 15 : index
    %get3A_1001 = arith.constant 0 : index
    %get3A_1002 = arith.constant 0 : index
    %get3A_1003 = vector.load %arg4[%get3A_1000, %get3A_1001, %get3A_1002] : memref<27x3x64xf32, #tpu.memory_space<vmem>>, vector<1x3x64xf32>
    %get3A_1004 = vector.shape_cast %get3A_1003 : vector<1x3x64xf32> to vector<3x64xf32>
    %dot_general3A_1005 = arith.constant dense<0.000000e+00> : vector<729x64xf32>
    %dot_general3A_1006 = tpu.matmul %select_n3A_999, %get3A_1004, %dot_general3A_1005 {dimension_numbers = #tpu.dot_dimension_numbers<[1], [0], [0], [1], [0, 0, 1, 1], [], []>, transpose_lhs_hint = false} : vector<729x3xf32>, vector<3x64xf32>, vector<729x64xf32> -> vector<729x64xf32>
    %add3A_1007 = arith.addf %add3A_952, %dot_general3A_1006 : vector<729x64xf32>
    %slice3A_1008 = vector.extract_strided_slice %concatenate3A {offsets = [105, 0], sizes = [729, 3], strides = [1, 1]} : vector<921x3xf32> to vector<729x3xf32>
    %add3A_1009 = arith.constant 0 : i32
    %add3A_1010 = vector.broadcast %add3A_1009 : i32 to vector<729x1xi32>
    %add3A_1011 = arith.addi %select_n3A, %add3A_1010 : vector<729x1xi32>
    %ge3A_1012 = arith.constant 0 : i32
    %ge3A_1013 = vector.broadcast %ge3A_1012 : i32 to vector<729x1xi32>
    %ge3A_1014 = arith.cmpi sge, %add3A_1011, %ge3A_1013 : vector<729x1xi32>
    %add3A_1015 = arith.constant 0 : i32
    %add3A_1016 = vector.broadcast %add3A_1015 : i32 to vector<729x1xi32>
    %add3A_1017 = arith.addi %select_n3A, %add3A_1016 : vector<729x1xi32>
    %lt3A_1018 = arith.constant 9 : i32
    %lt3A_1019 = vector.broadcast %lt3A_1018 : i32 to vector<729x1xi32>
    %lt3A_1020 = arith.cmpi slt, %add3A_1017, %lt3A_1019 : vector<729x1xi32>
    %and3A_1021 = arith.andi %ge3A_1014, %lt3A_1020 : vector<729x1xi1>
    %add3A_1022 = arith.constant 1 : i32
    %add3A_1023 = vector.broadcast %add3A_1022 : i32 to vector<729x1xi32>
    %add3A_1024 = arith.addi %select_n3A_105, %add3A_1023 : vector<729x1xi32>
    %ge3A_1025 = arith.constant 0 : i32
    %ge3A_1026 = vector.broadcast %ge3A_1025 : i32 to vector<729x1xi32>
    %ge3A_1027 = arith.cmpi sge, %add3A_1024, %ge3A_1026 : vector<729x1xi32>
    %add3A_1028 = arith.constant 1 : i32
    %add3A_1029 = vector.broadcast %add3A_1028 : i32 to vector<729x1xi32>
    %add3A_1030 = arith.addi %select_n3A_105, %add3A_1029 : vector<729x1xi32>
    %lt3A_1031 = arith.constant 9 : i32
    %lt3A_1032 = vector.broadcast %lt3A_1031 : i32 to vector<729x1xi32>
    %lt3A_1033 = arith.cmpi slt, %add3A_1030, %lt3A_1032 : vector<729x1xi32>
    %and3A_1034 = arith.andi %ge3A_1027, %lt3A_1033 : vector<729x1xi1>
    %add3A_1035 = arith.constant 0 : i32
    %add3A_1036 = vector.broadcast %add3A_1035 : i32 to vector<729x1xi32>
    %add3A_1037 = arith.addi %select_n3A_127, %add3A_1036 : vector<729x1xi32>
    %ge3A_1038 = arith.constant 0 : i32
    %ge3A_1039 = vector.broadcast %ge3A_1038 : i32 to vector<729x1xi32>
    %ge3A_1040 = arith.cmpi sge, %add3A_1037, %ge3A_1039 : vector<729x1xi32>
    %add3A_1041 = arith.constant 0 : i32
    %add3A_1042 = vector.broadcast %add3A_1041 : i32 to vector<729x1xi32>
    %add3A_1043 = arith.addi %select_n3A_127, %add3A_1042 : vector<729x1xi32>
    %lt3A_1044 = arith.constant 9 : i32
    %lt3A_1045 = vector.broadcast %lt3A_1044 : i32 to vector<729x1xi32>
    %lt3A_1046 = arith.cmpi slt, %add3A_1043, %lt3A_1045 : vector<729x1xi32>
    %and3A_1047 = arith.andi %ge3A_1040, %lt3A_1046 : vector<729x1xi1>
    %and3A_1048 = arith.andi %and3A_1034, %and3A_1047 : vector<729x1xi1>
    %and3A_1049 = arith.andi %and3A_1021, %and3A_1048 : vector<729x1xi1>
    %jit3A_1050 = arith.constant 0.000000e+00 : f32
    %broadcast_in_dim3A_1051 = vector.shape_cast %and3A_1049 : vector<729x1xi1> to vector<729x1xi1>
    %broadcast_in_dim3A_1052 = vector.broadcast %broadcast_in_dim3A_1051 : vector<729x1xi1> to vector<729x3xi1>
    %broadcast_in_dim3A_1053 = vector.broadcast %jit3A_1050 : f32 to vector<729x3xf32>
    %select_n3A_1054 = arith.select %broadcast_in_dim3A_1052, %slice3A_1008, %broadcast_in_dim3A_1053 : vector<729x3xi1>, vector<729x3xf32>
    %get3A_1055 = arith.constant 16 : index
    %get3A_1056 = arith.constant 0 : index
    %get3A_1057 = arith.constant 0 : index
    %get3A_1058 = vector.load %arg4[%get3A_1055, %get3A_1056, %get3A_1057] : memref<27x3x64xf32, #tpu.memory_space<vmem>>, vector<1x3x64xf32>
    %get3A_1059 = vector.shape_cast %get3A_1058 : vector<1x3x64xf32> to vector<3x64xf32>
    %dot_general3A_1060 = arith.constant dense<0.000000e+00> : vector<729x64xf32>
    %dot_general3A_1061 = tpu.matmul %select_n3A_1054, %get3A_1059, %dot_general3A_1060 {dimension_numbers = #tpu.dot_dimension_numbers<[1], [0], [0], [1], [0, 0, 1, 1], [], []>, transpose_lhs_hint = false} : vector<729x3xf32>, vector<3x64xf32>, vector<729x64xf32> -> vector<729x64xf32>
    %add3A_1062 = arith.addf %add3A_1007, %dot_general3A_1061 : vector<729x64xf32>
    %slice3A_1063 = vector.extract_strided_slice %concatenate3A {offsets = [106, 0], sizes = [729, 3], strides = [1, 1]} : vector<921x3xf32> to vector<729x3xf32>
    %add3A_1064 = arith.constant 0 : i32
    %add3A_1065 = vector.broadcast %add3A_1064 : i32 to vector<729x1xi32>
    %add3A_1066 = arith.addi %select_n3A, %add3A_1065 : vector<729x1xi32>
    %ge3A_1067 = arith.constant 0 : i32
    %ge3A_1068 = vector.broadcast %ge3A_1067 : i32 to vector<729x1xi32>
    %ge3A_1069 = arith.cmpi sge, %add3A_1066, %ge3A_1068 : vector<729x1xi32>
    %add3A_1070 = arith.constant 0 : i32
    %add3A_1071 = vector.broadcast %add3A_1070 : i32 to vector<729x1xi32>
    %add3A_1072 = arith.addi %select_n3A, %add3A_1071 : vector<729x1xi32>
    %lt3A_1073 = arith.constant 9 : i32
    %lt3A_1074 = vector.broadcast %lt3A_1073 : i32 to vector<729x1xi32>
    %lt3A_1075 = arith.cmpi slt, %add3A_1072, %lt3A_1074 : vector<729x1xi32>
    %and3A_1076 = arith.andi %ge3A_1069, %lt3A_1075 : vector<729x1xi1>
    %add3A_1077 = arith.constant 1 : i32
    %add3A_1078 = vector.broadcast %add3A_1077 : i32 to vector<729x1xi32>
    %add3A_1079 = arith.addi %select_n3A_105, %add3A_1078 : vector<729x1xi32>
    %ge3A_1080 = arith.constant 0 : i32
    %ge3A_1081 = vector.broadcast %ge3A_1080 : i32 to vector<729x1xi32>
    %ge3A_1082 = arith.cmpi sge, %add3A_1079, %ge3A_1081 : vector<729x1xi32>
    %add3A_1083 = arith.constant 1 : i32
    %add3A_1084 = vector.broadcast %add3A_1083 : i32 to vector<729x1xi32>
    %add3A_1085 = arith.addi %select_n3A_105, %add3A_1084 : vector<729x1xi32>
    %lt3A_1086 = arith.constant 9 : i32
    %lt3A_1087 = vector.broadcast %lt3A_1086 : i32 to vector<729x1xi32>
    %lt3A_1088 = arith.cmpi slt, %add3A_1085, %lt3A_1087 : vector<729x1xi32>
    %and3A_1089 = arith.andi %ge3A_1082, %lt3A_1088 : vector<729x1xi1>
    %add3A_1090 = arith.constant 1 : i32
    %add3A_1091 = vector.broadcast %add3A_1090 : i32 to vector<729x1xi32>
    %add3A_1092 = arith.addi %select_n3A_127, %add3A_1091 : vector<729x1xi32>
    %ge3A_1093 = arith.constant 0 : i32
    %ge3A_1094 = vector.broadcast %ge3A_1093 : i32 to vector<729x1xi32>
    %ge3A_1095 = arith.cmpi sge, %add3A_1092, %ge3A_1094 : vector<729x1xi32>
    %add3A_1096 = arith.constant 1 : i32
    %add3A_1097 = vector.broadcast %add3A_1096 : i32 to vector<729x1xi32>
    %add3A_1098 = arith.addi %select_n3A_127, %add3A_1097 : vector<729x1xi32>
    %lt3A_1099 = arith.constant 9 : i32
    %lt3A_1100 = vector.broadcast %lt3A_1099 : i32 to vector<729x1xi32>
    %lt3A_1101 = arith.cmpi slt, %add3A_1098, %lt3A_1100 : vector<729x1xi32>
    %and3A_1102 = arith.andi %ge3A_1095, %lt3A_1101 : vector<729x1xi1>
    %and3A_1103 = arith.andi %and3A_1089, %and3A_1102 : vector<729x1xi1>
    %and3A_1104 = arith.andi %and3A_1076, %and3A_1103 : vector<729x1xi1>
    %jit3A_1105 = arith.constant 0.000000e+00 : f32
    %broadcast_in_dim3A_1106 = vector.shape_cast %and3A_1104 : vector<729x1xi1> to vector<729x1xi1>
    %broadcast_in_dim3A_1107 = vector.broadcast %broadcast_in_dim3A_1106 : vector<729x1xi1> to vector<729x3xi1>
    %broadcast_in_dim3A_1108 = vector.broadcast %jit3A_1105 : f32 to vector<729x3xf32>
    %select_n3A_1109 = arith.select %broadcast_in_dim3A_1107, %slice3A_1063, %broadcast_in_dim3A_1108 : vector<729x3xi1>, vector<729x3xf32>
    %get3A_1110 = arith.constant 17 : index
    %get3A_1111 = arith.constant 0 : index
    %get3A_1112 = arith.constant 0 : index
    %get3A_1113 = vector.load %arg4[%get3A_1110, %get3A_1111, %get3A_1112] : memref<27x3x64xf32, #tpu.memory_space<vmem>>, vector<1x3x64xf32>
    %get3A_1114 = vector.shape_cast %get3A_1113 : vector<1x3x64xf32> to vector<3x64xf32>
    %dot_general3A_1115 = arith.constant dense<0.000000e+00> : vector<729x64xf32>
    %dot_general3A_1116 = tpu.matmul %select_n3A_1109, %get3A_1114, %dot_general3A_1115 {dimension_numbers = #tpu.dot_dimension_numbers<[1], [0], [0], [1], [0, 0, 1, 1], [], []>, transpose_lhs_hint = false} : vector<729x3xf32>, vector<3x64xf32>, vector<729x64xf32> -> vector<729x64xf32>
    %add3A_1117 = arith.addf %add3A_1062, %dot_general3A_1116 : vector<729x64xf32>
    %slice3A_1118 = vector.extract_strided_slice %concatenate3A {offsets = [167, 0], sizes = [729, 3], strides = [1, 1]} : vector<921x3xf32> to vector<729x3xf32>
    %add3A_1119 = arith.constant 1 : i32
    %add3A_1120 = vector.broadcast %add3A_1119 : i32 to vector<729x1xi32>
    %add3A_1121 = arith.addi %select_n3A, %add3A_1120 : vector<729x1xi32>
    %ge3A_1122 = arith.constant 0 : i32
    %ge3A_1123 = vector.broadcast %ge3A_1122 : i32 to vector<729x1xi32>
    %ge3A_1124 = arith.cmpi sge, %add3A_1121, %ge3A_1123 : vector<729x1xi32>
    %add3A_1125 = arith.constant 1 : i32
    %add3A_1126 = vector.broadcast %add3A_1125 : i32 to vector<729x1xi32>
    %add3A_1127 = arith.addi %select_n3A, %add3A_1126 : vector<729x1xi32>
    %lt3A_1128 = arith.constant 9 : i32
    %lt3A_1129 = vector.broadcast %lt3A_1128 : i32 to vector<729x1xi32>
    %lt3A_1130 = arith.cmpi slt, %add3A_1127, %lt3A_1129 : vector<729x1xi32>
    %and3A_1131 = arith.andi %ge3A_1124, %lt3A_1130 : vector<729x1xi1>
    %add3A_1132 = arith.constant -1 : i32
    %add3A_1133 = vector.broadcast %add3A_1132 : i32 to vector<729x1xi32>
    %add3A_1134 = arith.addi %select_n3A_105, %add3A_1133 : vector<729x1xi32>
    %ge3A_1135 = arith.constant 0 : i32
    %ge3A_1136 = vector.broadcast %ge3A_1135 : i32 to vector<729x1xi32>
    %ge3A_1137 = arith.cmpi sge, %add3A_1134, %ge3A_1136 : vector<729x1xi32>
    %add3A_1138 = arith.constant -1 : i32
    %add3A_1139 = vector.broadcast %add3A_1138 : i32 to vector<729x1xi32>
    %add3A_1140 = arith.addi %select_n3A_105, %add3A_1139 : vector<729x1xi32>
    %lt3A_1141 = arith.constant 9 : i32
    %lt3A_1142 = vector.broadcast %lt3A_1141 : i32 to vector<729x1xi32>
    %lt3A_1143 = arith.cmpi slt, %add3A_1140, %lt3A_1142 : vector<729x1xi32>
    %and3A_1144 = arith.andi %ge3A_1137, %lt3A_1143 : vector<729x1xi1>
    %add3A_1145 = arith.constant -1 : i32
    %add3A_1146 = vector.broadcast %add3A_1145 : i32 to vector<729x1xi32>
    %add3A_1147 = arith.addi %select_n3A_127, %add3A_1146 : vector<729x1xi32>
    %ge3A_1148 = arith.constant 0 : i32
    %ge3A_1149 = vector.broadcast %ge3A_1148 : i32 to vector<729x1xi32>
    %ge3A_1150 = arith.cmpi sge, %add3A_1147, %ge3A_1149 : vector<729x1xi32>
    %add3A_1151 = arith.constant -1 : i32
    %add3A_1152 = vector.broadcast %add3A_1151 : i32 to vector<729x1xi32>
    %add3A_1153 = arith.addi %select_n3A_127, %add3A_1152 : vector<729x1xi32>
    %lt3A_1154 = arith.constant 9 : i32
    %lt3A_1155 = vector.broadcast %lt3A_1154 : i32 to vector<729x1xi32>
    %lt3A_1156 = arith.cmpi slt, %add3A_1153, %lt3A_1155 : vector<729x1xi32>
    %and3A_1157 = arith.andi %ge3A_1150, %lt3A_1156 : vector<729x1xi1>
    %and3A_1158 = arith.andi %and3A_1144, %and3A_1157 : vector<729x1xi1>
    %and3A_1159 = arith.andi %and3A_1131, %and3A_1158 : vector<729x1xi1>
    %jit3A_1160 = arith.constant 0.000000e+00 : f32
    %broadcast_in_dim3A_1161 = vector.shape_cast %and3A_1159 : vector<729x1xi1> to vector<729x1xi1>
    %broadcast_in_dim3A_1162 = vector.broadcast %broadcast_in_dim3A_1161 : vector<729x1xi1> to vector<729x3xi1>
    %broadcast_in_dim3A_1163 = vector.broadcast %jit3A_1160 : f32 to vector<729x3xf32>
    %select_n3A_1164 = arith.select %broadcast_in_dim3A_1162, %slice3A_1118, %broadcast_in_dim3A_1163 : vector<729x3xi1>, vector<729x3xf32>
    %get3A_1165 = arith.constant 18 : index
    %get3A_1166 = arith.constant 0 : index
    %get3A_1167 = arith.constant 0 : index
    %get3A_1168 = vector.load %arg4[%get3A_1165, %get3A_1166, %get3A_1167] : memref<27x3x64xf32, #tpu.memory_space<vmem>>, vector<1x3x64xf32>
    %get3A_1169 = vector.shape_cast %get3A_1168 : vector<1x3x64xf32> to vector<3x64xf32>
    %dot_general3A_1170 = arith.constant dense<0.000000e+00> : vector<729x64xf32>
    %dot_general3A_1171 = tpu.matmul %select_n3A_1164, %get3A_1169, %dot_general3A_1170 {dimension_numbers = #tpu.dot_dimension_numbers<[1], [0], [0], [1], [0, 0, 1, 1], [], []>, transpose_lhs_hint = false} : vector<729x3xf32>, vector<3x64xf32>, vector<729x64xf32> -> vector<729x64xf32>
    %add3A_1172 = arith.addf %add3A_1117, %dot_general3A_1171 : vector<729x64xf32>
    %slice3A_1173 = vector.extract_strided_slice %concatenate3A {offsets = [168, 0], sizes = [729, 3], strides = [1, 1]} : vector<921x3xf32> to vector<729x3xf32>
    %add3A_1174 = arith.constant 1 : i32
    %add3A_1175 = vector.broadcast %add3A_1174 : i32 to vector<729x1xi32>
    %add3A_1176 = arith.addi %select_n3A, %add3A_1175 : vector<729x1xi32>
    %ge3A_1177 = arith.constant 0 : i32
    %ge3A_1178 = vector.broadcast %ge3A_1177 : i32 to vector<729x1xi32>
    %ge3A_1179 = arith.cmpi sge, %add3A_1176, %ge3A_1178 : vector<729x1xi32>
    %add3A_1180 = arith.constant 1 : i32
    %add3A_1181 = vector.broadcast %add3A_1180 : i32 to vector<729x1xi32>
    %add3A_1182 = arith.addi %select_n3A, %add3A_1181 : vector<729x1xi32>
    %lt3A_1183 = arith.constant 9 : i32
    %lt3A_1184 = vector.broadcast %lt3A_1183 : i32 to vector<729x1xi32>
    %lt3A_1185 = arith.cmpi slt, %add3A_1182, %lt3A_1184 : vector<729x1xi32>
    %and3A_1186 = arith.andi %ge3A_1179, %lt3A_1185 : vector<729x1xi1>
    %add3A_1187 = arith.constant -1 : i32
    %add3A_1188 = vector.broadcast %add3A_1187 : i32 to vector<729x1xi32>
    %add3A_1189 = arith.addi %select_n3A_105, %add3A_1188 : vector<729x1xi32>
    %ge3A_1190 = arith.constant 0 : i32
    %ge3A_1191 = vector.broadcast %ge3A_1190 : i32 to vector<729x1xi32>
    %ge3A_1192 = arith.cmpi sge, %add3A_1189, %ge3A_1191 : vector<729x1xi32>
    %add3A_1193 = arith.constant -1 : i32
    %add3A_1194 = vector.broadcast %add3A_1193 : i32 to vector<729x1xi32>
    %add3A_1195 = arith.addi %select_n3A_105, %add3A_1194 : vector<729x1xi32>
    %lt3A_1196 = arith.constant 9 : i32
    %lt3A_1197 = vector.broadcast %lt3A_1196 : i32 to vector<729x1xi32>
    %lt3A_1198 = arith.cmpi slt, %add3A_1195, %lt3A_1197 : vector<729x1xi32>
    %and3A_1199 = arith.andi %ge3A_1192, %lt3A_1198 : vector<729x1xi1>
    %add3A_1200 = arith.constant 0 : i32
    %add3A_1201 = vector.broadcast %add3A_1200 : i32 to vector<729x1xi32>
    %add3A_1202 = arith.addi %select_n3A_127, %add3A_1201 : vector<729x1xi32>
    %ge3A_1203 = arith.constant 0 : i32
    %ge3A_1204 = vector.broadcast %ge3A_1203 : i32 to vector<729x1xi32>
    %ge3A_1205 = arith.cmpi sge, %add3A_1202, %ge3A_1204 : vector<729x1xi32>
    %add3A_1206 = arith.constant 0 : i32
    %add3A_1207 = vector.broadcast %add3A_1206 : i32 to vector<729x1xi32>
    %add3A_1208 = arith.addi %select_n3A_127, %add3A_1207 : vector<729x1xi32>
    %lt3A_1209 = arith.constant 9 : i32
    %lt3A_1210 = vector.broadcast %lt3A_1209 : i32 to vector<729x1xi32>
    %lt3A_1211 = arith.cmpi slt, %add3A_1208, %lt3A_1210 : vector<729x1xi32>
    %and3A_1212 = arith.andi %ge3A_1205, %lt3A_1211 : vector<729x1xi1>
    %and3A_1213 = arith.andi %and3A_1199, %and3A_1212 : vector<729x1xi1>
    %and3A_1214 = arith.andi %and3A_1186, %and3A_1213 : vector<729x1xi1>
    %jit3A_1215 = arith.constant 0.000000e+00 : f32
    %broadcast_in_dim3A_1216 = vector.shape_cast %and3A_1214 : vector<729x1xi1> to vector<729x1xi1>
    %broadcast_in_dim3A_1217 = vector.broadcast %broadcast_in_dim3A_1216 : vector<729x1xi1> to vector<729x3xi1>
    %broadcast_in_dim3A_1218 = vector.broadcast %jit3A_1215 : f32 to vector<729x3xf32>
    %select_n3A_1219 = arith.select %broadcast_in_dim3A_1217, %slice3A_1173, %broadcast_in_dim3A_1218 : vector<729x3xi1>, vector<729x3xf32>
    %get3A_1220 = arith.constant 19 : index
    %get3A_1221 = arith.constant 0 : index
    %get3A_1222 = arith.constant 0 : index
    %get3A_1223 = vector.load %arg4[%get3A_1220, %get3A_1221, %get3A_1222] : memref<27x3x64xf32, #tpu.memory_space<vmem>>, vector<1x3x64xf32>
    %get3A_1224 = vector.shape_cast %get3A_1223 : vector<1x3x64xf32> to vector<3x64xf32>
    %dot_general3A_1225 = arith.constant dense<0.000000e+00> : vector<729x64xf32>
    %dot_general3A_1226 = tpu.matmul %select_n3A_1219, %get3A_1224, %dot_general3A_1225 {dimension_numbers = #tpu.dot_dimension_numbers<[1], [0], [0], [1], [0, 0, 1, 1], [], []>, transpose_lhs_hint = false} : vector<729x3xf32>, vector<3x64xf32>, vector<729x64xf32> -> vector<729x64xf32>
    %add3A_1227 = arith.addf %add3A_1172, %dot_general3A_1226 : vector<729x64xf32>
    %slice3A_1228 = vector.extract_strided_slice %concatenate3A {offsets = [169, 0], sizes = [729, 3], strides = [1, 1]} : vector<921x3xf32> to vector<729x3xf32>
    %add3A_1229 = arith.constant 1 : i32
    %add3A_1230 = vector.broadcast %add3A_1229 : i32 to vector<729x1xi32>
    %add3A_1231 = arith.addi %select_n3A, %add3A_1230 : vector<729x1xi32>
    %ge3A_1232 = arith.constant 0 : i32
    %ge3A_1233 = vector.broadcast %ge3A_1232 : i32 to vector<729x1xi32>
    %ge3A_1234 = arith.cmpi sge, %add3A_1231, %ge3A_1233 : vector<729x1xi32>
    %add3A_1235 = arith.constant 1 : i32
    %add3A_1236 = vector.broadcast %add3A_1235 : i32 to vector<729x1xi32>
    %add3A_1237 = arith.addi %select_n3A, %add3A_1236 : vector<729x1xi32>
    %lt3A_1238 = arith.constant 9 : i32
    %lt3A_1239 = vector.broadcast %lt3A_1238 : i32 to vector<729x1xi32>
    %lt3A_1240 = arith.cmpi slt, %add3A_1237, %lt3A_1239 : vector<729x1xi32>
    %and3A_1241 = arith.andi %ge3A_1234, %lt3A_1240 : vector<729x1xi1>
    %add3A_1242 = arith.constant -1 : i32
    %add3A_1243 = vector.broadcast %add3A_1242 : i32 to vector<729x1xi32>
    %add3A_1244 = arith.addi %select_n3A_105, %add3A_1243 : vector<729x1xi32>
    %ge3A_1245 = arith.constant 0 : i32
    %ge3A_1246 = vector.broadcast %ge3A_1245 : i32 to vector<729x1xi32>
    %ge3A_1247 = arith.cmpi sge, %add3A_1244, %ge3A_1246 : vector<729x1xi32>
    %add3A_1248 = arith.constant -1 : i32
    %add3A_1249 = vector.broadcast %add3A_1248 : i32 to vector<729x1xi32>
    %add3A_1250 = arith.addi %select_n3A_105, %add3A_1249 : vector<729x1xi32>
    %lt3A_1251 = arith.constant 9 : i32
    %lt3A_1252 = vector.broadcast %lt3A_1251 : i32 to vector<729x1xi32>
    %lt3A_1253 = arith.cmpi slt, %add3A_1250, %lt3A_1252 : vector<729x1xi32>
    %and3A_1254 = arith.andi %ge3A_1247, %lt3A_1253 : vector<729x1xi1>
    %add3A_1255 = arith.constant 1 : i32
    %add3A_1256 = vector.broadcast %add3A_1255 : i32 to vector<729x1xi32>
    %add3A_1257 = arith.addi %select_n3A_127, %add3A_1256 : vector<729x1xi32>
    %ge3A_1258 = arith.constant 0 : i32
    %ge3A_1259 = vector.broadcast %ge3A_1258 : i32 to vector<729x1xi32>
    %ge3A_1260 = arith.cmpi sge, %add3A_1257, %ge3A_1259 : vector<729x1xi32>
    %add3A_1261 = arith.constant 1 : i32
    %add3A_1262 = vector.broadcast %add3A_1261 : i32 to vector<729x1xi32>
    %add3A_1263 = arith.addi %select_n3A_127, %add3A_1262 : vector<729x1xi32>
    %lt3A_1264 = arith.constant 9 : i32
    %lt3A_1265 = vector.broadcast %lt3A_1264 : i32 to vector<729x1xi32>
    %lt3A_1266 = arith.cmpi slt, %add3A_1263, %lt3A_1265 : vector<729x1xi32>
    %and3A_1267 = arith.andi %ge3A_1260, %lt3A_1266 : vector<729x1xi1>
    %and3A_1268 = arith.andi %and3A_1254, %and3A_1267 : vector<729x1xi1>
    %and3A_1269 = arith.andi %and3A_1241, %and3A_1268 : vector<729x1xi1>
    %jit3A_1270 = arith.constant 0.000000e+00 : f32
    %broadcast_in_dim3A_1271 = vector.shape_cast %and3A_1269 : vector<729x1xi1> to vector<729x1xi1>
    %broadcast_in_dim3A_1272 = vector.broadcast %broadcast_in_dim3A_1271 : vector<729x1xi1> to vector<729x3xi1>
    %broadcast_in_dim3A_1273 = vector.broadcast %jit3A_1270 : f32 to vector<729x3xf32>
    %select_n3A_1274 = arith.select %broadcast_in_dim3A_1272, %slice3A_1228, %broadcast_in_dim3A_1273 : vector<729x3xi1>, vector<729x3xf32>
    %get3A_1275 = arith.constant 20 : index
    %get3A_1276 = arith.constant 0 : index
    %get3A_1277 = arith.constant 0 : index
    %get3A_1278 = vector.load %arg4[%get3A_1275, %get3A_1276, %get3A_1277] : memref<27x3x64xf32, #tpu.memory_space<vmem>>, vector<1x3x64xf32>
    %get3A_1279 = vector.shape_cast %get3A_1278 : vector<1x3x64xf32> to vector<3x64xf32>
    %dot_general3A_1280 = arith.constant dense<0.000000e+00> : vector<729x64xf32>
    %dot_general3A_1281 = tpu.matmul %select_n3A_1274, %get3A_1279, %dot_general3A_1280 {dimension_numbers = #tpu.dot_dimension_numbers<[1], [0], [0], [1], [0, 0, 1, 1], [], []>, transpose_lhs_hint = false} : vector<729x3xf32>, vector<3x64xf32>, vector<729x64xf32> -> vector<729x64xf32>
    %add3A_1282 = arith.addf %add3A_1227, %dot_general3A_1281 : vector<729x64xf32>
    %slice3A_1283 = vector.extract_strided_slice %concatenate3A {offsets = [176, 0], sizes = [729, 3], strides = [1, 1]} : vector<921x3xf32> to vector<729x3xf32>
    %add3A_1284 = arith.constant 1 : i32
    %add3A_1285 = vector.broadcast %add3A_1284 : i32 to vector<729x1xi32>
    %add3A_1286 = arith.addi %select_n3A, %add3A_1285 : vector<729x1xi32>
    %ge3A_1287 = arith.constant 0 : i32
    %ge3A_1288 = vector.broadcast %ge3A_1287 : i32 to vector<729x1xi32>
    %ge3A_1289 = arith.cmpi sge, %add3A_1286, %ge3A_1288 : vector<729x1xi32>
    %add3A_1290 = arith.constant 1 : i32
    %add3A_1291 = vector.broadcast %add3A_1290 : i32 to vector<729x1xi32>
    %add3A_1292 = arith.addi %select_n3A, %add3A_1291 : vector<729x1xi32>
    %lt3A_1293 = arith.constant 9 : i32
    %lt3A_1294 = vector.broadcast %lt3A_1293 : i32 to vector<729x1xi32>
    %lt3A_1295 = arith.cmpi slt, %add3A_1292, %lt3A_1294 : vector<729x1xi32>
    %and3A_1296 = arith.andi %ge3A_1289, %lt3A_1295 : vector<729x1xi1>
    %add3A_1297 = arith.constant 0 : i32
    %add3A_1298 = vector.broadcast %add3A_1297 : i32 to vector<729x1xi32>
    %add3A_1299 = arith.addi %select_n3A_105, %add3A_1298 : vector<729x1xi32>
    %ge3A_1300 = arith.constant 0 : i32
    %ge3A_1301 = vector.broadcast %ge3A_1300 : i32 to vector<729x1xi32>
    %ge3A_1302 = arith.cmpi sge, %add3A_1299, %ge3A_1301 : vector<729x1xi32>
    %add3A_1303 = arith.constant 0 : i32
    %add3A_1304 = vector.broadcast %add3A_1303 : i32 to vector<729x1xi32>
    %add3A_1305 = arith.addi %select_n3A_105, %add3A_1304 : vector<729x1xi32>
    %lt3A_1306 = arith.constant 9 : i32
    %lt3A_1307 = vector.broadcast %lt3A_1306 : i32 to vector<729x1xi32>
    %lt3A_1308 = arith.cmpi slt, %add3A_1305, %lt3A_1307 : vector<729x1xi32>
    %and3A_1309 = arith.andi %ge3A_1302, %lt3A_1308 : vector<729x1xi1>
    %add3A_1310 = arith.constant -1 : i32
    %add3A_1311 = vector.broadcast %add3A_1310 : i32 to vector<729x1xi32>
    %add3A_1312 = arith.addi %select_n3A_127, %add3A_1311 : vector<729x1xi32>
    %ge3A_1313 = arith.constant 0 : i32
    %ge3A_1314 = vector.broadcast %ge3A_1313 : i32 to vector<729x1xi32>
    %ge3A_1315 = arith.cmpi sge, %add3A_1312, %ge3A_1314 : vector<729x1xi32>
    %add3A_1316 = arith.constant -1 : i32
    %add3A_1317 = vector.broadcast %add3A_1316 : i32 to vector<729x1xi32>
    %add3A_1318 = arith.addi %select_n3A_127, %add3A_1317 : vector<729x1xi32>
    %lt3A_1319 = arith.constant 9 : i32
    %lt3A_1320 = vector.broadcast %lt3A_1319 : i32 to vector<729x1xi32>
    %lt3A_1321 = arith.cmpi slt, %add3A_1318, %lt3A_1320 : vector<729x1xi32>
    %and3A_1322 = arith.andi %ge3A_1315, %lt3A_1321 : vector<729x1xi1>
    %and3A_1323 = arith.andi %and3A_1309, %and3A_1322 : vector<729x1xi1>
    %and3A_1324 = arith.andi %and3A_1296, %and3A_1323 : vector<729x1xi1>
    %jit3A_1325 = arith.constant 0.000000e+00 : f32
    %broadcast_in_dim3A_1326 = vector.shape_cast %and3A_1324 : vector<729x1xi1> to vector<729x1xi1>
    %broadcast_in_dim3A_1327 = vector.broadcast %broadcast_in_dim3A_1326 : vector<729x1xi1> to vector<729x3xi1>
    %broadcast_in_dim3A_1328 = vector.broadcast %jit3A_1325 : f32 to vector<729x3xf32>
    %select_n3A_1329 = arith.select %broadcast_in_dim3A_1327, %slice3A_1283, %broadcast_in_dim3A_1328 : vector<729x3xi1>, vector<729x3xf32>
    %get3A_1330 = arith.constant 21 : index
    %get3A_1331 = arith.constant 0 : index
    %get3A_1332 = arith.constant 0 : index
    %get3A_1333 = vector.load %arg4[%get3A_1330, %get3A_1331, %get3A_1332] : memref<27x3x64xf32, #tpu.memory_space<vmem>>, vector<1x3x64xf32>
    %get3A_1334 = vector.shape_cast %get3A_1333 : vector<1x3x64xf32> to vector<3x64xf32>
    %dot_general3A_1335 = arith.constant dense<0.000000e+00> : vector<729x64xf32>
    %dot_general3A_1336 = tpu.matmul %select_n3A_1329, %get3A_1334, %dot_general3A_1335 {dimension_numbers = #tpu.dot_dimension_numbers<[1], [0], [0], [1], [0, 0, 1, 1], [], []>, transpose_lhs_hint = false} : vector<729x3xf32>, vector<3x64xf32>, vector<729x64xf32> -> vector<729x64xf32>
    %add3A_1337 = arith.addf %add3A_1282, %dot_general3A_1336 : vector<729x64xf32>
    %slice3A_1338 = vector.extract_strided_slice %concatenate3A {offsets = [177, 0], sizes = [729, 3], strides = [1, 1]} : vector<921x3xf32> to vector<729x3xf32>
    %add3A_1339 = arith.constant 1 : i32
    %add3A_1340 = vector.broadcast %add3A_1339 : i32 to vector<729x1xi32>
    %add3A_1341 = arith.addi %select_n3A, %add3A_1340 : vector<729x1xi32>
    %ge3A_1342 = arith.constant 0 : i32
    %ge3A_1343 = vector.broadcast %ge3A_1342 : i32 to vector<729x1xi32>
    %ge3A_1344 = arith.cmpi sge, %add3A_1341, %ge3A_1343 : vector<729x1xi32>
    %add3A_1345 = arith.constant 1 : i32
    %add3A_1346 = vector.broadcast %add3A_1345 : i32 to vector<729x1xi32>
    %add3A_1347 = arith.addi %select_n3A, %add3A_1346 : vector<729x1xi32>
    %lt3A_1348 = arith.constant 9 : i32
    %lt3A_1349 = vector.broadcast %lt3A_1348 : i32 to vector<729x1xi32>
    %lt3A_1350 = arith.cmpi slt, %add3A_1347, %lt3A_1349 : vector<729x1xi32>
    %and3A_1351 = arith.andi %ge3A_1344, %lt3A_1350 : vector<729x1xi1>
    %add3A_1352 = arith.constant 0 : i32
    %add3A_1353 = vector.broadcast %add3A_1352 : i32 to vector<729x1xi32>
    %add3A_1354 = arith.addi %select_n3A_105, %add3A_1353 : vector<729x1xi32>
    %ge3A_1355 = arith.constant 0 : i32
    %ge3A_1356 = vector.broadcast %ge3A_1355 : i32 to vector<729x1xi32>
    %ge3A_1357 = arith.cmpi sge, %add3A_1354, %ge3A_1356 : vector<729x1xi32>
    %add3A_1358 = arith.constant 0 : i32
    %add3A_1359 = vector.broadcast %add3A_1358 : i32 to vector<729x1xi32>
    %add3A_1360 = arith.addi %select_n3A_105, %add3A_1359 : vector<729x1xi32>
    %lt3A_1361 = arith.constant 9 : i32
    %lt3A_1362 = vector.broadcast %lt3A_1361 : i32 to vector<729x1xi32>
    %lt3A_1363 = arith.cmpi slt, %add3A_1360, %lt3A_1362 : vector<729x1xi32>
    %and3A_1364 = arith.andi %ge3A_1357, %lt3A_1363 : vector<729x1xi1>
    %add3A_1365 = arith.constant 0 : i32
    %add3A_1366 = vector.broadcast %add3A_1365 : i32 to vector<729x1xi32>
    %add3A_1367 = arith.addi %select_n3A_127, %add3A_1366 : vector<729x1xi32>
    %ge3A_1368 = arith.constant 0 : i32
    %ge3A_1369 = vector.broadcast %ge3A_1368 : i32 to vector<729x1xi32>
    %ge3A_1370 = arith.cmpi sge, %add3A_1367, %ge3A_1369 : vector<729x1xi32>
    %add3A_1371 = arith.constant 0 : i32
    %add3A_1372 = vector.broadcast %add3A_1371 : i32 to vector<729x1xi32>
    %add3A_1373 = arith.addi %select_n3A_127, %add3A_1372 : vector<729x1xi32>
    %lt3A_1374 = arith.constant 9 : i32
    %lt3A_1375 = vector.broadcast %lt3A_1374 : i32 to vector<729x1xi32>
    %lt3A_1376 = arith.cmpi slt, %add3A_1373, %lt3A_1375 : vector<729x1xi32>
    %and3A_1377 = arith.andi %ge3A_1370, %lt3A_1376 : vector<729x1xi1>
    %and3A_1378 = arith.andi %and3A_1364, %and3A_1377 : vector<729x1xi1>
    %and3A_1379 = arith.andi %and3A_1351, %and3A_1378 : vector<729x1xi1>
    %jit3A_1380 = arith.constant 0.000000e+00 : f32
    %broadcast_in_dim3A_1381 = vector.shape_cast %and3A_1379 : vector<729x1xi1> to vector<729x1xi1>
    %broadcast_in_dim3A_1382 = vector.broadcast %broadcast_in_dim3A_1381 : vector<729x1xi1> to vector<729x3xi1>
    %broadcast_in_dim3A_1383 = vector.broadcast %jit3A_1380 : f32 to vector<729x3xf32>
    %select_n3A_1384 = arith.select %broadcast_in_dim3A_1382, %slice3A_1338, %broadcast_in_dim3A_1383 : vector<729x3xi1>, vector<729x3xf32>
    %get3A_1385 = arith.constant 22 : index
    %get3A_1386 = arith.constant 0 : index
    %get3A_1387 = arith.constant 0 : index
    %get3A_1388 = vector.load %arg4[%get3A_1385, %get3A_1386, %get3A_1387] : memref<27x3x64xf32, #tpu.memory_space<vmem>>, vector<1x3x64xf32>
    %get3A_1389 = vector.shape_cast %get3A_1388 : vector<1x3x64xf32> to vector<3x64xf32>
    %dot_general3A_1390 = arith.constant dense<0.000000e+00> : vector<729x64xf32>
    %dot_general3A_1391 = tpu.matmul %select_n3A_1384, %get3A_1389, %dot_general3A_1390 {dimension_numbers = #tpu.dot_dimension_numbers<[1], [0], [0], [1], [0, 0, 1, 1], [], []>, transpose_lhs_hint = false} : vector<729x3xf32>, vector<3x64xf32>, vector<729x64xf32> -> vector<729x64xf32>
    %add3A_1392 = arith.addf %add3A_1337, %dot_general3A_1391 : vector<729x64xf32>
    %slice3A_1393 = vector.extract_strided_slice %concatenate3A {offsets = [178, 0], sizes = [729, 3], strides = [1, 1]} : vector<921x3xf32> to vector<729x3xf32>
    %add3A_1394 = arith.constant 1 : i32
    %add3A_1395 = vector.broadcast %add3A_1394 : i32 to vector<729x1xi32>
    %add3A_1396 = arith.addi %select_n3A, %add3A_1395 : vector<729x1xi32>
    %ge3A_1397 = arith.constant 0 : i32
    %ge3A_1398 = vector.broadcast %ge3A_1397 : i32 to vector<729x1xi32>
    %ge3A_1399 = arith.cmpi sge, %add3A_1396, %ge3A_1398 : vector<729x1xi32>
    %add3A_1400 = arith.constant 1 : i32
    %add3A_1401 = vector.broadcast %add3A_1400 : i32 to vector<729x1xi32>
    %add3A_1402 = arith.addi %select_n3A, %add3A_1401 : vector<729x1xi32>
    %lt3A_1403 = arith.constant 9 : i32
    %lt3A_1404 = vector.broadcast %lt3A_1403 : i32 to vector<729x1xi32>
    %lt3A_1405 = arith.cmpi slt, %add3A_1402, %lt3A_1404 : vector<729x1xi32>
    %and3A_1406 = arith.andi %ge3A_1399, %lt3A_1405 : vector<729x1xi1>
    %add3A_1407 = arith.constant 0 : i32
    %add3A_1408 = vector.broadcast %add3A_1407 : i32 to vector<729x1xi32>
    %add3A_1409 = arith.addi %select_n3A_105, %add3A_1408 : vector<729x1xi32>
    %ge3A_1410 = arith.constant 0 : i32
    %ge3A_1411 = vector.broadcast %ge3A_1410 : i32 to vector<729x1xi32>
    %ge3A_1412 = arith.cmpi sge, %add3A_1409, %ge3A_1411 : vector<729x1xi32>
    %add3A_1413 = arith.constant 0 : i32
    %add3A_1414 = vector.broadcast %add3A_1413 : i32 to vector<729x1xi32>
    %add3A_1415 = arith.addi %select_n3A_105, %add3A_1414 : vector<729x1xi32>
    %lt3A_1416 = arith.constant 9 : i32
    %lt3A_1417 = vector.broadcast %lt3A_1416 : i32 to vector<729x1xi32>
    %lt3A_1418 = arith.cmpi slt, %add3A_1415, %lt3A_1417 : vector<729x1xi32>
    %and3A_1419 = arith.andi %ge3A_1412, %lt3A_1418 : vector<729x1xi1>
    %add3A_1420 = arith.constant 1 : i32
    %add3A_1421 = vector.broadcast %add3A_1420 : i32 to vector<729x1xi32>
    %add3A_1422 = arith.addi %select_n3A_127, %add3A_1421 : vector<729x1xi32>
    %ge3A_1423 = arith.constant 0 : i32
    %ge3A_1424 = vector.broadcast %ge3A_1423 : i32 to vector<729x1xi32>
    %ge3A_1425 = arith.cmpi sge, %add3A_1422, %ge3A_1424 : vector<729x1xi32>
    %add3A_1426 = arith.constant 1 : i32
    %add3A_1427 = vector.broadcast %add3A_1426 : i32 to vector<729x1xi32>
    %add3A_1428 = arith.addi %select_n3A_127, %add3A_1427 : vector<729x1xi32>
    %lt3A_1429 = arith.constant 9 : i32
    %lt3A_1430 = vector.broadcast %lt3A_1429 : i32 to vector<729x1xi32>
    %lt3A_1431 = arith.cmpi slt, %add3A_1428, %lt3A_1430 : vector<729x1xi32>
    %and3A_1432 = arith.andi %ge3A_1425, %lt3A_1431 : vector<729x1xi1>
    %and3A_1433 = arith.andi %and3A_1419, %and3A_1432 : vector<729x1xi1>
    %and3A_1434 = arith.andi %and3A_1406, %and3A_1433 : vector<729x1xi1>
    %jit3A_1435 = arith.constant 0.000000e+00 : f32
    %broadcast_in_dim3A_1436 = vector.shape_cast %and3A_1434 : vector<729x1xi1> to vector<729x1xi1>
    %broadcast_in_dim3A_1437 = vector.broadcast %broadcast_in_dim3A_1436 : vector<729x1xi1> to vector<729x3xi1>
    %broadcast_in_dim3A_1438 = vector.broadcast %jit3A_1435 : f32 to vector<729x3xf32>
    %select_n3A_1439 = arith.select %broadcast_in_dim3A_1437, %slice3A_1393, %broadcast_in_dim3A_1438 : vector<729x3xi1>, vector<729x3xf32>
    %get3A_1440 = arith.constant 23 : index
    %get3A_1441 = arith.constant 0 : index
    %get3A_1442 = arith.constant 0 : index
    %get3A_1443 = vector.load %arg4[%get3A_1440, %get3A_1441, %get3A_1442] : memref<27x3x64xf32, #tpu.memory_space<vmem>>, vector<1x3x64xf32>
    %get3A_1444 = vector.shape_cast %get3A_1443 : vector<1x3x64xf32> to vector<3x64xf32>
    %dot_general3A_1445 = arith.constant dense<0.000000e+00> : vector<729x64xf32>
    %dot_general3A_1446 = tpu.matmul %select_n3A_1439, %get3A_1444, %dot_general3A_1445 {dimension_numbers = #tpu.dot_dimension_numbers<[1], [0], [0], [1], [0, 0, 1, 1], [], []>, transpose_lhs_hint = false} : vector<729x3xf32>, vector<3x64xf32>, vector<729x64xf32> -> vector<729x64xf32>
    %add3A_1447 = arith.addf %add3A_1392, %dot_general3A_1446 : vector<729x64xf32>
    %slice3A_1448 = vector.extract_strided_slice %concatenate3A {offsets = [185, 0], sizes = [729, 3], strides = [1, 1]} : vector<921x3xf32> to vector<729x3xf32>
    %add3A_1449 = arith.constant 1 : i32
    %add3A_1450 = vector.broadcast %add3A_1449 : i32 to vector<729x1xi32>
    %add3A_1451 = arith.addi %select_n3A, %add3A_1450 : vector<729x1xi32>
    %ge3A_1452 = arith.constant 0 : i32
    %ge3A_1453 = vector.broadcast %ge3A_1452 : i32 to vector<729x1xi32>
    %ge3A_1454 = arith.cmpi sge, %add3A_1451, %ge3A_1453 : vector<729x1xi32>
    %add3A_1455 = arith.constant 1 : i32
    %add3A_1456 = vector.broadcast %add3A_1455 : i32 to vector<729x1xi32>
    %add3A_1457 = arith.addi %select_n3A, %add3A_1456 : vector<729x1xi32>
    %lt3A_1458 = arith.constant 9 : i32
    %lt3A_1459 = vector.broadcast %lt3A_1458 : i32 to vector<729x1xi32>
    %lt3A_1460 = arith.cmpi slt, %add3A_1457, %lt3A_1459 : vector<729x1xi32>
    %and3A_1461 = arith.andi %ge3A_1454, %lt3A_1460 : vector<729x1xi1>
    %add3A_1462 = arith.constant 1 : i32
    %add3A_1463 = vector.broadcast %add3A_1462 : i32 to vector<729x1xi32>
    %add3A_1464 = arith.addi %select_n3A_105, %add3A_1463 : vector<729x1xi32>
    %ge3A_1465 = arith.constant 0 : i32
    %ge3A_1466 = vector.broadcast %ge3A_1465 : i32 to vector<729x1xi32>
    %ge3A_1467 = arith.cmpi sge, %add3A_1464, %ge3A_1466 : vector<729x1xi32>
    %add3A_1468 = arith.constant 1 : i32
    %add3A_1469 = vector.broadcast %add3A_1468 : i32 to vector<729x1xi32>
    %add3A_1470 = arith.addi %select_n3A_105, %add3A_1469 : vector<729x1xi32>
    %lt3A_1471 = arith.constant 9 : i32
    %lt3A_1472 = vector.broadcast %lt3A_1471 : i32 to vector<729x1xi32>
    %lt3A_1473 = arith.cmpi slt, %add3A_1470, %lt3A_1472 : vector<729x1xi32>
    %and3A_1474 = arith.andi %ge3A_1467, %lt3A_1473 : vector<729x1xi1>
    %add3A_1475 = arith.constant -1 : i32
    %add3A_1476 = vector.broadcast %add3A_1475 : i32 to vector<729x1xi32>
    %add3A_1477 = arith.addi %select_n3A_127, %add3A_1476 : vector<729x1xi32>
    %ge3A_1478 = arith.constant 0 : i32
    %ge3A_1479 = vector.broadcast %ge3A_1478 : i32 to vector<729x1xi32>
    %ge3A_1480 = arith.cmpi sge, %add3A_1477, %ge3A_1479 : vector<729x1xi32>
    %add3A_1481 = arith.constant -1 : i32
    %add3A_1482 = vector.broadcast %add3A_1481 : i32 to vector<729x1xi32>
    %add3A_1483 = arith.addi %select_n3A_127, %add3A_1482 : vector<729x1xi32>
    %lt3A_1484 = arith.constant 9 : i32
    %lt3A_1485 = vector.broadcast %lt3A_1484 : i32 to vector<729x1xi32>
    %lt3A_1486 = arith.cmpi slt, %add3A_1483, %lt3A_1485 : vector<729x1xi32>
    %and3A_1487 = arith.andi %ge3A_1480, %lt3A_1486 : vector<729x1xi1>
    %and3A_1488 = arith.andi %and3A_1474, %and3A_1487 : vector<729x1xi1>
    %and3A_1489 = arith.andi %and3A_1461, %and3A_1488 : vector<729x1xi1>
    %jit3A_1490 = arith.constant 0.000000e+00 : f32
    %broadcast_in_dim3A_1491 = vector.shape_cast %and3A_1489 : vector<729x1xi1> to vector<729x1xi1>
    %broadcast_in_dim3A_1492 = vector.broadcast %broadcast_in_dim3A_1491 : vector<729x1xi1> to vector<729x3xi1>
    %broadcast_in_dim3A_1493 = vector.broadcast %jit3A_1490 : f32 to vector<729x3xf32>
    %select_n3A_1494 = arith.select %broadcast_in_dim3A_1492, %slice3A_1448, %broadcast_in_dim3A_1493 : vector<729x3xi1>, vector<729x3xf32>
    %get3A_1495 = arith.constant 24 : index
    %get3A_1496 = arith.constant 0 : index
    %get3A_1497 = arith.constant 0 : index
    %get3A_1498 = vector.load %arg4[%get3A_1495, %get3A_1496, %get3A_1497] : memref<27x3x64xf32, #tpu.memory_space<vmem>>, vector<1x3x64xf32>
    %get3A_1499 = vector.shape_cast %get3A_1498 : vector<1x3x64xf32> to vector<3x64xf32>
    %dot_general3A_1500 = arith.constant dense<0.000000e+00> : vector<729x64xf32>
    %dot_general3A_1501 = tpu.matmul %select_n3A_1494, %get3A_1499, %dot_general3A_1500 {dimension_numbers = #tpu.dot_dimension_numbers<[1], [0], [0], [1], [0, 0, 1, 1], [], []>, transpose_lhs_hint = false} : vector<729x3xf32>, vector<3x64xf32>, vector<729x64xf32> -> vector<729x64xf32>
    %add3A_1502 = arith.addf %add3A_1447, %dot_general3A_1501 : vector<729x64xf32>
    %slice3A_1503 = vector.extract_strided_slice %concatenate3A {offsets = [186, 0], sizes = [729, 3], strides = [1, 1]} : vector<921x3xf32> to vector<729x3xf32>
    %add3A_1504 = arith.constant 1 : i32
    %add3A_1505 = vector.broadcast %add3A_1504 : i32 to vector<729x1xi32>
    %add3A_1506 = arith.addi %select_n3A, %add3A_1505 : vector<729x1xi32>
    %ge3A_1507 = arith.constant 0 : i32
    %ge3A_1508 = vector.broadcast %ge3A_1507 : i32 to vector<729x1xi32>
    %ge3A_1509 = arith.cmpi sge, %add3A_1506, %ge3A_1508 : vector<729x1xi32>
    %add3A_1510 = arith.constant 1 : i32
    %add3A_1511 = vector.broadcast %add3A_1510 : i32 to vector<729x1xi32>
    %add3A_1512 = arith.addi %select_n3A, %add3A_1511 : vector<729x1xi32>
    %lt3A_1513 = arith.constant 9 : i32
    %lt3A_1514 = vector.broadcast %lt3A_1513 : i32 to vector<729x1xi32>
    %lt3A_1515 = arith.cmpi slt, %add3A_1512, %lt3A_1514 : vector<729x1xi32>
    %and3A_1516 = arith.andi %ge3A_1509, %lt3A_1515 : vector<729x1xi1>
    %add3A_1517 = arith.constant 1 : i32
    %add3A_1518 = vector.broadcast %add3A_1517 : i32 to vector<729x1xi32>
    %add3A_1519 = arith.addi %select_n3A_105, %add3A_1518 : vector<729x1xi32>
    %ge3A_1520 = arith.constant 0 : i32
    %ge3A_1521 = vector.broadcast %ge3A_1520 : i32 to vector<729x1xi32>
    %ge3A_1522 = arith.cmpi sge, %add3A_1519, %ge3A_1521 : vector<729x1xi32>
    %add3A_1523 = arith.constant 1 : i32
    %add3A_1524 = vector.broadcast %add3A_1523 : i32 to vector<729x1xi32>
    %add3A_1525 = arith.addi %select_n3A_105, %add3A_1524 : vector<729x1xi32>
    %lt3A_1526 = arith.constant 9 : i32
    %lt3A_1527 = vector.broadcast %lt3A_1526 : i32 to vector<729x1xi32>
    %lt3A_1528 = arith.cmpi slt, %add3A_1525, %lt3A_1527 : vector<729x1xi32>
    %and3A_1529 = arith.andi %ge3A_1522, %lt3A_1528 : vector<729x1xi1>
    %add3A_1530 = arith.constant 0 : i32
    %add3A_1531 = vector.broadcast %add3A_1530 : i32 to vector<729x1xi32>
    %add3A_1532 = arith.addi %select_n3A_127, %add3A_1531 : vector<729x1xi32>
    %ge3A_1533 = arith.constant 0 : i32
    %ge3A_1534 = vector.broadcast %ge3A_1533 : i32 to vector<729x1xi32>
    %ge3A_1535 = arith.cmpi sge, %add3A_1532, %ge3A_1534 : vector<729x1xi32>
    %add3A_1536 = arith.constant 0 : i32
    %add3A_1537 = vector.broadcast %add3A_1536 : i32 to vector<729x1xi32>
    %add3A_1538 = arith.addi %select_n3A_127, %add3A_1537 : vector<729x1xi32>
    %lt3A_1539 = arith.constant 9 : i32
    %lt3A_1540 = vector.broadcast %lt3A_1539 : i32 to vector<729x1xi32>
    %lt3A_1541 = arith.cmpi slt, %add3A_1538, %lt3A_1540 : vector<729x1xi32>
    %and3A_1542 = arith.andi %ge3A_1535, %lt3A_1541 : vector<729x1xi1>
    %and3A_1543 = arith.andi %and3A_1529, %and3A_1542 : vector<729x1xi1>
    %and3A_1544 = arith.andi %and3A_1516, %and3A_1543 : vector<729x1xi1>
    %jit3A_1545 = arith.constant 0.000000e+00 : f32
    %broadcast_in_dim3A_1546 = vector.shape_cast %and3A_1544 : vector<729x1xi1> to vector<729x1xi1>
    %broadcast_in_dim3A_1547 = vector.broadcast %broadcast_in_dim3A_1546 : vector<729x1xi1> to vector<729x3xi1>
    %broadcast_in_dim3A_1548 = vector.broadcast %jit3A_1545 : f32 to vector<729x3xf32>
    %select_n3A_1549 = arith.select %broadcast_in_dim3A_1547, %slice3A_1503, %broadcast_in_dim3A_1548 : vector<729x3xi1>, vector<729x3xf32>
    %get3A_1550 = arith.constant 25 : index
    %get3A_1551 = arith.constant 0 : index
    %get3A_1552 = arith.constant 0 : index
    %get3A_1553 = vector.load %arg4[%get3A_1550, %get3A_1551, %get3A_1552] : memref<27x3x64xf32, #tpu.memory_space<vmem>>, vector<1x3x64xf32>
    %get3A_1554 = vector.shape_cast %get3A_1553 : vector<1x3x64xf32> to vector<3x64xf32>
    %dot_general3A_1555 = arith.constant dense<0.000000e+00> : vector<729x64xf32>
    %dot_general3A_1556 = tpu.matmul %select_n3A_1549, %get3A_1554, %dot_general3A_1555 {dimension_numbers = #tpu.dot_dimension_numbers<[1], [0], [0], [1], [0, 0, 1, 1], [], []>, transpose_lhs_hint = false} : vector<729x3xf32>, vector<3x64xf32>, vector<729x64xf32> -> vector<729x64xf32>
    %add3A_1557 = arith.addf %add3A_1502, %dot_general3A_1556 : vector<729x64xf32>
    %slice3A_1558 = vector.extract_strided_slice %concatenate3A {offsets = [187, 0], sizes = [729, 3], strides = [1, 1]} : vector<921x3xf32> to vector<729x3xf32>
    %add3A_1559 = arith.constant 1 : i32
    %add3A_1560 = vector.broadcast %add3A_1559 : i32 to vector<729x1xi32>
    %add3A_1561 = arith.addi %select_n3A, %add3A_1560 : vector<729x1xi32>
    %ge3A_1562 = arith.constant 0 : i32
    %ge3A_1563 = vector.broadcast %ge3A_1562 : i32 to vector<729x1xi32>
    %ge3A_1564 = arith.cmpi sge, %add3A_1561, %ge3A_1563 : vector<729x1xi32>
    %add3A_1565 = arith.constant 1 : i32
    %add3A_1566 = vector.broadcast %add3A_1565 : i32 to vector<729x1xi32>
    %add3A_1567 = arith.addi %select_n3A, %add3A_1566 : vector<729x1xi32>
    %lt3A_1568 = arith.constant 9 : i32
    %lt3A_1569 = vector.broadcast %lt3A_1568 : i32 to vector<729x1xi32>
    %lt3A_1570 = arith.cmpi slt, %add3A_1567, %lt3A_1569 : vector<729x1xi32>
    %and3A_1571 = arith.andi %ge3A_1564, %lt3A_1570 : vector<729x1xi1>
    %add3A_1572 = arith.constant 1 : i32
    %add3A_1573 = vector.broadcast %add3A_1572 : i32 to vector<729x1xi32>
    %add3A_1574 = arith.addi %select_n3A_105, %add3A_1573 : vector<729x1xi32>
    %ge3A_1575 = arith.constant 0 : i32
    %ge3A_1576 = vector.broadcast %ge3A_1575 : i32 to vector<729x1xi32>
    %ge3A_1577 = arith.cmpi sge, %add3A_1574, %ge3A_1576 : vector<729x1xi32>
    %add3A_1578 = arith.constant 1 : i32
    %add3A_1579 = vector.broadcast %add3A_1578 : i32 to vector<729x1xi32>
    %add3A_1580 = arith.addi %select_n3A_105, %add3A_1579 : vector<729x1xi32>
    %lt3A_1581 = arith.constant 9 : i32
    %lt3A_1582 = vector.broadcast %lt3A_1581 : i32 to vector<729x1xi32>
    %lt3A_1583 = arith.cmpi slt, %add3A_1580, %lt3A_1582 : vector<729x1xi32>
    %and3A_1584 = arith.andi %ge3A_1577, %lt3A_1583 : vector<729x1xi1>
    %add3A_1585 = arith.constant 1 : i32
    %add3A_1586 = vector.broadcast %add3A_1585 : i32 to vector<729x1xi32>
    %add3A_1587 = arith.addi %select_n3A_127, %add3A_1586 : vector<729x1xi32>
    %ge3A_1588 = arith.constant 0 : i32
    %ge3A_1589 = vector.broadcast %ge3A_1588 : i32 to vector<729x1xi32>
    %ge3A_1590 = arith.cmpi sge, %add3A_1587, %ge3A_1589 : vector<729x1xi32>
    %add3A_1591 = arith.constant 1 : i32
    %add3A_1592 = vector.broadcast %add3A_1591 : i32 to vector<729x1xi32>
    %add3A_1593 = arith.addi %select_n3A_127, %add3A_1592 : vector<729x1xi32>
    %lt3A_1594 = arith.constant 9 : i32
    %lt3A_1595 = vector.broadcast %lt3A_1594 : i32 to vector<729x1xi32>
    %lt3A_1596 = arith.cmpi slt, %add3A_1593, %lt3A_1595 : vector<729x1xi32>
    %and3A_1597 = arith.andi %ge3A_1590, %lt3A_1596 : vector<729x1xi1>
    %and3A_1598 = arith.andi %and3A_1584, %and3A_1597 : vector<729x1xi1>
    %and3A_1599 = arith.andi %and3A_1571, %and3A_1598 : vector<729x1xi1>
    %jit3A_1600 = arith.constant 0.000000e+00 : f32
    %broadcast_in_dim3A_1601 = vector.shape_cast %and3A_1599 : vector<729x1xi1> to vector<729x1xi1>
    %broadcast_in_dim3A_1602 = vector.broadcast %broadcast_in_dim3A_1601 : vector<729x1xi1> to vector<729x3xi1>
    %broadcast_in_dim3A_1603 = vector.broadcast %jit3A_1600 : f32 to vector<729x3xf32>
    %select_n3A_1604 = arith.select %broadcast_in_dim3A_1602, %slice3A_1558, %broadcast_in_dim3A_1603 : vector<729x3xi1>, vector<729x3xf32>
    %get3A_1605 = arith.constant 26 : index
    %get3A_1606 = arith.constant 0 : index
    %get3A_1607 = arith.constant 0 : index
    %get3A_1608 = vector.load %arg4[%get3A_1605, %get3A_1606, %get3A_1607] : memref<27x3x64xf32, #tpu.memory_space<vmem>>, vector<1x3x64xf32>
    %get3A_1609 = vector.shape_cast %get3A_1608 : vector<1x3x64xf32> to vector<3x64xf32>
    %dot_general3A_1610 = arith.constant dense<0.000000e+00> : vector<729x64xf32>
    %dot_general3A_1611 = tpu.matmul %select_n3A_1604, %get3A_1609, %dot_general3A_1610 {dimension_numbers = #tpu.dot_dimension_numbers<[1], [0], [0], [1], [0, 0, 1, 1], [], []>, transpose_lhs_hint = false} : vector<729x3xf32>, vector<3x64xf32>, vector<729x64xf32> -> vector<729x64xf32>
    %add3A_1612 = arith.addf %add3A_1557, %dot_general3A_1611 : vector<729x64xf32>
    %add3A_1613 = vector.broadcast %get3A_27 : vector<1x64xf32> to vector<729x64xf32>
    %add3A_1614 = arith.addf %add3A_1612, %add3A_1613 : vector<729x64xf32>
    %jit3A_1615 = arith.constant 0 : i32
    %convert_element_type3A_1616 = arith.sitofp %jit3A_1615 : i32 to f32
    %pad3A = vector.broadcast %convert_element_type3A_1616 : f32 to vector<7x64xf32>
    %pad3A_1617 = tpu.concatenate %add3A_1614, %pad3A in 0 : vector<729x64xf32>, vector<7x64xf32> -> vector<736x64xf32>
    %pad3A_1618 = vector.broadcast %convert_element_type3A_1616 : f32 to vector<736x64xf32>
    %pad3A_1619 = tpu.concatenate %pad3A_1617, %pad3A_1618 in 1 : vector<736x64xf32>, vector<736x64xf32> -> vector<736x128xf32>
    %swap3A = arith.constant 0 : index
    %swap3A_1620 = arith.constant 0 : index
    %swap3A_1621 = vector.load %arg6[%swap3A, %swap3A_1620] : memref<736x128xf32, #tpu.memory_space<vmem>>, vector<736x128xf32>
    tpu.vector_store %arg6[%swap3A, %swap3A_1620], %pad3A_1619 {strides = array<i32>} : memref<736x128xf32, #tpu.memory_space<vmem>>, vector<736x128xf32>,
    %get3A_1622 = arith.constant 0 : index
    %get3A_1623 = arith.constant 0 : index
    %get3A_1624 = vector.load %arg2[%get3A_1622, %get3A_1623] : memref<64x3xf32, #tpu.memory_space<vmem>>, vector<64x3xf32>
    %dot_general3A_1625 = arith.constant dense<0.000000e+00> : vector<729x64xf32>
    %dot_general3A_1626 = tpu.matmul %get3A_1, %get3A_1624, %dot_general3A_1625 {dimension_numbers = #tpu.dot_dimension_numbers<[1], [1], [0], [0], [0, 0, 1, 0], [], []>, transpose_lhs_hint = false} : vector<729x3xf32>, vector<64x3xf32>, vector<729x64xf32> -> vector<729x64xf32>
    %get3A_1627 = arith.constant 0 : index
    %get3A_1628 = arith.constant 0 : index
    %get3A_1629 = vector.load %arg3[%get3A_1627, %get3A_1628] : memref<1x64xf32, #tpu.memory_space<vmem>>, vector<1x64xf32>
    %mul3A_1630 = vector.broadcast %get3A_4 : vector<729x1xf32> to vector<729x64xf32>
    %mul3A_1631 = vector.broadcast %get3A_1629 : vector<1x64xf32> to vector<729x64xf32>
    %mul3A_1632 = arith.mulf %mul3A_1630, %mul3A_1631 : vector<729x64xf32>
    %add3A_1633 = arith.addf %dot_general3A_1626, %mul3A_1632 : vector<729x64xf32>
    %swap3A_1634 = arith.constant 0 : index
    %swap3A_1635 = arith.constant 0 : index
    %swap3A_1636 = vector.load %arg7[%swap3A_1634, %swap3A_1635] : memref<729x64xf32, #tpu.memory_space<vmem>>, vector<729x64xf32>
    tpu.vector_store %arg7[%swap3A_1634, %swap3A_1635], %add3A_1633 {strides = array<i32>} : memref<729x64xf32, #tpu.memory_space<vmem>>, vector<729x64xf32>,
    return
  }
}

module attributes {stable_mosaic.version = 14 : i64} {
  func.func @_hist_kernel(%arg0: i32, %arg1: memref<2000x3xf32, #tpu.memory_space<vmem>>, %arg2: memref<1x1x2000xi32, #tpu.memory_space<vmem>>, %arg3: memref<1x1x2000xi32, #tpu.memory_space<vmem>>, %arg4: memref<729x4xf32, #tpu.memory_space<vmem>>, %arg5: memref<729x1xf32, #tpu.memory_space<vmem>>) attributes {dimension_semantics = [#tpu.dimension_semantics<arbitrary>], iteration_bounds = array<i64: 50>, scalar_prefetch = 0 : i64, scratch_operands = 0 : i64, tpu.core_type = #tpu.core_type<tc>, window_params = [{transform_indices = @transform_0, window_bounds = array<i64: 2000, 3>}, {transform_indices = @transform_1, window_bounds = array<i64: 1, 1, 2000>}, {transform_indices = @transform_2, window_bounds = array<i64: 1, 1, 2000>}, {pipeline_mode = #tpu.pipeline_mode<synchronous>, transform_indices = @transform_3, window_bounds = array<i64: 729, 4>}, {pipeline_mode = #tpu.pipeline_mode<synchronous>, transform_indices = @transform_4, window_bounds = array<i64: 729, 1>}]} {
    %eq3A = arith.constant 0 : i32
    %eq3A_0 = arith.cmpi eq, %arg0, %eq3A : i32
    %convert_element_type3A = arith.extui %eq3A_0 : i1 to i32
    %cond3A = arith.constant 0 : i32
    %cond3A_1 = arith.cmpi ne, %convert_element_type3A, %cond3A : i32
    scf.if %cond3A_1 {
      %broadcast_in_dim3A_43 = arith.constant 0.000000e+00 : f32
      %broadcast_in_dim3A_44 = vector.broadcast %broadcast_in_dim3A_43 : f32 to vector<729x4xf32>
      %swap3A_45 = arith.constant 0 : index
      %swap3A_46 = arith.constant 0 : index
      %swap3A_47 = vector.load %arg4[%swap3A_45, %swap3A_46] : memref<729x4xf32, #tpu.memory_space<vmem>>, vector<729x4xf32>
      tpu.vector_store %arg4[%swap3A_45, %swap3A_46], %broadcast_in_dim3A_44 {strides = array<i32>} : memref<729x4xf32, #tpu.memory_space<vmem>>, vector<729x4xf32>,
      %broadcast_in_dim3A_48 = arith.constant 0.000000e+00 : f32
      %broadcast_in_dim3A_49 = vector.broadcast %broadcast_in_dim3A_48 : f32 to vector<729x1xf32>
      %swap3A_50 = arith.constant 0 : index
      %swap3A_51 = arith.constant 0 : index
      %swap3A_52 = vector.load %arg5[%swap3A_50, %swap3A_51] : memref<729x1xf32, #tpu.memory_space<vmem>>, vector<729x1xf32>
      tpu.vector_store %arg5[%swap3A_50, %swap3A_51], %broadcast_in_dim3A_49 {strides = array<i32>} : memref<729x1xf32, #tpu.memory_space<vmem>>, vector<729x1xf32>,
    } else {
    }
    %get3A = arith.constant 0 : index
    %get3A_2 = arith.constant 0 : index
    %get3A_3 = vector.load %arg1[%get3A, %get3A_2] : memref<2000x3xf32, #tpu.memory_space<vmem>>, vector<2000x3xf32>
    %get3A_4 = arith.constant 0 : index
    %get3A_5 = arith.constant 0 : index
    %get3A_6 = arith.constant 0 : index
    %get3A_7 = vector.load %arg2[%get3A_4, %get3A_5, %get3A_6] : memref<1x1x2000xi32, #tpu.memory_space<vmem>>, vector<1x1x2000xi32>
    %get3A_8 = vector.shape_cast %get3A_7 : vector<1x1x2000xi32> to vector<2000xi32>
    %get3A_9 = arith.constant 0 : index
    %get3A_10 = arith.constant 0 : index
    %get3A_11 = arith.constant 0 : index
    %get3A_12 = vector.load %arg3[%get3A_9, %get3A_10, %get3A_11] : memref<1x1x2000xi32, #tpu.memory_space<vmem>>, vector<1x1x2000xi32>
    %get3A_13 = vector.shape_cast %get3A_12 : vector<1x1x2000xi32> to vector<2000xi32>
    %broadcast_in_dim3A = arith.constant 1.000000e+00 : f32
    %broadcast_in_dim3A_14 = vector.broadcast %broadcast_in_dim3A : f32 to vector<2000x1xf32>
    %concatenate3A = tpu.concatenate %get3A_3, %broadcast_in_dim3A_14 in 1 : vector<2000x3xf32>, vector<2000x1xf32> -> vector<2000x4xf32>
    %iota3A = tpu.iota {dimensions = array<i32: 1>} : vector<2000x729xi32>
    %broadcast_in_dim3A_15 = vector.shape_cast %get3A_8 : vector<2000xi32> to vector<2000x1xi32>
    %eq3A_16 = vector.broadcast %broadcast_in_dim3A_15 : vector<2000x1xi32> to vector<2000x729xi32>
    %eq3A_17 = arith.cmpi eq, %eq3A_16, %iota3A : vector<2000x729xi32>
    %convert_element_type3A_18 = arith.extui %eq3A_17 : vector<2000x729xi1> to vector<2000x729xi32>
    %convert_element_type3A_19 = arith.sitofp %convert_element_type3A_18 : vector<2000x729xi32> to vector<2000x729xf32>
    %iota3A_20 = tpu.iota {dimensions = array<i32: 1>} : vector<2000x729xi32>
    %broadcast_in_dim3A_21 = vector.shape_cast %get3A_13 : vector<2000xi32> to vector<2000x1xi32>
    %eq3A_22 = vector.broadcast %broadcast_in_dim3A_21 : vector<2000x1xi32> to vector<2000x729xi32>
    %eq3A_23 = arith.cmpi eq, %eq3A_22, %iota3A_20 : vector<2000x729xi32>
    %convert_element_type3A_24 = arith.extui %eq3A_23 : vector<2000x729xi1> to vector<2000x729xi32>
    %convert_element_type3A_25 = arith.sitofp %convert_element_type3A_24 : vector<2000x729xi32> to vector<2000x729xf32>
    %get3A_26 = arith.constant 0 : index
    %get3A_27 = arith.constant 0 : index
    %get3A_28 = vector.load %arg4[%get3A_26, %get3A_27] : memref<729x4xf32, #tpu.memory_space<vmem>>, vector<729x4xf32>
    %dot_general3A = arith.constant dense<0.000000e+00> : vector<729x4xf32>
    %dot_general3A_29 = tpu.matmul %convert_element_type3A_19, %concatenate3A, %dot_general3A {dimension_numbers = #tpu.dot_dimension_numbers<[0], [0], [1], [1], [0, 1, 1, 1], [], []>, transpose_lhs_hint = false} : vector<2000x729xf32>, vector<2000x4xf32>, vector<729x4xf32> -> vector<729x4xf32>
    %add3A = arith.addf %get3A_28, %dot_general3A_29 : vector<729x4xf32>
    %swap3A = arith.constant 0 : index
    %swap3A_30 = arith.constant 0 : index
    %swap3A_31 = vector.load %arg4[%swap3A, %swap3A_30] : memref<729x4xf32, #tpu.memory_space<vmem>>, vector<729x4xf32>
    tpu.vector_store %arg4[%swap3A, %swap3A_30], %add3A {strides = array<i32>} : memref<729x4xf32, #tpu.memory_space<vmem>>, vector<729x4xf32>,
    %get3A_32 = arith.constant 0 : index
    %get3A_33 = arith.constant 0 : index
    %get3A_34 = vector.load %arg5[%get3A_32, %get3A_33] : memref<729x1xf32, #tpu.memory_space<vmem>>, vector<729x1xf32>
    %broadcast_in_dim3A_35 = arith.constant 1.000000e+00 : f32
    %broadcast_in_dim3A_36 = vector.broadcast %broadcast_in_dim3A_35 : f32 to vector<2000x1xf32>
    %dot_general3A_37 = arith.constant dense<0.000000e+00> : vector<729x1xf32>
    %dot_general3A_38 = tpu.matmul %convert_element_type3A_25, %broadcast_in_dim3A_36, %dot_general3A_37 {dimension_numbers = #tpu.dot_dimension_numbers<[0], [0], [1], [1], [0, 1, 1, 1], [], []>, transpose_lhs_hint = false} : vector<2000x729xf32>, vector<2000x1xf32>, vector<729x1xf32> -> vector<729x1xf32>
    %add3A_39 = arith.addf %get3A_34, %dot_general3A_38 : vector<729x1xf32>
    %swap3A_40 = arith.constant 0 : index
    %swap3A_41 = arith.constant 0 : index
    %swap3A_42 = vector.load %arg5[%swap3A_40, %swap3A_41] : memref<729x1xf32, #tpu.memory_space<vmem>>, vector<729x1xf32>
    tpu.vector_store %arg5[%swap3A_40, %swap3A_41], %add3A_39 {strides = array<i32>} : memref<729x1xf32, #tpu.memory_space<vmem>>, vector<729x1xf32>,
    return
  }
  func.func @transform_0(%arg0: i32) -> (i32, i32) {
    %c0_i32 = arith.constant 0 : i32
    %c0_i32_0 = arith.constant 0 : i32
    return %arg0, %c0_i32 : i32, i32
  }
  func.func @transform_1(%arg0: i32) -> (i32, i32, i32) {
    %c0_i32 = arith.constant 0 : i32
    %c0_i32_0 = arith.constant 0 : i32
    %c0_i32_1 = arith.constant 0 : i32
    return %arg0, %c0_i32, %c0_i32_0 : i32, i32, i32
  }
  func.func @transform_2(%arg0: i32) -> (i32, i32, i32) {
    %c0_i32 = arith.constant 0 : i32
    %c0_i32_0 = arith.constant 0 : i32
    %c0_i32_1 = arith.constant 0 : i32
    return %arg0, %c0_i32, %c0_i32_0 : i32, i32, i32
  }
  func.func @transform_3(%arg0: i32) -> (i32, i32) {
    %c0_i32 = arith.constant 0 : i32
    %c0_i32_0 = arith.constant 0 : i32
    %c0_i32_1 = arith.constant 0 : i32
    return %c0_i32, %c0_i32_0 : i32, i32
  }
  func.func @transform_4(%arg0: i32) -> (i32, i32) {
    %c0_i32 = arith.constant 0 : i32
    %c0_i32_0 = arith.constant 0 : i32
    %c0_i32_1 = arith.constant 0 : i32
    return %c0_i32, %c0_i32_0 : i32, i32
  }
}

module attributes {stable_mosaic.version = 14 : i64} {
  func.func @_dense2_kernel(%arg0: memref<729x4xf32, #tpu.memory_space<vmem>>, %arg1: memref<729x1xf32, #tpu.memory_space<vmem>>, %arg2: memref<729x64xf32, #tpu.memory_space<vmem>>, %arg3: memref<2x736x128xf32, #tpu.memory_space<vmem>>, %arg4: memref<736x128xf32, #tpu.memory_space<vmem>>, %arg5: memref<64x3xf32, #tpu.memory_space<vmem>>, %arg6: memref<1x64xf32, #tpu.memory_space<vmem>>, %arg7: memref<64x64xf32, #tpu.memory_space<vmem>>, %arg8: memref<1x64xf32, #tpu.memory_space<vmem>>, %arg9: memref<27x64x64xf32, #tpu.memory_space<vmem>>, %arg10: memref<1x64xf32, #tpu.memory_space<vmem>>, %arg11: memref<729x64xf32, #tpu.memory_space<vmem>>, %arg12: memref<3x64xf32, #tpu.memory_space<vmem>>, %arg13: memref<1x64xf32, #tpu.memory_space<vmem>>) attributes {dimension_semantics = [], scalar_prefetch = 0 : i64, scratch_operands = 0 : i64, tpu.core_type = #tpu.core_type<tc>} {
    %get3A = arith.constant 0 : index
    %get3A_0 = arith.constant 3 : index
    %get3A_1 = vector.load %arg0[%get3A, %get3A_0] : memref<729x4xf32, #tpu.memory_space<vmem>>, vector<729x1xf32>
    %get3A_2 = arith.constant 0 : index
    %get3A_3 = arith.constant 0 : index
    %get3A_4 = vector.load %arg1[%get3A_2, %get3A_3] : memref<729x1xf32, #tpu.memory_space<vmem>>, vector<729x1xf32>
    %gt3A = arith.constant 0.000000e+00 : f32
    %gt3A_5 = vector.broadcast %gt3A : f32 to vector<729x1xf32>
    %gt3A_6 = arith.cmpf ogt, %get3A_4, %gt3A_5 : vector<729x1xf32>
    %convert_element_type3A = arith.extui %gt3A_6 : vector<729x1xi1> to vector<729x1xi32>
    %convert_element_type3A_7 = arith.sitofp %convert_element_type3A : vector<729x1xi32> to vector<729x1xf32>
    %iota3A = tpu.iota {dimensions = array<i32: 0>} : vector<729x729xi32>
    %iota3A_8 = tpu.iota {dimensions = array<i32: 1>} : vector<729x729xi32>
    %lt3A = arith.cmpi slt, %iota3A_8, %iota3A : vector<729x729xi32>
    %convert_element_type3A_9 = arith.extui %lt3A : vector<729x729xi1> to vector<729x729xi32>
    %convert_element_type3A_10 = arith.sitofp %convert_element_type3A_9 : vector<729x729xi32> to vector<729x729xf32>
    %dot_general3A = arith.constant dense<0.000000e+00> : vector<729x1xf32>
    %dot_general3A_11 = tpu.matmul %convert_element_type3A_10, %convert_element_type3A_7, %dot_general3A {dimension_numbers = #tpu.dot_dimension_numbers<[1], [0], [0], [1], [0, 0, 1, 1], [], []>, transpose_lhs_hint = false} : vector<729x729xf32>, vector<729x1xf32>, vector<729x1xf32> -> vector<729x1xf32>
    %convert_element_type3A_12 = arith.sitofp %iota3A_8 : vector<729x729xi32> to vector<729x729xf32>
    %eq3A = vector.broadcast %dot_general3A_11 : vector<729x1xf32> to vector<729x729xf32>
    %eq3A_13 = arith.cmpf oeq, %eq3A, %convert_element_type3A_12 : vector<729x729xf32>
    %convert_element_type3A_14 = arith.extui %eq3A_13 : vector<729x729xi1> to vector<729x729xi32>
    %convert_element_type3A_15 = arith.sitofp %convert_element_type3A_14 : vector<729x729xi32> to vector<729x729xf32>
    %mul3A = vector.broadcast %convert_element_type3A_7 : vector<729x1xf32> to vector<729x729xf32>
    %mul3A_16 = arith.mulf %convert_element_type3A_15, %mul3A : vector<729x729xf32>
    %get3A_17 = arith.constant 0 : index
    %get3A_18 = arith.constant 0 : index
    %get3A_19 = vector.load %arg2[%get3A_17, %get3A_18] : memref<729x64xf32, #tpu.memory_space<vmem>>, vector<729x64xf32>
    %get3A_20 = arith.constant 0 : index
    %get3A_21 = arith.constant 0 : index
    %get3A_22 = arith.constant 0 : index
    %get3A_23 = vector.load %arg3[%get3A_20, %get3A_21, %get3A_22] : memref<2x736x128xf32, #tpu.memory_space<vmem>>, vector<1x729x64xf32>
    %get3A_24 = vector.shape_cast %get3A_23 : vector<1x729x64xf32> to vector<729x64xf32>
    %add3A = arith.addf %get3A_19, %get3A_24 : vector<729x64xf32>
    %get3A_25 = arith.constant 1 : index
    %get3A_26 = arith.constant 0 : index
    %get3A_27 = arith.constant 0 : index
    %get3A_28 = vector.load %arg3[%get3A_25, %get3A_26, %get3A_27] : memref<2x736x128xf32, #tpu.memory_space<vmem>>, vector<1x729x64xf32>
    %get3A_29 = vector.shape_cast %get3A_28 : vector<1x729x64xf32> to vector<729x64xf32>
    %add3A_30 = arith.addf %add3A, %get3A_29 : vector<729x64xf32>
    %max3A = arith.constant 1.000000e+00 : f32
    %max3A_31 = vector.broadcast %max3A : f32 to vector<729x1xf32>
    %max3A_32 = arith.maximumf %get3A_1, %max3A_31 : vector<729x1xf32>
    %div3A = vector.broadcast %max3A_32 : vector<729x1xf32> to vector<729x64xf32>
    %div3A_33 = arith.divf %add3A_30, %div3A : vector<729x64xf32>
    %dot_general3A_34 = arith.constant dense<0.000000e+00> : vector<729x64xf32>
    %dot_general3A_35 = tpu.matmul %mul3A_16, %div3A_33, %dot_general3A_34 {dimension_numbers = #tpu.dot_dimension_numbers<[1], [0], [0], [1], [0, 0, 1, 1], [], []>, transpose_lhs_hint = false} : vector<729x729xf32>, vector<729x64xf32>, vector<729x64xf32> -> vector<729x64xf32>
    %get3A_36 = arith.constant 0 : index
    %get3A_37 = arith.constant 0 : index
    %get3A_38 = vector.load %arg10[%get3A_36, %get3A_37] : memref<1x64xf32, #tpu.memory_space<vmem>>, vector<1x64xf32>
    %broadcast_in_dim3A = arith.constant 0.000000e+00 : f32
    %broadcast_in_dim3A_39 = vector.broadcast %broadcast_in_dim3A : f32 to vector<96x64xf32>
    %concatenate3A = tpu.concatenate %broadcast_in_dim3A_39, %dot_general3A_35, %broadcast_in_dim3A_39 in 0 : vector<96x64xf32>, vector<729x64xf32>, vector<96x64xf32> -> vector<921x64xf32>
    %iota3A_40 = tpu.iota {dimensions = array<i32: 0>} : vector<729x1xi32>
    %jit3A = arith.constant 81 : i32
    %div3A_41 = vector.broadcast %jit3A : i32 to vector<729x1xi32>
    %div3A_42 = arith.divsi %iota3A_40, %div3A_41 : vector<729x1xi32>
    %sign3A = arith.constant 0 : i32
    %sign3A_43 = vector.broadcast %sign3A : i32 to vector<729x1xi32>
    %sign3A_44 = arith.cmpi sgt, %iota3A_40, %sign3A_43 : vector<729x1xi32>
    %sign3A_45 = arith.extui %sign3A_44 : vector<729x1xi1> to vector<729x1xi32>
    %sign3A_46 = arith.constant 0 : i32
    %sign3A_47 = vector.broadcast %sign3A_46 : i32 to vector<729x1xi32>
    %sign3A_48 = arith.cmpi slt, %iota3A_40, %sign3A_47 : vector<729x1xi32>
    %sign3A_49 = arith.extui %sign3A_48 : vector<729x1xi1> to vector<729x1xi32>
    %sign3A_50 = arith.subi %sign3A_45, %sign3A_49 : vector<729x1xi32>
    %sign3A_51 = arith.constant 0 : i32
    %sign3A_52 = arith.cmpi sgt, %jit3A, %sign3A_51 : i32
    %sign3A_53 = arith.extui %sign3A_52 : i1 to i32
    %sign3A_54 = arith.constant 0 : i32
    %sign3A_55 = arith.cmpi slt, %jit3A, %sign3A_54 : i32
    %sign3A_56 = arith.extui %sign3A_55 : i1 to i32
    %sign3A_57 = arith.subi %sign3A_53, %sign3A_56 : i32
    %ne3A = vector.broadcast %sign3A_57 : i32 to vector<729x1xi32>
    %ne3A_58 = arith.cmpi ne, %sign3A_50, %ne3A : vector<729x1xi32>
    %rem3A = vector.broadcast %jit3A : i32 to vector<729x1xi32>
    %rem3A_59 = arith.remsi %iota3A_40, %rem3A : vector<729x1xi32>
    %ne3A_60 = arith.constant 0 : i32
    %ne3A_61 = vector.broadcast %ne3A_60 : i32 to vector<729x1xi32>
    %ne3A_62 = arith.cmpi ne, %rem3A_59, %ne3A_61 : vector<729x1xi32>
    %and3A = arith.andi %ne3A_58, %ne3A_62 : vector<729x1xi1>
    %sub3A = arith.constant 1 : i32
    %sub3A_63 = vector.broadcast %sub3A : i32 to vector<729x1xi32>
    %sub3A_64 = arith.subi %div3A_42, %sub3A_63 : vector<729x1xi32>
    %select_n3A = arith.select %and3A, %sub3A_64, %div3A_42 : vector<729x1xi1>, vector<729x1xi32>
    %jit3A_65 = arith.constant 9 : i32
    %div3A_66 = vector.broadcast %jit3A_65 : i32 to vector<729x1xi32>
    %div3A_67 = arith.divsi %iota3A_40, %div3A_66 : vector<729x1xi32>
    %sign3A_68 = arith.constant 0 : i32
    %sign3A_69 = vector.broadcast %sign3A_68 : i32 to vector<729x1xi32>
    %sign3A_70 = arith.cmpi sgt, %iota3A_40, %sign3A_69 : vector<729x1xi32>
    %sign3A_71 = arith.extui %sign3A_70 : vector<729x1xi1> to vector<729x1xi32>
    %sign3A_72 = arith.constant 0 : i32
    %sign3A_73 = vector.broadcast %sign3A_72 : i32 to vector<729x1xi32>
    %sign3A_74 = arith.cmpi slt, %iota3A_40, %sign3A_73 : vector<729x1xi32>
    %sign3A_75 = arith.extui %sign3A_74 : vector<729x1xi1> to vector<729x1xi32>
    %sign3A_76 = arith.subi %sign3A_71, %sign3A_75 : vector<729x1xi32>
    %sign3A_77 = arith.constant 0 : i32
    %sign3A_78 = arith.cmpi sgt, %jit3A_65, %sign3A_77 : i32
    %sign3A_79 = arith.extui %sign3A_78 : i1 to i32
    %sign3A_80 = arith.constant 0 : i32
    %sign3A_81 = arith.cmpi slt, %jit3A_65, %sign3A_80 : i32
    %sign3A_82 = arith.extui %sign3A_81 : i1 to i32
    %sign3A_83 = arith.subi %sign3A_79, %sign3A_82 : i32
    %ne3A_84 = vector.broadcast %sign3A_83 : i32 to vector<729x1xi32>
    %ne3A_85 = arith.cmpi ne, %sign3A_76, %ne3A_84 : vector<729x1xi32>
    %rem3A_86 = vector.broadcast %jit3A_65 : i32 to vector<729x1xi32>
    %rem3A_87 = arith.remsi %iota3A_40, %rem3A_86 : vector<729x1xi32>
    %ne3A_88 = arith.constant 0 : i32
    %ne3A_89 = vector.broadcast %ne3A_88 : i32 to vector<729x1xi32>
    %ne3A_90 = arith.cmpi ne, %rem3A_87, %ne3A_89 : vector<729x1xi32>
    %and3A_91 = arith.andi %ne3A_85, %ne3A_90 : vector<729x1xi1>
    %sub3A_92 = arith.constant 1 : i32
    %sub3A_93 = vector.broadcast %sub3A_92 : i32 to vector<729x1xi32>
    %sub3A_94 = arith.subi %div3A_67, %sub3A_93 : vector<729x1xi32>
    %select_n3A_95 = arith.select %and3A_91, %sub3A_94, %div3A_67 : vector<729x1xi1>, vector<729x1xi32>
    %jit3A_96 = arith.constant 9 : i32
    %eq3A_97 = arith.constant 0 : i32
    %eq3A_98 = arith.cmpi eq, %jit3A_96, %eq3A_97 : i32
    %jit3A_99 = arith.constant 1 : i32
    %select_n3A_100 = arith.select %eq3A_98, %jit3A_99, %jit3A_96 : i32
    %rem3A_101 = vector.broadcast %select_n3A_100 : i32 to vector<729x1xi32>
    %rem3A_102 = arith.remsi %select_n3A_95, %rem3A_101 : vector<729x1xi32>
    %ne3A_103 = arith.constant 0 : i32
    %ne3A_104 = vector.broadcast %ne3A_103 : i32 to vector<729x1xi32>
    %ne3A_105 = arith.cmpi ne, %rem3A_102, %ne3A_104 : vector<729x1xi32>
    %lt3A_106 = arith.constant 0 : i32
    %lt3A_107 = vector.broadcast %lt3A_106 : i32 to vector<729x1xi32>
    %lt3A_108 = arith.cmpi slt, %rem3A_102, %lt3A_107 : vector<729x1xi32>
    %lt3A_109 = arith.constant 0 : i32
    %lt3A_110 = arith.cmpi slt, %select_n3A_100, %lt3A_109 : i32
    %ne3A_111 = vector.broadcast %lt3A_110 : i1 to vector<729x1xi1>
    %ne3A_112 = vector.broadcast %ne3A_111 : vector<729x1xi1> to vector<729x1xi1>
    %ne3A_113 = arith.xori %lt3A_108, %ne3A_112 : vector<729x1xi1>
    %and3A_114 = arith.andi %ne3A_113, %ne3A_105 : vector<729x1xi1>
    %add3A_115 = vector.broadcast %select_n3A_100 : i32 to vector<729x1xi32>
    %add3A_116 = arith.addi %rem3A_102, %add3A_115 : vector<729x1xi32>
    %select_n3A_117 = arith.select %and3A_114, %add3A_116, %rem3A_102 : vector<729x1xi1>, vector<729x1xi32>
    %jit3A_118 = arith.constant 9 : i32
    %eq3A_119 = arith.constant 0 : i32
    %eq3A_120 = arith.cmpi eq, %jit3A_118, %eq3A_119 : i32
    %jit3A_121 = arith.constant 1 : i32
    %select_n3A_122 = arith.select %eq3A_120, %jit3A_121, %jit3A_118 : i32
    %rem3A_123 = vector.broadcast %select_n3A_122 : i32 to vector<729x1xi32>
    %rem3A_124 = arith.remsi %iota3A_40, %rem3A_123 : vector<729x1xi32>
    %ne3A_125 = arith.constant 0 : i32
    %ne3A_126 = vector.broadcast %ne3A_125 : i32 to vector<729x1xi32>
    %ne3A_127 = arith.cmpi ne, %rem3A_124, %ne3A_126 : vector<729x1xi32>
    %lt3A_128 = arith.constant 0 : i32
    %lt3A_129 = vector.broadcast %lt3A_128 : i32 to vector<729x1xi32>
    %lt3A_130 = arith.cmpi slt, %rem3A_124, %lt3A_129 : vector<729x1xi32>
    %lt3A_131 = arith.constant 0 : i32
    %lt3A_132 = arith.cmpi slt, %select_n3A_122, %lt3A_131 : i32
    %ne3A_133 = vector.broadcast %lt3A_132 : i1 to vector<729x1xi1>
    %ne3A_134 = vector.broadcast %ne3A_133 : vector<729x1xi1> to vector<729x1xi1>
    %ne3A_135 = arith.xori %lt3A_130, %ne3A_134 : vector<729x1xi1>
    %and3A_136 = arith.andi %ne3A_135, %ne3A_127 : vector<729x1xi1>
    %add3A_137 = vector.broadcast %select_n3A_122 : i32 to vector<729x1xi32>
    %add3A_138 = arith.addi %rem3A_124, %add3A_137 : vector<729x1xi32>
    %select_n3A_139 = arith.select %and3A_136, %add3A_138, %rem3A_124 : vector<729x1xi1>, vector<729x1xi32>
    %broadcast_in_dim3A_140 = arith.constant 0.000000e+00 : f32
    %broadcast_in_dim3A_141 = vector.broadcast %broadcast_in_dim3A_140 : f32 to vector<729x64xf32>
    %slice3A = vector.extract_strided_slice %concatenate3A {offsets = [5, 0], sizes = [729, 64], strides = [1, 1]} : vector<921x64xf32> to vector<729x64xf32>
    %add3A_142 = arith.constant -1 : i32
    %add3A_143 = vector.broadcast %add3A_142 : i32 to vector<729x1xi32>
    %add3A_144 = arith.addi %select_n3A, %add3A_143 : vector<729x1xi32>
    %ge3A = arith.constant 0 : i32
    %ge3A_145 = vector.broadcast %ge3A : i32 to vector<729x1xi32>
    %ge3A_146 = arith.cmpi sge, %add3A_144, %ge3A_145 : vector<729x1xi32>
    %add3A_147 = arith.constant -1 : i32
    %add3A_148 = vector.broadcast %add3A_147 : i32 to vector<729x1xi32>
    %add3A_149 = arith.addi %select_n3A, %add3A_148 : vector<729x1xi32>
    %lt3A_150 = arith.constant 9 : i32
    %lt3A_151 = vector.broadcast %lt3A_150 : i32 to vector<729x1xi32>
    %lt3A_152 = arith.cmpi slt, %add3A_149, %lt3A_151 : vector<729x1xi32>
    %and3A_153 = arith.andi %ge3A_146, %lt3A_152 : vector<729x1xi1>
    %add3A_154 = arith.constant -1 : i32
    %add3A_155 = vector.broadcast %add3A_154 : i32 to vector<729x1xi32>
    %add3A_156 = arith.addi %select_n3A_117, %add3A_155 : vector<729x1xi32>
    %ge3A_157 = arith.constant 0 : i32
    %ge3A_158 = vector.broadcast %ge3A_157 : i32 to vector<729x1xi32>
    %ge3A_159 = arith.cmpi sge, %add3A_156, %ge3A_158 : vector<729x1xi32>
    %add3A_160 = arith.constant -1 : i32
    %add3A_161 = vector.broadcast %add3A_160 : i32 to vector<729x1xi32>
    %add3A_162 = arith.addi %select_n3A_117, %add3A_161 : vector<729x1xi32>
    %lt3A_163 = arith.constant 9 : i32
    %lt3A_164 = vector.broadcast %lt3A_163 : i32 to vector<729x1xi32>
    %lt3A_165 = arith.cmpi slt, %add3A_162, %lt3A_164 : vector<729x1xi32>
    %and3A_166 = arith.andi %ge3A_159, %lt3A_165 : vector<729x1xi1>
    %add3A_167 = arith.constant -1 : i32
    %add3A_168 = vector.broadcast %add3A_167 : i32 to vector<729x1xi32>
    %add3A_169 = arith.addi %select_n3A_139, %add3A_168 : vector<729x1xi32>
    %ge3A_170 = arith.constant 0 : i32
    %ge3A_171 = vector.broadcast %ge3A_170 : i32 to vector<729x1xi32>
    %ge3A_172 = arith.cmpi sge, %add3A_169, %ge3A_171 : vector<729x1xi32>
    %add3A_173 = arith.constant -1 : i32
    %add3A_174 = vector.broadcast %add3A_173 : i32 to vector<729x1xi32>
    %add3A_175 = arith.addi %select_n3A_139, %add3A_174 : vector<729x1xi32>
    %lt3A_176 = arith.constant 9 : i32
    %lt3A_177 = vector.broadcast %lt3A_176 : i32 to vector<729x1xi32>
    %lt3A_178 = arith.cmpi slt, %add3A_175, %lt3A_177 : vector<729x1xi32>
    %and3A_179 = arith.andi %ge3A_172, %lt3A_178 : vector<729x1xi1>
    %and3A_180 = arith.andi %and3A_166, %and3A_179 : vector<729x1xi1>
    %and3A_181 = arith.andi %and3A_153, %and3A_180 : vector<729x1xi1>
    %jit3A_182 = arith.constant 0.000000e+00 : f32
    %broadcast_in_dim3A_183 = vector.shape_cast %and3A_181 : vector<729x1xi1> to vector<729x1xi1>
    %broadcast_in_dim3A_184 = vector.broadcast %broadcast_in_dim3A_183 : vector<729x1xi1> to vector<729x64xi1>
    %broadcast_in_dim3A_185 = vector.broadcast %jit3A_182 : f32 to vector<729x64xf32>
    %select_n3A_186 = arith.select %broadcast_in_dim3A_184, %slice3A, %broadcast_in_dim3A_185 : vector<729x64xi1>, vector<729x64xf32>
    %get3A_187 = arith.constant 0 : index
    %get3A_188 = arith.constant 0 : index
    %get3A_189 = arith.constant 0 : index
    %get3A_190 = vector.load %arg9[%get3A_187, %get3A_188, %get3A_189] : memref<27x64x64xf32, #tpu.memory_space<vmem>>, vector<1x64x64xf32>
    %get3A_191 = vector.shape_cast %get3A_190 : vector<1x64x64xf32> to vector<64x64xf32>
    %dot_general3A_192 = arith.constant dense<0.000000e+00> : vector<729x64xf32>
    %dot_general3A_193 = tpu.matmul %select_n3A_186, %get3A_191, %dot_general3A_192 {dimension_numbers = #tpu.dot_dimension_numbers<[1], [0], [0], [1], [0, 0, 1, 1], [], []>, transpose_lhs_hint = false} : vector<729x64xf32>, vector<64x64xf32>, vector<729x64xf32> -> vector<729x64xf32>
    %add3A_194 = arith.addf %broadcast_in_dim3A_141, %dot_general3A_193 : vector<729x64xf32>
    %slice3A_195 = vector.extract_strided_slice %concatenate3A {offsets = [6, 0], sizes = [729, 64], strides = [1, 1]} : vector<921x64xf32> to vector<729x64xf32>
    %add3A_196 = arith.constant -1 : i32
    %add3A_197 = vector.broadcast %add3A_196 : i32 to vector<729x1xi32>
    %add3A_198 = arith.addi %select_n3A, %add3A_197 : vector<729x1xi32>
    %ge3A_199 = arith.constant 0 : i32
    %ge3A_200 = vector.broadcast %ge3A_199 : i32 to vector<729x1xi32>
    %ge3A_201 = arith.cmpi sge, %add3A_198, %ge3A_200 : vector<729x1xi32>
    %add3A_202 = arith.constant -1 : i32
    %add3A_203 = vector.broadcast %add3A_202 : i32 to vector<729x1xi32>
    %add3A_204 = arith.addi %select_n3A, %add3A_203 : vector<729x1xi32>
    %lt3A_205 = arith.constant 9 : i32
    %lt3A_206 = vector.broadcast %lt3A_205 : i32 to vector<729x1xi32>
    %lt3A_207 = arith.cmpi slt, %add3A_204, %lt3A_206 : vector<729x1xi32>
    %and3A_208 = arith.andi %ge3A_201, %lt3A_207 : vector<729x1xi1>
    %add3A_209 = arith.constant -1 : i32
    %add3A_210 = vector.broadcast %add3A_209 : i32 to vector<729x1xi32>
    %add3A_211 = arith.addi %select_n3A_117, %add3A_210 : vector<729x1xi32>
    %ge3A_212 = arith.constant 0 : i32
    %ge3A_213 = vector.broadcast %ge3A_212 : i32 to vector<729x1xi32>
    %ge3A_214 = arith.cmpi sge, %add3A_211, %ge3A_213 : vector<729x1xi32>
    %add3A_215 = arith.constant -1 : i32
    %add3A_216 = vector.broadcast %add3A_215 : i32 to vector<729x1xi32>
    %add3A_217 = arith.addi %select_n3A_117, %add3A_216 : vector<729x1xi32>
    %lt3A_218 = arith.constant 9 : i32
    %lt3A_219 = vector.broadcast %lt3A_218 : i32 to vector<729x1xi32>
    %lt3A_220 = arith.cmpi slt, %add3A_217, %lt3A_219 : vector<729x1xi32>
    %and3A_221 = arith.andi %ge3A_214, %lt3A_220 : vector<729x1xi1>
    %add3A_222 = arith.constant 0 : i32
    %add3A_223 = vector.broadcast %add3A_222 : i32 to vector<729x1xi32>
    %add3A_224 = arith.addi %select_n3A_139, %add3A_223 : vector<729x1xi32>
    %ge3A_225 = arith.constant 0 : i32
    %ge3A_226 = vector.broadcast %ge3A_225 : i32 to vector<729x1xi32>
    %ge3A_227 = arith.cmpi sge, %add3A_224, %ge3A_226 : vector<729x1xi32>
    %add3A_228 = arith.constant 0 : i32
    %add3A_229 = vector.broadcast %add3A_228 : i32 to vector<729x1xi32>
    %add3A_230 = arith.addi %select_n3A_139, %add3A_229 : vector<729x1xi32>
    %lt3A_231 = arith.constant 9 : i32
    %lt3A_232 = vector.broadcast %lt3A_231 : i32 to vector<729x1xi32>
    %lt3A_233 = arith.cmpi slt, %add3A_230, %lt3A_232 : vector<729x1xi32>
    %and3A_234 = arith.andi %ge3A_227, %lt3A_233 : vector<729x1xi1>
    %and3A_235 = arith.andi %and3A_221, %and3A_234 : vector<729x1xi1>
    %and3A_236 = arith.andi %and3A_208, %and3A_235 : vector<729x1xi1>
    %jit3A_237 = arith.constant 0.000000e+00 : f32
    %broadcast_in_dim3A_238 = vector.shape_cast %and3A_236 : vector<729x1xi1> to vector<729x1xi1>
    %broadcast_in_dim3A_239 = vector.broadcast %broadcast_in_dim3A_238 : vector<729x1xi1> to vector<729x64xi1>
    %broadcast_in_dim3A_240 = vector.broadcast %jit3A_237 : f32 to vector<729x64xf32>
    %select_n3A_241 = arith.select %broadcast_in_dim3A_239, %slice3A_195, %broadcast_in_dim3A_240 : vector<729x64xi1>, vector<729x64xf32>
    %get3A_242 = arith.constant 1 : index
    %get3A_243 = arith.constant 0 : index
    %get3A_244 = arith.constant 0 : index
    %get3A_245 = vector.load %arg9[%get3A_242, %get3A_243, %get3A_244] : memref<27x64x64xf32, #tpu.memory_space<vmem>>, vector<1x64x64xf32>
    %get3A_246 = vector.shape_cast %get3A_245 : vector<1x64x64xf32> to vector<64x64xf32>
    %dot_general3A_247 = arith.constant dense<0.000000e+00> : vector<729x64xf32>
    %dot_general3A_248 = tpu.matmul %select_n3A_241, %get3A_246, %dot_general3A_247 {dimension_numbers = #tpu.dot_dimension_numbers<[1], [0], [0], [1], [0, 0, 1, 1], [], []>, transpose_lhs_hint = false} : vector<729x64xf32>, vector<64x64xf32>, vector<729x64xf32> -> vector<729x64xf32>
    %add3A_249 = arith.addf %add3A_194, %dot_general3A_248 : vector<729x64xf32>
    %slice3A_250 = vector.extract_strided_slice %concatenate3A {offsets = [7, 0], sizes = [729, 64], strides = [1, 1]} : vector<921x64xf32> to vector<729x64xf32>
    %add3A_251 = arith.constant -1 : i32
    %add3A_252 = vector.broadcast %add3A_251 : i32 to vector<729x1xi32>
    %add3A_253 = arith.addi %select_n3A, %add3A_252 : vector<729x1xi32>
    %ge3A_254 = arith.constant 0 : i32
    %ge3A_255 = vector.broadcast %ge3A_254 : i32 to vector<729x1xi32>
    %ge3A_256 = arith.cmpi sge, %add3A_253, %ge3A_255 : vector<729x1xi32>
    %add3A_257 = arith.constant -1 : i32
    %add3A_258 = vector.broadcast %add3A_257 : i32 to vector<729x1xi32>
    %add3A_259 = arith.addi %select_n3A, %add3A_258 : vector<729x1xi32>
    %lt3A_260 = arith.constant 9 : i32
    %lt3A_261 = vector.broadcast %lt3A_260 : i32 to vector<729x1xi32>
    %lt3A_262 = arith.cmpi slt, %add3A_259, %lt3A_261 : vector<729x1xi32>
    %and3A_263 = arith.andi %ge3A_256, %lt3A_262 : vector<729x1xi1>
    %add3A_264 = arith.constant -1 : i32
    %add3A_265 = vector.broadcast %add3A_264 : i32 to vector<729x1xi32>
    %add3A_266 = arith.addi %select_n3A_117, %add3A_265 : vector<729x1xi32>
    %ge3A_267 = arith.constant 0 : i32
    %ge3A_268 = vector.broadcast %ge3A_267 : i32 to vector<729x1xi32>
    %ge3A_269 = arith.cmpi sge, %add3A_266, %ge3A_268 : vector<729x1xi32>
    %add3A_270 = arith.constant -1 : i32
    %add3A_271 = vector.broadcast %add3A_270 : i32 to vector<729x1xi32>
    %add3A_272 = arith.addi %select_n3A_117, %add3A_271 : vector<729x1xi32>
    %lt3A_273 = arith.constant 9 : i32
    %lt3A_274 = vector.broadcast %lt3A_273 : i32 to vector<729x1xi32>
    %lt3A_275 = arith.cmpi slt, %add3A_272, %lt3A_274 : vector<729x1xi32>
    %and3A_276 = arith.andi %ge3A_269, %lt3A_275 : vector<729x1xi1>
    %add3A_277 = arith.constant 1 : i32
    %add3A_278 = vector.broadcast %add3A_277 : i32 to vector<729x1xi32>
    %add3A_279 = arith.addi %select_n3A_139, %add3A_278 : vector<729x1xi32>
    %ge3A_280 = arith.constant 0 : i32
    %ge3A_281 = vector.broadcast %ge3A_280 : i32 to vector<729x1xi32>
    %ge3A_282 = arith.cmpi sge, %add3A_279, %ge3A_281 : vector<729x1xi32>
    %add3A_283 = arith.constant 1 : i32
    %add3A_284 = vector.broadcast %add3A_283 : i32 to vector<729x1xi32>
    %add3A_285 = arith.addi %select_n3A_139, %add3A_284 : vector<729x1xi32>
    %lt3A_286 = arith.constant 9 : i32
    %lt3A_287 = vector.broadcast %lt3A_286 : i32 to vector<729x1xi32>
    %lt3A_288 = arith.cmpi slt, %add3A_285, %lt3A_287 : vector<729x1xi32>
    %and3A_289 = arith.andi %ge3A_282, %lt3A_288 : vector<729x1xi1>
    %and3A_290 = arith.andi %and3A_276, %and3A_289 : vector<729x1xi1>
    %and3A_291 = arith.andi %and3A_263, %and3A_290 : vector<729x1xi1>
    %jit3A_292 = arith.constant 0.000000e+00 : f32
    %broadcast_in_dim3A_293 = vector.shape_cast %and3A_291 : vector<729x1xi1> to vector<729x1xi1>
    %broadcast_in_dim3A_294 = vector.broadcast %broadcast_in_dim3A_293 : vector<729x1xi1> to vector<729x64xi1>
    %broadcast_in_dim3A_295 = vector.broadcast %jit3A_292 : f32 to vector<729x64xf32>
    %select_n3A_296 = arith.select %broadcast_in_dim3A_294, %slice3A_250, %broadcast_in_dim3A_295 : vector<729x64xi1>, vector<729x64xf32>
    %get3A_297 = arith.constant 2 : index
    %get3A_298 = arith.constant 0 : index
    %get3A_299 = arith.constant 0 : index
    %get3A_300 = vector.load %arg9[%get3A_297, %get3A_298, %get3A_299] : memref<27x64x64xf32, #tpu.memory_space<vmem>>, vector<1x64x64xf32>
    %get3A_301 = vector.shape_cast %get3A_300 : vector<1x64x64xf32> to vector<64x64xf32>
    %dot_general3A_302 = arith.constant dense<0.000000e+00> : vector<729x64xf32>
    %dot_general3A_303 = tpu.matmul %select_n3A_296, %get3A_301, %dot_general3A_302 {dimension_numbers = #tpu.dot_dimension_numbers<[1], [0], [0], [1], [0, 0, 1, 1], [], []>, transpose_lhs_hint = false} : vector<729x64xf32>, vector<64x64xf32>, vector<729x64xf32> -> vector<729x64xf32>
    %add3A_304 = arith.addf %add3A_249, %dot_general3A_303 : vector<729x64xf32>
    %slice3A_305 = vector.extract_strided_slice %concatenate3A {offsets = [14, 0], sizes = [729, 64], strides = [1, 1]} : vector<921x64xf32> to vector<729x64xf32>
    %add3A_306 = arith.constant -1 : i32
    %add3A_307 = vector.broadcast %add3A_306 : i32 to vector<729x1xi32>
    %add3A_308 = arith.addi %select_n3A, %add3A_307 : vector<729x1xi32>
    %ge3A_309 = arith.constant 0 : i32
    %ge3A_310 = vector.broadcast %ge3A_309 : i32 to vector<729x1xi32>
    %ge3A_311 = arith.cmpi sge, %add3A_308, %ge3A_310 : vector<729x1xi32>
    %add3A_312 = arith.constant -1 : i32
    %add3A_313 = vector.broadcast %add3A_312 : i32 to vector<729x1xi32>
    %add3A_314 = arith.addi %select_n3A, %add3A_313 : vector<729x1xi32>
    %lt3A_315 = arith.constant 9 : i32
    %lt3A_316 = vector.broadcast %lt3A_315 : i32 to vector<729x1xi32>
    %lt3A_317 = arith.cmpi slt, %add3A_314, %lt3A_316 : vector<729x1xi32>
    %and3A_318 = arith.andi %ge3A_311, %lt3A_317 : vector<729x1xi1>
    %add3A_319 = arith.constant 0 : i32
    %add3A_320 = vector.broadcast %add3A_319 : i32 to vector<729x1xi32>
    %add3A_321 = arith.addi %select_n3A_117, %add3A_320 : vector<729x1xi32>
    %ge3A_322 = arith.constant 0 : i32
    %ge3A_323 = vector.broadcast %ge3A_322 : i32 to vector<729x1xi32>
    %ge3A_324 = arith.cmpi sge, %add3A_321, %ge3A_323 : vector<729x1xi32>
    %add3A_325 = arith.constant 0 : i32
    %add3A_326 = vector.broadcast %add3A_325 : i32 to vector<729x1xi32>
    %add3A_327 = arith.addi %select_n3A_117, %add3A_326 : vector<729x1xi32>
    %lt3A_328 = arith.constant 9 : i32
    %lt3A_329 = vector.broadcast %lt3A_328 : i32 to vector<729x1xi32>
    %lt3A_330 = arith.cmpi slt, %add3A_327, %lt3A_329 : vector<729x1xi32>
    %and3A_331 = arith.andi %ge3A_324, %lt3A_330 : vector<729x1xi1>
    %add3A_332 = arith.constant -1 : i32
    %add3A_333 = vector.broadcast %add3A_332 : i32 to vector<729x1xi32>
    %add3A_334 = arith.addi %select_n3A_139, %add3A_333 : vector<729x1xi32>
    %ge3A_335 = arith.constant 0 : i32
    %ge3A_336 = vector.broadcast %ge3A_335 : i32 to vector<729x1xi32>
    %ge3A_337 = arith.cmpi sge, %add3A_334, %ge3A_336 : vector<729x1xi32>
    %add3A_338 = arith.constant -1 : i32
    %add3A_339 = vector.broadcast %add3A_338 : i32 to vector<729x1xi32>
    %add3A_340 = arith.addi %select_n3A_139, %add3A_339 : vector<729x1xi32>
    %lt3A_341 = arith.constant 9 : i32
    %lt3A_342 = vector.broadcast %lt3A_341 : i32 to vector<729x1xi32>
    %lt3A_343 = arith.cmpi slt, %add3A_340, %lt3A_342 : vector<729x1xi32>
    %and3A_344 = arith.andi %ge3A_337, %lt3A_343 : vector<729x1xi1>
    %and3A_345 = arith.andi %and3A_331, %and3A_344 : vector<729x1xi1>
    %and3A_346 = arith.andi %and3A_318, %and3A_345 : vector<729x1xi1>
    %jit3A_347 = arith.constant 0.000000e+00 : f32
    %broadcast_in_dim3A_348 = vector.shape_cast %and3A_346 : vector<729x1xi1> to vector<729x1xi1>
    %broadcast_in_dim3A_349 = vector.broadcast %broadcast_in_dim3A_348 : vector<729x1xi1> to vector<729x64xi1>
    %broadcast_in_dim3A_350 = vector.broadcast %jit3A_347 : f32 to vector<729x64xf32>
    %select_n3A_351 = arith.select %broadcast_in_dim3A_349, %slice3A_305, %broadcast_in_dim3A_350 : vector<729x64xi1>, vector<729x64xf32>
    %get3A_352 = arith.constant 3 : index
    %get3A_353 = arith.constant 0 : index
    %get3A_354 = arith.constant 0 : index
    %get3A_355 = vector.load %arg9[%get3A_352, %get3A_353, %get3A_354] : memref<27x64x64xf32, #tpu.memory_space<vmem>>, vector<1x64x64xf32>
    %get3A_356 = vector.shape_cast %get3A_355 : vector<1x64x64xf32> to vector<64x64xf32>
    %dot_general3A_357 = arith.constant dense<0.000000e+00> : vector<729x64xf32>
    %dot_general3A_358 = tpu.matmul %select_n3A_351, %get3A_356, %dot_general3A_357 {dimension_numbers = #tpu.dot_dimension_numbers<[1], [0], [0], [1], [0, 0, 1, 1], [], []>, transpose_lhs_hint = false} : vector<729x64xf32>, vector<64x64xf32>, vector<729x64xf32> -> vector<729x64xf32>
    %add3A_359 = arith.addf %add3A_304, %dot_general3A_358 : vector<729x64xf32>
    %slice3A_360 = vector.extract_strided_slice %concatenate3A {offsets = [15, 0], sizes = [729, 64], strides = [1, 1]} : vector<921x64xf32> to vector<729x64xf32>
    %add3A_361 = arith.constant -1 : i32
    %add3A_362 = vector.broadcast %add3A_361 : i32 to vector<729x1xi32>
    %add3A_363 = arith.addi %select_n3A, %add3A_362 : vector<729x1xi32>
    %ge3A_364 = arith.constant 0 : i32
    %ge3A_365 = vector.broadcast %ge3A_364 : i32 to vector<729x1xi32>
    %ge3A_366 = arith.cmpi sge, %add3A_363, %ge3A_365 : vector<729x1xi32>
    %add3A_367 = arith.constant -1 : i32
    %add3A_368 = vector.broadcast %add3A_367 : i32 to vector<729x1xi32>
    %add3A_369 = arith.addi %select_n3A, %add3A_368 : vector<729x1xi32>
    %lt3A_370 = arith.constant 9 : i32
    %lt3A_371 = vector.broadcast %lt3A_370 : i32 to vector<729x1xi32>
    %lt3A_372 = arith.cmpi slt, %add3A_369, %lt3A_371 : vector<729x1xi32>
    %and3A_373 = arith.andi %ge3A_366, %lt3A_372 : vector<729x1xi1>
    %add3A_374 = arith.constant 0 : i32
    %add3A_375 = vector.broadcast %add3A_374 : i32 to vector<729x1xi32>
    %add3A_376 = arith.addi %select_n3A_117, %add3A_375 : vector<729x1xi32>
    %ge3A_377 = arith.constant 0 : i32
    %ge3A_378 = vector.broadcast %ge3A_377 : i32 to vector<729x1xi32>
    %ge3A_379 = arith.cmpi sge, %add3A_376, %ge3A_378 : vector<729x1xi32>
    %add3A_380 = arith.constant 0 : i32
    %add3A_381 = vector.broadcast %add3A_380 : i32 to vector<729x1xi32>
    %add3A_382 = arith.addi %select_n3A_117, %add3A_381 : vector<729x1xi32>
    %lt3A_383 = arith.constant 9 : i32
    %lt3A_384 = vector.broadcast %lt3A_383 : i32 to vector<729x1xi32>
    %lt3A_385 = arith.cmpi slt, %add3A_382, %lt3A_384 : vector<729x1xi32>
    %and3A_386 = arith.andi %ge3A_379, %lt3A_385 : vector<729x1xi1>
    %add3A_387 = arith.constant 0 : i32
    %add3A_388 = vector.broadcast %add3A_387 : i32 to vector<729x1xi32>
    %add3A_389 = arith.addi %select_n3A_139, %add3A_388 : vector<729x1xi32>
    %ge3A_390 = arith.constant 0 : i32
    %ge3A_391 = vector.broadcast %ge3A_390 : i32 to vector<729x1xi32>
    %ge3A_392 = arith.cmpi sge, %add3A_389, %ge3A_391 : vector<729x1xi32>
    %add3A_393 = arith.constant 0 : i32
    %add3A_394 = vector.broadcast %add3A_393 : i32 to vector<729x1xi32>
    %add3A_395 = arith.addi %select_n3A_139, %add3A_394 : vector<729x1xi32>
    %lt3A_396 = arith.constant 9 : i32
    %lt3A_397 = vector.broadcast %lt3A_396 : i32 to vector<729x1xi32>
    %lt3A_398 = arith.cmpi slt, %add3A_395, %lt3A_397 : vector<729x1xi32>
    %and3A_399 = arith.andi %ge3A_392, %lt3A_398 : vector<729x1xi1>
    %and3A_400 = arith.andi %and3A_386, %and3A_399 : vector<729x1xi1>
    %and3A_401 = arith.andi %and3A_373, %and3A_400 : vector<729x1xi1>
    %jit3A_402 = arith.constant 0.000000e+00 : f32
    %broadcast_in_dim3A_403 = vector.shape_cast %and3A_401 : vector<729x1xi1> to vector<729x1xi1>
    %broadcast_in_dim3A_404 = vector.broadcast %broadcast_in_dim3A_403 : vector<729x1xi1> to vector<729x64xi1>
    %broadcast_in_dim3A_405 = vector.broadcast %jit3A_402 : f32 to vector<729x64xf32>
    %select_n3A_406 = arith.select %broadcast_in_dim3A_404, %slice3A_360, %broadcast_in_dim3A_405 : vector<729x64xi1>, vector<729x64xf32>
    %get3A_407 = arith.constant 4 : index
    %get3A_408 = arith.constant 0 : index
    %get3A_409 = arith.constant 0 : index
    %get3A_410 = vector.load %arg9[%get3A_407, %get3A_408, %get3A_409] : memref<27x64x64xf32, #tpu.memory_space<vmem>>, vector<1x64x64xf32>
    %get3A_411 = vector.shape_cast %get3A_410 : vector<1x64x64xf32> to vector<64x64xf32>
    %dot_general3A_412 = arith.constant dense<0.000000e+00> : vector<729x64xf32>
    %dot_general3A_413 = tpu.matmul %select_n3A_406, %get3A_411, %dot_general3A_412 {dimension_numbers = #tpu.dot_dimension_numbers<[1], [0], [0], [1], [0, 0, 1, 1], [], []>, transpose_lhs_hint = false} : vector<729x64xf32>, vector<64x64xf32>, vector<729x64xf32> -> vector<729x64xf32>
    %add3A_414 = arith.addf %add3A_359, %dot_general3A_413 : vector<729x64xf32>
    %slice3A_415 = vector.extract_strided_slice %concatenate3A {offsets = [16, 0], sizes = [729, 64], strides = [1, 1]} : vector<921x64xf32> to vector<729x64xf32>
    %add3A_416 = arith.constant -1 : i32
    %add3A_417 = vector.broadcast %add3A_416 : i32 to vector<729x1xi32>
    %add3A_418 = arith.addi %select_n3A, %add3A_417 : vector<729x1xi32>
    %ge3A_419 = arith.constant 0 : i32
    %ge3A_420 = vector.broadcast %ge3A_419 : i32 to vector<729x1xi32>
    %ge3A_421 = arith.cmpi sge, %add3A_418, %ge3A_420 : vector<729x1xi32>
    %add3A_422 = arith.constant -1 : i32
    %add3A_423 = vector.broadcast %add3A_422 : i32 to vector<729x1xi32>
    %add3A_424 = arith.addi %select_n3A, %add3A_423 : vector<729x1xi32>
    %lt3A_425 = arith.constant 9 : i32
    %lt3A_426 = vector.broadcast %lt3A_425 : i32 to vector<729x1xi32>
    %lt3A_427 = arith.cmpi slt, %add3A_424, %lt3A_426 : vector<729x1xi32>
    %and3A_428 = arith.andi %ge3A_421, %lt3A_427 : vector<729x1xi1>
    %add3A_429 = arith.constant 0 : i32
    %add3A_430 = vector.broadcast %add3A_429 : i32 to vector<729x1xi32>
    %add3A_431 = arith.addi %select_n3A_117, %add3A_430 : vector<729x1xi32>
    %ge3A_432 = arith.constant 0 : i32
    %ge3A_433 = vector.broadcast %ge3A_432 : i32 to vector<729x1xi32>
    %ge3A_434 = arith.cmpi sge, %add3A_431, %ge3A_433 : vector<729x1xi32>
    %add3A_435 = arith.constant 0 : i32
    %add3A_436 = vector.broadcast %add3A_435 : i32 to vector<729x1xi32>
    %add3A_437 = arith.addi %select_n3A_117, %add3A_436 : vector<729x1xi32>
    %lt3A_438 = arith.constant 9 : i32
    %lt3A_439 = vector.broadcast %lt3A_438 : i32 to vector<729x1xi32>
    %lt3A_440 = arith.cmpi slt, %add3A_437, %lt3A_439 : vector<729x1xi32>
    %and3A_441 = arith.andi %ge3A_434, %lt3A_440 : vector<729x1xi1>
    %add3A_442 = arith.constant 1 : i32
    %add3A_443 = vector.broadcast %add3A_442 : i32 to vector<729x1xi32>
    %add3A_444 = arith.addi %select_n3A_139, %add3A_443 : vector<729x1xi32>
    %ge3A_445 = arith.constant 0 : i32
    %ge3A_446 = vector.broadcast %ge3A_445 : i32 to vector<729x1xi32>
    %ge3A_447 = arith.cmpi sge, %add3A_444, %ge3A_446 : vector<729x1xi32>
    %add3A_448 = arith.constant 1 : i32
    %add3A_449 = vector.broadcast %add3A_448 : i32 to vector<729x1xi32>
    %add3A_450 = arith.addi %select_n3A_139, %add3A_449 : vector<729x1xi32>
    %lt3A_451 = arith.constant 9 : i32
    %lt3A_452 = vector.broadcast %lt3A_451 : i32 to vector<729x1xi32>
    %lt3A_453 = arith.cmpi slt, %add3A_450, %lt3A_452 : vector<729x1xi32>
    %and3A_454 = arith.andi %ge3A_447, %lt3A_453 : vector<729x1xi1>
    %and3A_455 = arith.andi %and3A_441, %and3A_454 : vector<729x1xi1>
    %and3A_456 = arith.andi %and3A_428, %and3A_455 : vector<729x1xi1>
    %jit3A_457 = arith.constant 0.000000e+00 : f32
    %broadcast_in_dim3A_458 = vector.shape_cast %and3A_456 : vector<729x1xi1> to vector<729x1xi1>
    %broadcast_in_dim3A_459 = vector.broadcast %broadcast_in_dim3A_458 : vector<729x1xi1> to vector<729x64xi1>
    %broadcast_in_dim3A_460 = vector.broadcast %jit3A_457 : f32 to vector<729x64xf32>
    %select_n3A_461 = arith.select %broadcast_in_dim3A_459, %slice3A_415, %broadcast_in_dim3A_460 : vector<729x64xi1>, vector<729x64xf32>
    %get3A_462 = arith.constant 5 : index
    %get3A_463 = arith.constant 0 : index
    %get3A_464 = arith.constant 0 : index
    %get3A_465 = vector.load %arg9[%get3A_462, %get3A_463, %get3A_464] : memref<27x64x64xf32, #tpu.memory_space<vmem>>, vector<1x64x64xf32>
    %get3A_466 = vector.shape_cast %get3A_465 : vector<1x64x64xf32> to vector<64x64xf32>
    %dot_general3A_467 = arith.constant dense<0.000000e+00> : vector<729x64xf32>
    %dot_general3A_468 = tpu.matmul %select_n3A_461, %get3A_466, %dot_general3A_467 {dimension_numbers = #tpu.dot_dimension_numbers<[1], [0], [0], [1], [0, 0, 1, 1], [], []>, transpose_lhs_hint = false} : vector<729x64xf32>, vector<64x64xf32>, vector<729x64xf32> -> vector<729x64xf32>
    %add3A_469 = arith.addf %add3A_414, %dot_general3A_468 : vector<729x64xf32>
    %slice3A_470 = vector.extract_strided_slice %concatenate3A {offsets = [23, 0], sizes = [729, 64], strides = [1, 1]} : vector<921x64xf32> to vector<729x64xf32>
    %add3A_471 = arith.constant -1 : i32
    %add3A_472 = vector.broadcast %add3A_471 : i32 to vector<729x1xi32>
    %add3A_473 = arith.addi %select_n3A, %add3A_472 : vector<729x1xi32>
    %ge3A_474 = arith.constant 0 : i32
    %ge3A_475 = vector.broadcast %ge3A_474 : i32 to vector<729x1xi32>
    %ge3A_476 = arith.cmpi sge, %add3A_473, %ge3A_475 : vector<729x1xi32>
    %add3A_477 = arith.constant -1 : i32
    %add3A_478 = vector.broadcast %add3A_477 : i32 to vector<729x1xi32>
    %add3A_479 = arith.addi %select_n3A, %add3A_478 : vector<729x1xi32>
    %lt3A_480 = arith.constant 9 : i32
    %lt3A_481 = vector.broadcast %lt3A_480 : i32 to vector<729x1xi32>
    %lt3A_482 = arith.cmpi slt, %add3A_479, %lt3A_481 : vector<729x1xi32>
    %and3A_483 = arith.andi %ge3A_476, %lt3A_482 : vector<729x1xi1>
    %add3A_484 = arith.constant 1 : i32
    %add3A_485 = vector.broadcast %add3A_484 : i32 to vector<729x1xi32>
    %add3A_486 = arith.addi %select_n3A_117, %add3A_485 : vector<729x1xi32>
    %ge3A_487 = arith.constant 0 : i32
    %ge3A_488 = vector.broadcast %ge3A_487 : i32 to vector<729x1xi32>
    %ge3A_489 = arith.cmpi sge, %add3A_486, %ge3A_488 : vector<729x1xi32>
    %add3A_490 = arith.constant 1 : i32
    %add3A_491 = vector.broadcast %add3A_490 : i32 to vector<729x1xi32>
    %add3A_492 = arith.addi %select_n3A_117, %add3A_491 : vector<729x1xi32>
    %lt3A_493 = arith.constant 9 : i32
    %lt3A_494 = vector.broadcast %lt3A_493 : i32 to vector<729x1xi32>
    %lt3A_495 = arith.cmpi slt, %add3A_492, %lt3A_494 : vector<729x1xi32>
    %and3A_496 = arith.andi %ge3A_489, %lt3A_495 : vector<729x1xi1>
    %add3A_497 = arith.constant -1 : i32
    %add3A_498 = vector.broadcast %add3A_497 : i32 to vector<729x1xi32>
    %add3A_499 = arith.addi %select_n3A_139, %add3A_498 : vector<729x1xi32>
    %ge3A_500 = arith.constant 0 : i32
    %ge3A_501 = vector.broadcast %ge3A_500 : i32 to vector<729x1xi32>
    %ge3A_502 = arith.cmpi sge, %add3A_499, %ge3A_501 : vector<729x1xi32>
    %add3A_503 = arith.constant -1 : i32
    %add3A_504 = vector.broadcast %add3A_503 : i32 to vector<729x1xi32>
    %add3A_505 = arith.addi %select_n3A_139, %add3A_504 : vector<729x1xi32>
    %lt3A_506 = arith.constant 9 : i32
    %lt3A_507 = vector.broadcast %lt3A_506 : i32 to vector<729x1xi32>
    %lt3A_508 = arith.cmpi slt, %add3A_505, %lt3A_507 : vector<729x1xi32>
    %and3A_509 = arith.andi %ge3A_502, %lt3A_508 : vector<729x1xi1>
    %and3A_510 = arith.andi %and3A_496, %and3A_509 : vector<729x1xi1>
    %and3A_511 = arith.andi %and3A_483, %and3A_510 : vector<729x1xi1>
    %jit3A_512 = arith.constant 0.000000e+00 : f32
    %broadcast_in_dim3A_513 = vector.shape_cast %and3A_511 : vector<729x1xi1> to vector<729x1xi1>
    %broadcast_in_dim3A_514 = vector.broadcast %broadcast_in_dim3A_513 : vector<729x1xi1> to vector<729x64xi1>
    %broadcast_in_dim3A_515 = vector.broadcast %jit3A_512 : f32 to vector<729x64xf32>
    %select_n3A_516 = arith.select %broadcast_in_dim3A_514, %slice3A_470, %broadcast_in_dim3A_515 : vector<729x64xi1>, vector<729x64xf32>
    %get3A_517 = arith.constant 6 : index
    %get3A_518 = arith.constant 0 : index
    %get3A_519 = arith.constant 0 : index
    %get3A_520 = vector.load %arg9[%get3A_517, %get3A_518, %get3A_519] : memref<27x64x64xf32, #tpu.memory_space<vmem>>, vector<1x64x64xf32>
    %get3A_521 = vector.shape_cast %get3A_520 : vector<1x64x64xf32> to vector<64x64xf32>
    %dot_general3A_522 = arith.constant dense<0.000000e+00> : vector<729x64xf32>
    %dot_general3A_523 = tpu.matmul %select_n3A_516, %get3A_521, %dot_general3A_522 {dimension_numbers = #tpu.dot_dimension_numbers<[1], [0], [0], [1], [0, 0, 1, 1], [], []>, transpose_lhs_hint = false} : vector<729x64xf32>, vector<64x64xf32>, vector<729x64xf32> -> vector<729x64xf32>
    %add3A_524 = arith.addf %add3A_469, %dot_general3A_523 : vector<729x64xf32>
    %slice3A_525 = vector.extract_strided_slice %concatenate3A {offsets = [24, 0], sizes = [729, 64], strides = [1, 1]} : vector<921x64xf32> to vector<729x64xf32>
    %add3A_526 = arith.constant -1 : i32
    %add3A_527 = vector.broadcast %add3A_526 : i32 to vector<729x1xi32>
    %add3A_528 = arith.addi %select_n3A, %add3A_527 : vector<729x1xi32>
    %ge3A_529 = arith.constant 0 : i32
    %ge3A_530 = vector.broadcast %ge3A_529 : i32 to vector<729x1xi32>
    %ge3A_531 = arith.cmpi sge, %add3A_528, %ge3A_530 : vector<729x1xi32>
    %add3A_532 = arith.constant -1 : i32
    %add3A_533 = vector.broadcast %add3A_532 : i32 to vector<729x1xi32>
    %add3A_534 = arith.addi %select_n3A, %add3A_533 : vector<729x1xi32>
    %lt3A_535 = arith.constant 9 : i32
    %lt3A_536 = vector.broadcast %lt3A_535 : i32 to vector<729x1xi32>
    %lt3A_537 = arith.cmpi slt, %add3A_534, %lt3A_536 : vector<729x1xi32>
    %and3A_538 = arith.andi %ge3A_531, %lt3A_537 : vector<729x1xi1>
    %add3A_539 = arith.constant 1 : i32
    %add3A_540 = vector.broadcast %add3A_539 : i32 to vector<729x1xi32>
    %add3A_541 = arith.addi %select_n3A_117, %add3A_540 : vector<729x1xi32>
    %ge3A_542 = arith.constant 0 : i32
    %ge3A_543 = vector.broadcast %ge3A_542 : i32 to vector<729x1xi32>
    %ge3A_544 = arith.cmpi sge, %add3A_541, %ge3A_543 : vector<729x1xi32>
    %add3A_545 = arith.constant 1 : i32
    %add3A_546 = vector.broadcast %add3A_545 : i32 to vector<729x1xi32>
    %add3A_547 = arith.addi %select_n3A_117, %add3A_546 : vector<729x1xi32>
    %lt3A_548 = arith.constant 9 : i32
    %lt3A_549 = vector.broadcast %lt3A_548 : i32 to vector<729x1xi32>
    %lt3A_550 = arith.cmpi slt, %add3A_547, %lt3A_549 : vector<729x1xi32>
    %and3A_551 = arith.andi %ge3A_544, %lt3A_550 : vector<729x1xi1>
    %add3A_552 = arith.constant 0 : i32
    %add3A_553 = vector.broadcast %add3A_552 : i32 to vector<729x1xi32>
    %add3A_554 = arith.addi %select_n3A_139, %add3A_553 : vector<729x1xi32>
    %ge3A_555 = arith.constant 0 : i32
    %ge3A_556 = vector.broadcast %ge3A_555 : i32 to vector<729x1xi32>
    %ge3A_557 = arith.cmpi sge, %add3A_554, %ge3A_556 : vector<729x1xi32>
    %add3A_558 = arith.constant 0 : i32
    %add3A_559 = vector.broadcast %add3A_558 : i32 to vector<729x1xi32>
    %add3A_560 = arith.addi %select_n3A_139, %add3A_559 : vector<729x1xi32>
    %lt3A_561 = arith.constant 9 : i32
    %lt3A_562 = vector.broadcast %lt3A_561 : i32 to vector<729x1xi32>
    %lt3A_563 = arith.cmpi slt, %add3A_560, %lt3A_562 : vector<729x1xi32>
    %and3A_564 = arith.andi %ge3A_557, %lt3A_563 : vector<729x1xi1>
    %and3A_565 = arith.andi %and3A_551, %and3A_564 : vector<729x1xi1>
    %and3A_566 = arith.andi %and3A_538, %and3A_565 : vector<729x1xi1>
    %jit3A_567 = arith.constant 0.000000e+00 : f32
    %broadcast_in_dim3A_568 = vector.shape_cast %and3A_566 : vector<729x1xi1> to vector<729x1xi1>
    %broadcast_in_dim3A_569 = vector.broadcast %broadcast_in_dim3A_568 : vector<729x1xi1> to vector<729x64xi1>
    %broadcast_in_dim3A_570 = vector.broadcast %jit3A_567 : f32 to vector<729x64xf32>
    %select_n3A_571 = arith.select %broadcast_in_dim3A_569, %slice3A_525, %broadcast_in_dim3A_570 : vector<729x64xi1>, vector<729x64xf32>
    %get3A_572 = arith.constant 7 : index
    %get3A_573 = arith.constant 0 : index
    %get3A_574 = arith.constant 0 : index
    %get3A_575 = vector.load %arg9[%get3A_572, %get3A_573, %get3A_574] : memref<27x64x64xf32, #tpu.memory_space<vmem>>, vector<1x64x64xf32>
    %get3A_576 = vector.shape_cast %get3A_575 : vector<1x64x64xf32> to vector<64x64xf32>
    %dot_general3A_577 = arith.constant dense<0.000000e+00> : vector<729x64xf32>
    %dot_general3A_578 = tpu.matmul %select_n3A_571, %get3A_576, %dot_general3A_577 {dimension_numbers = #tpu.dot_dimension_numbers<[1], [0], [0], [1], [0, 0, 1, 1], [], []>, transpose_lhs_hint = false} : vector<729x64xf32>, vector<64x64xf32>, vector<729x64xf32> -> vector<729x64xf32>
    %add3A_579 = arith.addf %add3A_524, %dot_general3A_578 : vector<729x64xf32>
    %slice3A_580 = vector.extract_strided_slice %concatenate3A {offsets = [25, 0], sizes = [729, 64], strides = [1, 1]} : vector<921x64xf32> to vector<729x64xf32>
    %add3A_581 = arith.constant -1 : i32
    %add3A_582 = vector.broadcast %add3A_581 : i32 to vector<729x1xi32>
    %add3A_583 = arith.addi %select_n3A, %add3A_582 : vector<729x1xi32>
    %ge3A_584 = arith.constant 0 : i32
    %ge3A_585 = vector.broadcast %ge3A_584 : i32 to vector<729x1xi32>
    %ge3A_586 = arith.cmpi sge, %add3A_583, %ge3A_585 : vector<729x1xi32>
    %add3A_587 = arith.constant -1 : i32
    %add3A_588 = vector.broadcast %add3A_587 : i32 to vector<729x1xi32>
    %add3A_589 = arith.addi %select_n3A, %add3A_588 : vector<729x1xi32>
    %lt3A_590 = arith.constant 9 : i32
    %lt3A_591 = vector.broadcast %lt3A_590 : i32 to vector<729x1xi32>
    %lt3A_592 = arith.cmpi slt, %add3A_589, %lt3A_591 : vector<729x1xi32>
    %and3A_593 = arith.andi %ge3A_586, %lt3A_592 : vector<729x1xi1>
    %add3A_594 = arith.constant 1 : i32
    %add3A_595 = vector.broadcast %add3A_594 : i32 to vector<729x1xi32>
    %add3A_596 = arith.addi %select_n3A_117, %add3A_595 : vector<729x1xi32>
    %ge3A_597 = arith.constant 0 : i32
    %ge3A_598 = vector.broadcast %ge3A_597 : i32 to vector<729x1xi32>
    %ge3A_599 = arith.cmpi sge, %add3A_596, %ge3A_598 : vector<729x1xi32>
    %add3A_600 = arith.constant 1 : i32
    %add3A_601 = vector.broadcast %add3A_600 : i32 to vector<729x1xi32>
    %add3A_602 = arith.addi %select_n3A_117, %add3A_601 : vector<729x1xi32>
    %lt3A_603 = arith.constant 9 : i32
    %lt3A_604 = vector.broadcast %lt3A_603 : i32 to vector<729x1xi32>
    %lt3A_605 = arith.cmpi slt, %add3A_602, %lt3A_604 : vector<729x1xi32>
    %and3A_606 = arith.andi %ge3A_599, %lt3A_605 : vector<729x1xi1>
    %add3A_607 = arith.constant 1 : i32
    %add3A_608 = vector.broadcast %add3A_607 : i32 to vector<729x1xi32>
    %add3A_609 = arith.addi %select_n3A_139, %add3A_608 : vector<729x1xi32>
    %ge3A_610 = arith.constant 0 : i32
    %ge3A_611 = vector.broadcast %ge3A_610 : i32 to vector<729x1xi32>
    %ge3A_612 = arith.cmpi sge, %add3A_609, %ge3A_611 : vector<729x1xi32>
    %add3A_613 = arith.constant 1 : i32
    %add3A_614 = vector.broadcast %add3A_613 : i32 to vector<729x1xi32>
    %add3A_615 = arith.addi %select_n3A_139, %add3A_614 : vector<729x1xi32>
    %lt3A_616 = arith.constant 9 : i32
    %lt3A_617 = vector.broadcast %lt3A_616 : i32 to vector<729x1xi32>
    %lt3A_618 = arith.cmpi slt, %add3A_615, %lt3A_617 : vector<729x1xi32>
    %and3A_619 = arith.andi %ge3A_612, %lt3A_618 : vector<729x1xi1>
    %and3A_620 = arith.andi %and3A_606, %and3A_619 : vector<729x1xi1>
    %and3A_621 = arith.andi %and3A_593, %and3A_620 : vector<729x1xi1>
    %jit3A_622 = arith.constant 0.000000e+00 : f32
    %broadcast_in_dim3A_623 = vector.shape_cast %and3A_621 : vector<729x1xi1> to vector<729x1xi1>
    %broadcast_in_dim3A_624 = vector.broadcast %broadcast_in_dim3A_623 : vector<729x1xi1> to vector<729x64xi1>
    %broadcast_in_dim3A_625 = vector.broadcast %jit3A_622 : f32 to vector<729x64xf32>
    %select_n3A_626 = arith.select %broadcast_in_dim3A_624, %slice3A_580, %broadcast_in_dim3A_625 : vector<729x64xi1>, vector<729x64xf32>
    %get3A_627 = arith.constant 8 : index
    %get3A_628 = arith.constant 0 : index
    %get3A_629 = arith.constant 0 : index
    %get3A_630 = vector.load %arg9[%get3A_627, %get3A_628, %get3A_629] : memref<27x64x64xf32, #tpu.memory_space<vmem>>, vector<1x64x64xf32>
    %get3A_631 = vector.shape_cast %get3A_630 : vector<1x64x64xf32> to vector<64x64xf32>
    %dot_general3A_632 = arith.constant dense<0.000000e+00> : vector<729x64xf32>
    %dot_general3A_633 = tpu.matmul %select_n3A_626, %get3A_631, %dot_general3A_632 {dimension_numbers = #tpu.dot_dimension_numbers<[1], [0], [0], [1], [0, 0, 1, 1], [], []>, transpose_lhs_hint = false} : vector<729x64xf32>, vector<64x64xf32>, vector<729x64xf32> -> vector<729x64xf32>
    %add3A_634 = arith.addf %add3A_579, %dot_general3A_633 : vector<729x64xf32>
    %slice3A_635 = vector.extract_strided_slice %concatenate3A {offsets = [86, 0], sizes = [729, 64], strides = [1, 1]} : vector<921x64xf32> to vector<729x64xf32>
    %add3A_636 = arith.constant 0 : i32
    %add3A_637 = vector.broadcast %add3A_636 : i32 to vector<729x1xi32>
    %add3A_638 = arith.addi %select_n3A, %add3A_637 : vector<729x1xi32>
    %ge3A_639 = arith.constant 0 : i32
    %ge3A_640 = vector.broadcast %ge3A_639 : i32 to vector<729x1xi32>
    %ge3A_641 = arith.cmpi sge, %add3A_638, %ge3A_640 : vector<729x1xi32>
    %add3A_642 = arith.constant 0 : i32
    %add3A_643 = vector.broadcast %add3A_642 : i32 to vector<729x1xi32>
    %add3A_644 = arith.addi %select_n3A, %add3A_643 : vector<729x1xi32>
    %lt3A_645 = arith.constant 9 : i32
    %lt3A_646 = vector.broadcast %lt3A_645 : i32 to vector<729x1xi32>
    %lt3A_647 = arith.cmpi slt, %add3A_644, %lt3A_646 : vector<729x1xi32>
    %and3A_648 = arith.andi %ge3A_641, %lt3A_647 : vector<729x1xi1>
    %add3A_649 = arith.constant -1 : i32
    %add3A_650 = vector.broadcast %add3A_649 : i32 to vector<729x1xi32>
    %add3A_651 = arith.addi %select_n3A_117, %add3A_650 : vector<729x1xi32>
    %ge3A_652 = arith.constant 0 : i32
    %ge3A_653 = vector.broadcast %ge3A_652 : i32 to vector<729x1xi32>
    %ge3A_654 = arith.cmpi sge, %add3A_651, %ge3A_653 : vector<729x1xi32>
    %add3A_655 = arith.constant -1 : i32
    %add3A_656 = vector.broadcast %add3A_655 : i32 to vector<729x1xi32>
    %add3A_657 = arith.addi %select_n3A_117, %add3A_656 : vector<729x1xi32>
    %lt3A_658 = arith.constant 9 : i32
    %lt3A_659 = vector.broadcast %lt3A_658 : i32 to vector<729x1xi32>
    %lt3A_660 = arith.cmpi slt, %add3A_657, %lt3A_659 : vector<729x1xi32>
    %and3A_661 = arith.andi %ge3A_654, %lt3A_660 : vector<729x1xi1>
    %add3A_662 = arith.constant -1 : i32
    %add3A_663 = vector.broadcast %add3A_662 : i32 to vector<729x1xi32>
    %add3A_664 = arith.addi %select_n3A_139, %add3A_663 : vector<729x1xi32>
    %ge3A_665 = arith.constant 0 : i32
    %ge3A_666 = vector.broadcast %ge3A_665 : i32 to vector<729x1xi32>
    %ge3A_667 = arith.cmpi sge, %add3A_664, %ge3A_666 : vector<729x1xi32>
    %add3A_668 = arith.constant -1 : i32
    %add3A_669 = vector.broadcast %add3A_668 : i32 to vector<729x1xi32>
    %add3A_670 = arith.addi %select_n3A_139, %add3A_669 : vector<729x1xi32>
    %lt3A_671 = arith.constant 9 : i32
    %lt3A_672 = vector.broadcast %lt3A_671 : i32 to vector<729x1xi32>
    %lt3A_673 = arith.cmpi slt, %add3A_670, %lt3A_672 : vector<729x1xi32>
    %and3A_674 = arith.andi %ge3A_667, %lt3A_673 : vector<729x1xi1>
    %and3A_675 = arith.andi %and3A_661, %and3A_674 : vector<729x1xi1>
    %and3A_676 = arith.andi %and3A_648, %and3A_675 : vector<729x1xi1>
    %jit3A_677 = arith.constant 0.000000e+00 : f32
    %broadcast_in_dim3A_678 = vector.shape_cast %and3A_676 : vector<729x1xi1> to vector<729x1xi1>
    %broadcast_in_dim3A_679 = vector.broadcast %broadcast_in_dim3A_678 : vector<729x1xi1> to vector<729x64xi1>
    %broadcast_in_dim3A_680 = vector.broadcast %jit3A_677 : f32 to vector<729x64xf32>
    %select_n3A_681 = arith.select %broadcast_in_dim3A_679, %slice3A_635, %broadcast_in_dim3A_680 : vector<729x64xi1>, vector<729x64xf32>
    %get3A_682 = arith.constant 9 : index
    %get3A_683 = arith.constant 0 : index
    %get3A_684 = arith.constant 0 : index
    %get3A_685 = vector.load %arg9[%get3A_682, %get3A_683, %get3A_684] : memref<27x64x64xf32, #tpu.memory_space<vmem>>, vector<1x64x64xf32>
    %get3A_686 = vector.shape_cast %get3A_685 : vector<1x64x64xf32> to vector<64x64xf32>
    %dot_general3A_687 = arith.constant dense<0.000000e+00> : vector<729x64xf32>
    %dot_general3A_688 = tpu.matmul %select_n3A_681, %get3A_686, %dot_general3A_687 {dimension_numbers = #tpu.dot_dimension_numbers<[1], [0], [0], [1], [0, 0, 1, 1], [], []>, transpose_lhs_hint = false} : vector<729x64xf32>, vector<64x64xf32>, vector<729x64xf32> -> vector<729x64xf32>
    %add3A_689 = arith.addf %add3A_634, %dot_general3A_688 : vector<729x64xf32>
    %slice3A_690 = vector.extract_strided_slice %concatenate3A {offsets = [87, 0], sizes = [729, 64], strides = [1, 1]} : vector<921x64xf32> to vector<729x64xf32>
    %add3A_691 = arith.constant 0 : i32
    %add3A_692 = vector.broadcast %add3A_691 : i32 to vector<729x1xi32>
    %add3A_693 = arith.addi %select_n3A, %add3A_692 : vector<729x1xi32>
    %ge3A_694 = arith.constant 0 : i32
    %ge3A_695 = vector.broadcast %ge3A_694 : i32 to vector<729x1xi32>
    %ge3A_696 = arith.cmpi sge, %add3A_693, %ge3A_695 : vector<729x1xi32>
    %add3A_697 = arith.constant 0 : i32
    %add3A_698 = vector.broadcast %add3A_697 : i32 to vector<729x1xi32>
    %add3A_699 = arith.addi %select_n3A, %add3A_698 : vector<729x1xi32>
    %lt3A_700 = arith.constant 9 : i32
    %lt3A_701 = vector.broadcast %lt3A_700 : i32 to vector<729x1xi32>
    %lt3A_702 = arith.cmpi slt, %add3A_699, %lt3A_701 : vector<729x1xi32>
    %and3A_703 = arith.andi %ge3A_696, %lt3A_702 : vector<729x1xi1>
    %add3A_704 = arith.constant -1 : i32
    %add3A_705 = vector.broadcast %add3A_704 : i32 to vector<729x1xi32>
    %add3A_706 = arith.addi %select_n3A_117, %add3A_705 : vector<729x1xi32>
    %ge3A_707 = arith.constant 0 : i32
    %ge3A_708 = vector.broadcast %ge3A_707 : i32 to vector<729x1xi32>
    %ge3A_709 = arith.cmpi sge, %add3A_706, %ge3A_708 : vector<729x1xi32>
    %add3A_710 = arith.constant -1 : i32
    %add3A_711 = vector.broadcast %add3A_710 : i32 to vector<729x1xi32>
    %add3A_712 = arith.addi %select_n3A_117, %add3A_711 : vector<729x1xi32>
    %lt3A_713 = arith.constant 9 : i32
    %lt3A_714 = vector.broadcast %lt3A_713 : i32 to vector<729x1xi32>
    %lt3A_715 = arith.cmpi slt, %add3A_712, %lt3A_714 : vector<729x1xi32>
    %and3A_716 = arith.andi %ge3A_709, %lt3A_715 : vector<729x1xi1>
    %add3A_717 = arith.constant 0 : i32
    %add3A_718 = vector.broadcast %add3A_717 : i32 to vector<729x1xi32>
    %add3A_719 = arith.addi %select_n3A_139, %add3A_718 : vector<729x1xi32>
    %ge3A_720 = arith.constant 0 : i32
    %ge3A_721 = vector.broadcast %ge3A_720 : i32 to vector<729x1xi32>
    %ge3A_722 = arith.cmpi sge, %add3A_719, %ge3A_721 : vector<729x1xi32>
    %add3A_723 = arith.constant 0 : i32
    %add3A_724 = vector.broadcast %add3A_723 : i32 to vector<729x1xi32>
    %add3A_725 = arith.addi %select_n3A_139, %add3A_724 : vector<729x1xi32>
    %lt3A_726 = arith.constant 9 : i32
    %lt3A_727 = vector.broadcast %lt3A_726 : i32 to vector<729x1xi32>
    %lt3A_728 = arith.cmpi slt, %add3A_725, %lt3A_727 : vector<729x1xi32>
    %and3A_729 = arith.andi %ge3A_722, %lt3A_728 : vector<729x1xi1>
    %and3A_730 = arith.andi %and3A_716, %and3A_729 : vector<729x1xi1>
    %and3A_731 = arith.andi %and3A_703, %and3A_730 : vector<729x1xi1>
    %jit3A_732 = arith.constant 0.000000e+00 : f32
    %broadcast_in_dim3A_733 = vector.shape_cast %and3A_731 : vector<729x1xi1> to vector<729x1xi1>
    %broadcast_in_dim3A_734 = vector.broadcast %broadcast_in_dim3A_733 : vector<729x1xi1> to vector<729x64xi1>
    %broadcast_in_dim3A_735 = vector.broadcast %jit3A_732 : f32 to vector<729x64xf32>
    %select_n3A_736 = arith.select %broadcast_in_dim3A_734, %slice3A_690, %broadcast_in_dim3A_735 : vector<729x64xi1>, vector<729x64xf32>
    %get3A_737 = arith.constant 10 : index
    %get3A_738 = arith.constant 0 : index
    %get3A_739 = arith.constant 0 : index
    %get3A_740 = vector.load %arg9[%get3A_737, %get3A_738, %get3A_739] : memref<27x64x64xf32, #tpu.memory_space<vmem>>, vector<1x64x64xf32>
    %get3A_741 = vector.shape_cast %get3A_740 : vector<1x64x64xf32> to vector<64x64xf32>
    %dot_general3A_742 = arith.constant dense<0.000000e+00> : vector<729x64xf32>
    %dot_general3A_743 = tpu.matmul %select_n3A_736, %get3A_741, %dot_general3A_742 {dimension_numbers = #tpu.dot_dimension_numbers<[1], [0], [0], [1], [0, 0, 1, 1], [], []>, transpose_lhs_hint = false} : vector<729x64xf32>, vector<64x64xf32>, vector<729x64xf32> -> vector<729x64xf32>
    %add3A_744 = arith.addf %add3A_689, %dot_general3A_743 : vector<729x64xf32>
    %slice3A_745 = vector.extract_strided_slice %concatenate3A {offsets = [88, 0], sizes = [729, 64], strides = [1, 1]} : vector<921x64xf32> to vector<729x64xf32>
    %add3A_746 = arith.constant 0 : i32
    %add3A_747 = vector.broadcast %add3A_746 : i32 to vector<729x1xi32>
    %add3A_748 = arith.addi %select_n3A, %add3A_747 : vector<729x1xi32>
    %ge3A_749 = arith.constant 0 : i32
    %ge3A_750 = vector.broadcast %ge3A_749 : i32 to vector<729x1xi32>
    %ge3A_751 = arith.cmpi sge, %add3A_748, %ge3A_750 : vector<729x1xi32>
    %add3A_752 = arith.constant 0 : i32
    %add3A_753 = vector.broadcast %add3A_752 : i32 to vector<729x1xi32>
    %add3A_754 = arith.addi %select_n3A, %add3A_753 : vector<729x1xi32>
    %lt3A_755 = arith.constant 9 : i32
    %lt3A_756 = vector.broadcast %lt3A_755 : i32 to vector<729x1xi32>
    %lt3A_757 = arith.cmpi slt, %add3A_754, %lt3A_756 : vector<729x1xi32>
    %and3A_758 = arith.andi %ge3A_751, %lt3A_757 : vector<729x1xi1>
    %add3A_759 = arith.constant -1 : i32
    %add3A_760 = vector.broadcast %add3A_759 : i32 to vector<729x1xi32>
    %add3A_761 = arith.addi %select_n3A_117, %add3A_760 : vector<729x1xi32>
    %ge3A_762 = arith.constant 0 : i32
    %ge3A_763 = vector.broadcast %ge3A_762 : i32 to vector<729x1xi32>
    %ge3A_764 = arith.cmpi sge, %add3A_761, %ge3A_763 : vector<729x1xi32>
    %add3A_765 = arith.constant -1 : i32
    %add3A_766 = vector.broadcast %add3A_765 : i32 to vector<729x1xi32>
    %add3A_767 = arith.addi %select_n3A_117, %add3A_766 : vector<729x1xi32>
    %lt3A_768 = arith.constant 9 : i32
    %lt3A_769 = vector.broadcast %lt3A_768 : i32 to vector<729x1xi32>
    %lt3A_770 = arith.cmpi slt, %add3A_767, %lt3A_769 : vector<729x1xi32>
    %and3A_771 = arith.andi %ge3A_764, %lt3A_770 : vector<729x1xi1>
    %add3A_772 = arith.constant 1 : i32
    %add3A_773 = vector.broadcast %add3A_772 : i32 to vector<729x1xi32>
    %add3A_774 = arith.addi %select_n3A_139, %add3A_773 : vector<729x1xi32>
    %ge3A_775 = arith.constant 0 : i32
    %ge3A_776 = vector.broadcast %ge3A_775 : i32 to vector<729x1xi32>
    %ge3A_777 = arith.cmpi sge, %add3A_774, %ge3A_776 : vector<729x1xi32>
    %add3A_778 = arith.constant 1 : i32
    %add3A_779 = vector.broadcast %add3A_778 : i32 to vector<729x1xi32>
    %add3A_780 = arith.addi %select_n3A_139, %add3A_779 : vector<729x1xi32>
    %lt3A_781 = arith.constant 9 : i32
    %lt3A_782 = vector.broadcast %lt3A_781 : i32 to vector<729x1xi32>
    %lt3A_783 = arith.cmpi slt, %add3A_780, %lt3A_782 : vector<729x1xi32>
    %and3A_784 = arith.andi %ge3A_777, %lt3A_783 : vector<729x1xi1>
    %and3A_785 = arith.andi %and3A_771, %and3A_784 : vector<729x1xi1>
    %and3A_786 = arith.andi %and3A_758, %and3A_785 : vector<729x1xi1>
    %jit3A_787 = arith.constant 0.000000e+00 : f32
    %broadcast_in_dim3A_788 = vector.shape_cast %and3A_786 : vector<729x1xi1> to vector<729x1xi1>
    %broadcast_in_dim3A_789 = vector.broadcast %broadcast_in_dim3A_788 : vector<729x1xi1> to vector<729x64xi1>
    %broadcast_in_dim3A_790 = vector.broadcast %jit3A_787 : f32 to vector<729x64xf32>
    %select_n3A_791 = arith.select %broadcast_in_dim3A_789, %slice3A_745, %broadcast_in_dim3A_790 : vector<729x64xi1>, vector<729x64xf32>
    %get3A_792 = arith.constant 11 : index
    %get3A_793 = arith.constant 0 : index
    %get3A_794 = arith.constant 0 : index
    %get3A_795 = vector.load %arg9[%get3A_792, %get3A_793, %get3A_794] : memref<27x64x64xf32, #tpu.memory_space<vmem>>, vector<1x64x64xf32>
    %get3A_796 = vector.shape_cast %get3A_795 : vector<1x64x64xf32> to vector<64x64xf32>
    %dot_general3A_797 = arith.constant dense<0.000000e+00> : vector<729x64xf32>
    %dot_general3A_798 = tpu.matmul %select_n3A_791, %get3A_796, %dot_general3A_797 {dimension_numbers = #tpu.dot_dimension_numbers<[1], [0], [0], [1], [0, 0, 1, 1], [], []>, transpose_lhs_hint = false} : vector<729x64xf32>, vector<64x64xf32>, vector<729x64xf32> -> vector<729x64xf32>
    %add3A_799 = arith.addf %add3A_744, %dot_general3A_798 : vector<729x64xf32>
    %slice3A_800 = vector.extract_strided_slice %concatenate3A {offsets = [95, 0], sizes = [729, 64], strides = [1, 1]} : vector<921x64xf32> to vector<729x64xf32>
    %add3A_801 = arith.constant 0 : i32
    %add3A_802 = vector.broadcast %add3A_801 : i32 to vector<729x1xi32>
    %add3A_803 = arith.addi %select_n3A, %add3A_802 : vector<729x1xi32>
    %ge3A_804 = arith.constant 0 : i32
    %ge3A_805 = vector.broadcast %ge3A_804 : i32 to vector<729x1xi32>
    %ge3A_806 = arith.cmpi sge, %add3A_803, %ge3A_805 : vector<729x1xi32>
    %add3A_807 = arith.constant 0 : i32
    %add3A_808 = vector.broadcast %add3A_807 : i32 to vector<729x1xi32>
    %add3A_809 = arith.addi %select_n3A, %add3A_808 : vector<729x1xi32>
    %lt3A_810 = arith.constant 9 : i32
    %lt3A_811 = vector.broadcast %lt3A_810 : i32 to vector<729x1xi32>
    %lt3A_812 = arith.cmpi slt, %add3A_809, %lt3A_811 : vector<729x1xi32>
    %and3A_813 = arith.andi %ge3A_806, %lt3A_812 : vector<729x1xi1>
    %add3A_814 = arith.constant 0 : i32
    %add3A_815 = vector.broadcast %add3A_814 : i32 to vector<729x1xi32>
    %add3A_816 = arith.addi %select_n3A_117, %add3A_815 : vector<729x1xi32>
    %ge3A_817 = arith.constant 0 : i32
    %ge3A_818 = vector.broadcast %ge3A_817 : i32 to vector<729x1xi32>
    %ge3A_819 = arith.cmpi sge, %add3A_816, %ge3A_818 : vector<729x1xi32>
    %add3A_820 = arith.constant 0 : i32
    %add3A_821 = vector.broadcast %add3A_820 : i32 to vector<729x1xi32>
    %add3A_822 = arith.addi %select_n3A_117, %add3A_821 : vector<729x1xi32>
    %lt3A_823 = arith.constant 9 : i32
    %lt3A_824 = vector.broadcast %lt3A_823 : i32 to vector<729x1xi32>
    %lt3A_825 = arith.cmpi slt, %add3A_822, %lt3A_824 : vector<729x1xi32>
    %and3A_826 = arith.andi %ge3A_819, %lt3A_825 : vector<729x1xi1>
    %add3A_827 = arith.constant -1 : i32
    %add3A_828 = vector.broadcast %add3A_827 : i32 to vector<729x1xi32>
    %add3A_829 = arith.addi %select_n3A_139, %add3A_828 : vector<729x1xi32>
    %ge3A_830 = arith.constant 0 : i32
    %ge3A_831 = vector.broadcast %ge3A_830 : i32 to vector<729x1xi32>
    %ge3A_832 = arith.cmpi sge, %add3A_829, %ge3A_831 : vector<729x1xi32>
    %add3A_833 = arith.constant -1 : i32
    %add3A_834 = vector.broadcast %add3A_833 : i32 to vector<729x1xi32>
    %add3A_835 = arith.addi %select_n3A_139, %add3A_834 : vector<729x1xi32>
    %lt3A_836 = arith.constant 9 : i32
    %lt3A_837 = vector.broadcast %lt3A_836 : i32 to vector<729x1xi32>
    %lt3A_838 = arith.cmpi slt, %add3A_835, %lt3A_837 : vector<729x1xi32>
    %and3A_839 = arith.andi %ge3A_832, %lt3A_838 : vector<729x1xi1>
    %and3A_840 = arith.andi %and3A_826, %and3A_839 : vector<729x1xi1>
    %and3A_841 = arith.andi %and3A_813, %and3A_840 : vector<729x1xi1>
    %jit3A_842 = arith.constant 0.000000e+00 : f32
    %broadcast_in_dim3A_843 = vector.shape_cast %and3A_841 : vector<729x1xi1> to vector<729x1xi1>
    %broadcast_in_dim3A_844 = vector.broadcast %broadcast_in_dim3A_843 : vector<729x1xi1> to vector<729x64xi1>
    %broadcast_in_dim3A_845 = vector.broadcast %jit3A_842 : f32 to vector<729x64xf32>
    %select_n3A_846 = arith.select %broadcast_in_dim3A_844, %slice3A_800, %broadcast_in_dim3A_845 : vector<729x64xi1>, vector<729x64xf32>
    %get3A_847 = arith.constant 12 : index
    %get3A_848 = arith.constant 0 : index
    %get3A_849 = arith.constant 0 : index
    %get3A_850 = vector.load %arg9[%get3A_847, %get3A_848, %get3A_849] : memref<27x64x64xf32, #tpu.memory_space<vmem>>, vector<1x64x64xf32>
    %get3A_851 = vector.shape_cast %get3A_850 : vector<1x64x64xf32> to vector<64x64xf32>
    %dot_general3A_852 = arith.constant dense<0.000000e+00> : vector<729x64xf32>
    %dot_general3A_853 = tpu.matmul %select_n3A_846, %get3A_851, %dot_general3A_852 {dimension_numbers = #tpu.dot_dimension_numbers<[1], [0], [0], [1], [0, 0, 1, 1], [], []>, transpose_lhs_hint = false} : vector<729x64xf32>, vector<64x64xf32>, vector<729x64xf32> -> vector<729x64xf32>
    %add3A_854 = arith.addf %add3A_799, %dot_general3A_853 : vector<729x64xf32>
    %slice3A_855 = vector.extract_strided_slice %concatenate3A {offsets = [96, 0], sizes = [729, 64], strides = [1, 1]} : vector<921x64xf32> to vector<729x64xf32>
    %add3A_856 = arith.constant 0 : i32
    %add3A_857 = vector.broadcast %add3A_856 : i32 to vector<729x1xi32>
    %add3A_858 = arith.addi %select_n3A, %add3A_857 : vector<729x1xi32>
    %ge3A_859 = arith.constant 0 : i32
    %ge3A_860 = vector.broadcast %ge3A_859 : i32 to vector<729x1xi32>
    %ge3A_861 = arith.cmpi sge, %add3A_858, %ge3A_860 : vector<729x1xi32>
    %add3A_862 = arith.constant 0 : i32
    %add3A_863 = vector.broadcast %add3A_862 : i32 to vector<729x1xi32>
    %add3A_864 = arith.addi %select_n3A, %add3A_863 : vector<729x1xi32>
    %lt3A_865 = arith.constant 9 : i32
    %lt3A_866 = vector.broadcast %lt3A_865 : i32 to vector<729x1xi32>
    %lt3A_867 = arith.cmpi slt, %add3A_864, %lt3A_866 : vector<729x1xi32>
    %and3A_868 = arith.andi %ge3A_861, %lt3A_867 : vector<729x1xi1>
    %add3A_869 = arith.constant 0 : i32
    %add3A_870 = vector.broadcast %add3A_869 : i32 to vector<729x1xi32>
    %add3A_871 = arith.addi %select_n3A_117, %add3A_870 : vector<729x1xi32>
    %ge3A_872 = arith.constant 0 : i32
    %ge3A_873 = vector.broadcast %ge3A_872 : i32 to vector<729x1xi32>
    %ge3A_874 = arith.cmpi sge, %add3A_871, %ge3A_873 : vector<729x1xi32>
    %add3A_875 = arith.constant 0 : i32
    %add3A_876 = vector.broadcast %add3A_875 : i32 to vector<729x1xi32>
    %add3A_877 = arith.addi %select_n3A_117, %add3A_876 : vector<729x1xi32>
    %lt3A_878 = arith.constant 9 : i32
    %lt3A_879 = vector.broadcast %lt3A_878 : i32 to vector<729x1xi32>
    %lt3A_880 = arith.cmpi slt, %add3A_877, %lt3A_879 : vector<729x1xi32>
    %and3A_881 = arith.andi %ge3A_874, %lt3A_880 : vector<729x1xi1>
    %add3A_882 = arith.constant 0 : i32
    %add3A_883 = vector.broadcast %add3A_882 : i32 to vector<729x1xi32>
    %add3A_884 = arith.addi %select_n3A_139, %add3A_883 : vector<729x1xi32>
    %ge3A_885 = arith.constant 0 : i32
    %ge3A_886 = vector.broadcast %ge3A_885 : i32 to vector<729x1xi32>
    %ge3A_887 = arith.cmpi sge, %add3A_884, %ge3A_886 : vector<729x1xi32>
    %add3A_888 = arith.constant 0 : i32
    %add3A_889 = vector.broadcast %add3A_888 : i32 to vector<729x1xi32>
    %add3A_890 = arith.addi %select_n3A_139, %add3A_889 : vector<729x1xi32>
    %lt3A_891 = arith.constant 9 : i32
    %lt3A_892 = vector.broadcast %lt3A_891 : i32 to vector<729x1xi32>
    %lt3A_893 = arith.cmpi slt, %add3A_890, %lt3A_892 : vector<729x1xi32>
    %and3A_894 = arith.andi %ge3A_887, %lt3A_893 : vector<729x1xi1>
    %and3A_895 = arith.andi %and3A_881, %and3A_894 : vector<729x1xi1>
    %and3A_896 = arith.andi %and3A_868, %and3A_895 : vector<729x1xi1>
    %jit3A_897 = arith.constant 0.000000e+00 : f32
    %broadcast_in_dim3A_898 = vector.shape_cast %and3A_896 : vector<729x1xi1> to vector<729x1xi1>
    %broadcast_in_dim3A_899 = vector.broadcast %broadcast_in_dim3A_898 : vector<729x1xi1> to vector<729x64xi1>
    %broadcast_in_dim3A_900 = vector.broadcast %jit3A_897 : f32 to vector<729x64xf32>
    %select_n3A_901 = arith.select %broadcast_in_dim3A_899, %slice3A_855, %broadcast_in_dim3A_900 : vector<729x64xi1>, vector<729x64xf32>
    %get3A_902 = arith.constant 13 : index
    %get3A_903 = arith.constant 0 : index
    %get3A_904 = arith.constant 0 : index
    %get3A_905 = vector.load %arg9[%get3A_902, %get3A_903, %get3A_904] : memref<27x64x64xf32, #tpu.memory_space<vmem>>, vector<1x64x64xf32>
    %get3A_906 = vector.shape_cast %get3A_905 : vector<1x64x64xf32> to vector<64x64xf32>
    %dot_general3A_907 = arith.constant dense<0.000000e+00> : vector<729x64xf32>
    %dot_general3A_908 = tpu.matmul %select_n3A_901, %get3A_906, %dot_general3A_907 {dimension_numbers = #tpu.dot_dimension_numbers<[1], [0], [0], [1], [0, 0, 1, 1], [], []>, transpose_lhs_hint = false} : vector<729x64xf32>, vector<64x64xf32>, vector<729x64xf32> -> vector<729x64xf32>
    %add3A_909 = arith.addf %add3A_854, %dot_general3A_908 : vector<729x64xf32>
    %slice3A_910 = vector.extract_strided_slice %concatenate3A {offsets = [97, 0], sizes = [729, 64], strides = [1, 1]} : vector<921x64xf32> to vector<729x64xf32>
    %add3A_911 = arith.constant 0 : i32
    %add3A_912 = vector.broadcast %add3A_911 : i32 to vector<729x1xi32>
    %add3A_913 = arith.addi %select_n3A, %add3A_912 : vector<729x1xi32>
    %ge3A_914 = arith.constant 0 : i32
    %ge3A_915 = vector.broadcast %ge3A_914 : i32 to vector<729x1xi32>
    %ge3A_916 = arith.cmpi sge, %add3A_913, %ge3A_915 : vector<729x1xi32>
    %add3A_917 = arith.constant 0 : i32
    %add3A_918 = vector.broadcast %add3A_917 : i32 to vector<729x1xi32>
    %add3A_919 = arith.addi %select_n3A, %add3A_918 : vector<729x1xi32>
    %lt3A_920 = arith.constant 9 : i32
    %lt3A_921 = vector.broadcast %lt3A_920 : i32 to vector<729x1xi32>
    %lt3A_922 = arith.cmpi slt, %add3A_919, %lt3A_921 : vector<729x1xi32>
    %and3A_923 = arith.andi %ge3A_916, %lt3A_922 : vector<729x1xi1>
    %add3A_924 = arith.constant 0 : i32
    %add3A_925 = vector.broadcast %add3A_924 : i32 to vector<729x1xi32>
    %add3A_926 = arith.addi %select_n3A_117, %add3A_925 : vector<729x1xi32>
    %ge3A_927 = arith.constant 0 : i32
    %ge3A_928 = vector.broadcast %ge3A_927 : i32 to vector<729x1xi32>
    %ge3A_929 = arith.cmpi sge, %add3A_926, %ge3A_928 : vector<729x1xi32>
    %add3A_930 = arith.constant 0 : i32
    %add3A_931 = vector.broadcast %add3A_930 : i32 to vector<729x1xi32>
    %add3A_932 = arith.addi %select_n3A_117, %add3A_931 : vector<729x1xi32>
    %lt3A_933 = arith.constant 9 : i32
    %lt3A_934 = vector.broadcast %lt3A_933 : i32 to vector<729x1xi32>
    %lt3A_935 = arith.cmpi slt, %add3A_932, %lt3A_934 : vector<729x1xi32>
    %and3A_936 = arith.andi %ge3A_929, %lt3A_935 : vector<729x1xi1>
    %add3A_937 = arith.constant 1 : i32
    %add3A_938 = vector.broadcast %add3A_937 : i32 to vector<729x1xi32>
    %add3A_939 = arith.addi %select_n3A_139, %add3A_938 : vector<729x1xi32>
    %ge3A_940 = arith.constant 0 : i32
    %ge3A_941 = vector.broadcast %ge3A_940 : i32 to vector<729x1xi32>
    %ge3A_942 = arith.cmpi sge, %add3A_939, %ge3A_941 : vector<729x1xi32>
    %add3A_943 = arith.constant 1 : i32
    %add3A_944 = vector.broadcast %add3A_943 : i32 to vector<729x1xi32>
    %add3A_945 = arith.addi %select_n3A_139, %add3A_944 : vector<729x1xi32>
    %lt3A_946 = arith.constant 9 : i32
    %lt3A_947 = vector.broadcast %lt3A_946 : i32 to vector<729x1xi32>
    %lt3A_948 = arith.cmpi slt, %add3A_945, %lt3A_947 : vector<729x1xi32>
    %and3A_949 = arith.andi %ge3A_942, %lt3A_948 : vector<729x1xi1>
    %and3A_950 = arith.andi %and3A_936, %and3A_949 : vector<729x1xi1>
    %and3A_951 = arith.andi %and3A_923, %and3A_950 : vector<729x1xi1>
    %jit3A_952 = arith.constant 0.000000e+00 : f32
    %broadcast_in_dim3A_953 = vector.shape_cast %and3A_951 : vector<729x1xi1> to vector<729x1xi1>
    %broadcast_in_dim3A_954 = vector.broadcast %broadcast_in_dim3A_953 : vector<729x1xi1> to vector<729x64xi1>
    %broadcast_in_dim3A_955 = vector.broadcast %jit3A_952 : f32 to vector<729x64xf32>
    %select_n3A_956 = arith.select %broadcast_in_dim3A_954, %slice3A_910, %broadcast_in_dim3A_955 : vector<729x64xi1>, vector<729x64xf32>
    %get3A_957 = arith.constant 14 : index
    %get3A_958 = arith.constant 0 : index
    %get3A_959 = arith.constant 0 : index
    %get3A_960 = vector.load %arg9[%get3A_957, %get3A_958, %get3A_959] : memref<27x64x64xf32, #tpu.memory_space<vmem>>, vector<1x64x64xf32>
    %get3A_961 = vector.shape_cast %get3A_960 : vector<1x64x64xf32> to vector<64x64xf32>
    %dot_general3A_962 = arith.constant dense<0.000000e+00> : vector<729x64xf32>
    %dot_general3A_963 = tpu.matmul %select_n3A_956, %get3A_961, %dot_general3A_962 {dimension_numbers = #tpu.dot_dimension_numbers<[1], [0], [0], [1], [0, 0, 1, 1], [], []>, transpose_lhs_hint = false} : vector<729x64xf32>, vector<64x64xf32>, vector<729x64xf32> -> vector<729x64xf32>
    %add3A_964 = arith.addf %add3A_909, %dot_general3A_963 : vector<729x64xf32>
    %slice3A_965 = vector.extract_strided_slice %concatenate3A {offsets = [104, 0], sizes = [729, 64], strides = [1, 1]} : vector<921x64xf32> to vector<729x64xf32>
    %add3A_966 = arith.constant 0 : i32
    %add3A_967 = vector.broadcast %add3A_966 : i32 to vector<729x1xi32>
    %add3A_968 = arith.addi %select_n3A, %add3A_967 : vector<729x1xi32>
    %ge3A_969 = arith.constant 0 : i32
    %ge3A_970 = vector.broadcast %ge3A_969 : i32 to vector<729x1xi32>
    %ge3A_971 = arith.cmpi sge, %add3A_968, %ge3A_970 : vector<729x1xi32>
    %add3A_972 = arith.constant 0 : i32
    %add3A_973 = vector.broadcast %add3A_972 : i32 to vector<729x1xi32>
    %add3A_974 = arith.addi %select_n3A, %add3A_973 : vector<729x1xi32>
    %lt3A_975 = arith.constant 9 : i32
    %lt3A_976 = vector.broadcast %lt3A_975 : i32 to vector<729x1xi32>
    %lt3A_977 = arith.cmpi slt, %add3A_974, %lt3A_976 : vector<729x1xi32>
    %and3A_978 = arith.andi %ge3A_971, %lt3A_977 : vector<729x1xi1>
    %add3A_979 = arith.constant 1 : i32
    %add3A_980 = vector.broadcast %add3A_979 : i32 to vector<729x1xi32>
    %add3A_981 = arith.addi %select_n3A_117, %add3A_980 : vector<729x1xi32>
    %ge3A_982 = arith.constant 0 : i32
    %ge3A_983 = vector.broadcast %ge3A_982 : i32 to vector<729x1xi32>
    %ge3A_984 = arith.cmpi sge, %add3A_981, %ge3A_983 : vector<729x1xi32>
    %add3A_985 = arith.constant 1 : i32
    %add3A_986 = vector.broadcast %add3A_985 : i32 to vector<729x1xi32>
    %add3A_987 = arith.addi %select_n3A_117, %add3A_986 : vector<729x1xi32>
    %lt3A_988 = arith.constant 9 : i32
    %lt3A_989 = vector.broadcast %lt3A_988 : i32 to vector<729x1xi32>
    %lt3A_990 = arith.cmpi slt, %add3A_987, %lt3A_989 : vector<729x1xi32>
    %and3A_991 = arith.andi %ge3A_984, %lt3A_990 : vector<729x1xi1>
    %add3A_992 = arith.constant -1 : i32
    %add3A_993 = vector.broadcast %add3A_992 : i32 to vector<729x1xi32>
    %add3A_994 = arith.addi %select_n3A_139, %add3A_993 : vector<729x1xi32>
    %ge3A_995 = arith.constant 0 : i32
    %ge3A_996 = vector.broadcast %ge3A_995 : i32 to vector<729x1xi32>
    %ge3A_997 = arith.cmpi sge, %add3A_994, %ge3A_996 : vector<729x1xi32>
    %add3A_998 = arith.constant -1 : i32
    %add3A_999 = vector.broadcast %add3A_998 : i32 to vector<729x1xi32>
    %add3A_1000 = arith.addi %select_n3A_139, %add3A_999 : vector<729x1xi32>
    %lt3A_1001 = arith.constant 9 : i32
    %lt3A_1002 = vector.broadcast %lt3A_1001 : i32 to vector<729x1xi32>
    %lt3A_1003 = arith.cmpi slt, %add3A_1000, %lt3A_1002 : vector<729x1xi32>
    %and3A_1004 = arith.andi %ge3A_997, %lt3A_1003 : vector<729x1xi1>
    %and3A_1005 = arith.andi %and3A_991, %and3A_1004 : vector<729x1xi1>
    %and3A_1006 = arith.andi %and3A_978, %and3A_1005 : vector<729x1xi1>
    %jit3A_1007 = arith.constant 0.000000e+00 : f32
    %broadcast_in_dim3A_1008 = vector.shape_cast %and3A_1006 : vector<729x1xi1> to vector<729x1xi1>
    %broadcast_in_dim3A_1009 = vector.broadcast %broadcast_in_dim3A_1008 : vector<729x1xi1> to vector<729x64xi1>
    %broadcast_in_dim3A_1010 = vector.broadcast %jit3A_1007 : f32 to vector<729x64xf32>
    %select_n3A_1011 = arith.select %broadcast_in_dim3A_1009, %slice3A_965, %broadcast_in_dim3A_1010 : vector<729x64xi1>, vector<729x64xf32>
    %get3A_1012 = arith.constant 15 : index
    %get3A_1013 = arith.constant 0 : index
    %get3A_1014 = arith.constant 0 : index
    %get3A_1015 = vector.load %arg9[%get3A_1012, %get3A_1013, %get3A_1014] : memref<27x64x64xf32, #tpu.memory_space<vmem>>, vector<1x64x64xf32>
    %get3A_1016 = vector.shape_cast %get3A_1015 : vector<1x64x64xf32> to vector<64x64xf32>
    %dot_general3A_1017 = arith.constant dense<0.000000e+00> : vector<729x64xf32>
    %dot_general3A_1018 = tpu.matmul %select_n3A_1011, %get3A_1016, %dot_general3A_1017 {dimension_numbers = #tpu.dot_dimension_numbers<[1], [0], [0], [1], [0, 0, 1, 1], [], []>, transpose_lhs_hint = false} : vector<729x64xf32>, vector<64x64xf32>, vector<729x64xf32> -> vector<729x64xf32>
    %add3A_1019 = arith.addf %add3A_964, %dot_general3A_1018 : vector<729x64xf32>
    %slice3A_1020 = vector.extract_strided_slice %concatenate3A {offsets = [105, 0], sizes = [729, 64], strides = [1, 1]} : vector<921x64xf32> to vector<729x64xf32>
    %add3A_1021 = arith.constant 0 : i32
    %add3A_1022 = vector.broadcast %add3A_1021 : i32 to vector<729x1xi32>
    %add3A_1023 = arith.addi %select_n3A, %add3A_1022 : vector<729x1xi32>
    %ge3A_1024 = arith.constant 0 : i32
    %ge3A_1025 = vector.broadcast %ge3A_1024 : i32 to vector<729x1xi32>
    %ge3A_1026 = arith.cmpi sge, %add3A_1023, %ge3A_1025 : vector<729x1xi32>
    %add3A_1027 = arith.constant 0 : i32
    %add3A_1028 = vector.broadcast %add3A_1027 : i32 to vector<729x1xi32>
    %add3A_1029 = arith.addi %select_n3A, %add3A_1028 : vector<729x1xi32>
    %lt3A_1030 = arith.constant 9 : i32
    %lt3A_1031 = vector.broadcast %lt3A_1030 : i32 to vector<729x1xi32>
    %lt3A_1032 = arith.cmpi slt, %add3A_1029, %lt3A_1031 : vector<729x1xi32>
    %and3A_1033 = arith.andi %ge3A_1026, %lt3A_1032 : vector<729x1xi1>
    %add3A_1034 = arith.constant 1 : i32
    %add3A_1035 = vector.broadcast %add3A_1034 : i32 to vector<729x1xi32>
    %add3A_1036 = arith.addi %select_n3A_117, %add3A_1035 : vector<729x1xi32>
    %ge3A_1037 = arith.constant 0 : i32
    %ge3A_1038 = vector.broadcast %ge3A_1037 : i32 to vector<729x1xi32>
    %ge3A_1039 = arith.cmpi sge, %add3A_1036, %ge3A_1038 : vector<729x1xi32>
    %add3A_1040 = arith.constant 1 : i32
    %add3A_1041 = vector.broadcast %add3A_1040 : i32 to vector<729x1xi32>
    %add3A_1042 = arith.addi %select_n3A_117, %add3A_1041 : vector<729x1xi32>
    %lt3A_1043 = arith.constant 9 : i32
    %lt3A_1044 = vector.broadcast %lt3A_1043 : i32 to vector<729x1xi32>
    %lt3A_1045 = arith.cmpi slt, %add3A_1042, %lt3A_1044 : vector<729x1xi32>
    %and3A_1046 = arith.andi %ge3A_1039, %lt3A_1045 : vector<729x1xi1>
    %add3A_1047 = arith.constant 0 : i32
    %add3A_1048 = vector.broadcast %add3A_1047 : i32 to vector<729x1xi32>
    %add3A_1049 = arith.addi %select_n3A_139, %add3A_1048 : vector<729x1xi32>
    %ge3A_1050 = arith.constant 0 : i32
    %ge3A_1051 = vector.broadcast %ge3A_1050 : i32 to vector<729x1xi32>
    %ge3A_1052 = arith.cmpi sge, %add3A_1049, %ge3A_1051 : vector<729x1xi32>
    %add3A_1053 = arith.constant 0 : i32
    %add3A_1054 = vector.broadcast %add3A_1053 : i32 to vector<729x1xi32>
    %add3A_1055 = arith.addi %select_n3A_139, %add3A_1054 : vector<729x1xi32>
    %lt3A_1056 = arith.constant 9 : i32
    %lt3A_1057 = vector.broadcast %lt3A_1056 : i32 to vector<729x1xi32>
    %lt3A_1058 = arith.cmpi slt, %add3A_1055, %lt3A_1057 : vector<729x1xi32>
    %and3A_1059 = arith.andi %ge3A_1052, %lt3A_1058 : vector<729x1xi1>
    %and3A_1060 = arith.andi %and3A_1046, %and3A_1059 : vector<729x1xi1>
    %and3A_1061 = arith.andi %and3A_1033, %and3A_1060 : vector<729x1xi1>
    %jit3A_1062 = arith.constant 0.000000e+00 : f32
    %broadcast_in_dim3A_1063 = vector.shape_cast %and3A_1061 : vector<729x1xi1> to vector<729x1xi1>
    %broadcast_in_dim3A_1064 = vector.broadcast %broadcast_in_dim3A_1063 : vector<729x1xi1> to vector<729x64xi1>
    %broadcast_in_dim3A_1065 = vector.broadcast %jit3A_1062 : f32 to vector<729x64xf32>
    %select_n3A_1066 = arith.select %broadcast_in_dim3A_1064, %slice3A_1020, %broadcast_in_dim3A_1065 : vector<729x64xi1>, vector<729x64xf32>
    %get3A_1067 = arith.constant 16 : index
    %get3A_1068 = arith.constant 0 : index
    %get3A_1069 = arith.constant 0 : index
    %get3A_1070 = vector.load %arg9[%get3A_1067, %get3A_1068, %get3A_1069] : memref<27x64x64xf32, #tpu.memory_space<vmem>>, vector<1x64x64xf32>
    %get3A_1071 = vector.shape_cast %get3A_1070 : vector<1x64x64xf32> to vector<64x64xf32>
    %dot_general3A_1072 = arith.constant dense<0.000000e+00> : vector<729x64xf32>
    %dot_general3A_1073 = tpu.matmul %select_n3A_1066, %get3A_1071, %dot_general3A_1072 {dimension_numbers = #tpu.dot_dimension_numbers<[1], [0], [0], [1], [0, 0, 1, 1], [], []>, transpose_lhs_hint = false} : vector<729x64xf32>, vector<64x64xf32>, vector<729x64xf32> -> vector<729x64xf32>
    %add3A_1074 = arith.addf %add3A_1019, %dot_general3A_1073 : vector<729x64xf32>
    %slice3A_1075 = vector.extract_strided_slice %concatenate3A {offsets = [106, 0], sizes = [729, 64], strides = [1, 1]} : vector<921x64xf32> to vector<729x64xf32>
    %add3A_1076 = arith.constant 0 : i32
    %add3A_1077 = vector.broadcast %add3A_1076 : i32 to vector<729x1xi32>
    %add3A_1078 = arith.addi %select_n3A, %add3A_1077 : vector<729x1xi32>
    %ge3A_1079 = arith.constant 0 : i32
    %ge3A_1080 = vector.broadcast %ge3A_1079 : i32 to vector<729x1xi32>
    %ge3A_1081 = arith.cmpi sge, %add3A_1078, %ge3A_1080 : vector<729x1xi32>
    %add3A_1082 = arith.constant 0 : i32
    %add3A_1083 = vector.broadcast %add3A_1082 : i32 to vector<729x1xi32>
    %add3A_1084 = arith.addi %select_n3A, %add3A_1083 : vector<729x1xi32>
    %lt3A_1085 = arith.constant 9 : i32
    %lt3A_1086 = vector.broadcast %lt3A_1085 : i32 to vector<729x1xi32>
    %lt3A_1087 = arith.cmpi slt, %add3A_1084, %lt3A_1086 : vector<729x1xi32>
    %and3A_1088 = arith.andi %ge3A_1081, %lt3A_1087 : vector<729x1xi1>
    %add3A_1089 = arith.constant 1 : i32
    %add3A_1090 = vector.broadcast %add3A_1089 : i32 to vector<729x1xi32>
    %add3A_1091 = arith.addi %select_n3A_117, %add3A_1090 : vector<729x1xi32>
    %ge3A_1092 = arith.constant 0 : i32
    %ge3A_1093 = vector.broadcast %ge3A_1092 : i32 to vector<729x1xi32>
    %ge3A_1094 = arith.cmpi sge, %add3A_1091, %ge3A_1093 : vector<729x1xi32>
    %add3A_1095 = arith.constant 1 : i32
    %add3A_1096 = vector.broadcast %add3A_1095 : i32 to vector<729x1xi32>
    %add3A_1097 = arith.addi %select_n3A_117, %add3A_1096 : vector<729x1xi32>
    %lt3A_1098 = arith.constant 9 : i32
    %lt3A_1099 = vector.broadcast %lt3A_1098 : i32 to vector<729x1xi32>
    %lt3A_1100 = arith.cmpi slt, %add3A_1097, %lt3A_1099 : vector<729x1xi32>
    %and3A_1101 = arith.andi %ge3A_1094, %lt3A_1100 : vector<729x1xi1>
    %add3A_1102 = arith.constant 1 : i32
    %add3A_1103 = vector.broadcast %add3A_1102 : i32 to vector<729x1xi32>
    %add3A_1104 = arith.addi %select_n3A_139, %add3A_1103 : vector<729x1xi32>
    %ge3A_1105 = arith.constant 0 : i32
    %ge3A_1106 = vector.broadcast %ge3A_1105 : i32 to vector<729x1xi32>
    %ge3A_1107 = arith.cmpi sge, %add3A_1104, %ge3A_1106 : vector<729x1xi32>
    %add3A_1108 = arith.constant 1 : i32
    %add3A_1109 = vector.broadcast %add3A_1108 : i32 to vector<729x1xi32>
    %add3A_1110 = arith.addi %select_n3A_139, %add3A_1109 : vector<729x1xi32>
    %lt3A_1111 = arith.constant 9 : i32
    %lt3A_1112 = vector.broadcast %lt3A_1111 : i32 to vector<729x1xi32>
    %lt3A_1113 = arith.cmpi slt, %add3A_1110, %lt3A_1112 : vector<729x1xi32>
    %and3A_1114 = arith.andi %ge3A_1107, %lt3A_1113 : vector<729x1xi1>
    %and3A_1115 = arith.andi %and3A_1101, %and3A_1114 : vector<729x1xi1>
    %and3A_1116 = arith.andi %and3A_1088, %and3A_1115 : vector<729x1xi1>
    %jit3A_1117 = arith.constant 0.000000e+00 : f32
    %broadcast_in_dim3A_1118 = vector.shape_cast %and3A_1116 : vector<729x1xi1> to vector<729x1xi1>
    %broadcast_in_dim3A_1119 = vector.broadcast %broadcast_in_dim3A_1118 : vector<729x1xi1> to vector<729x64xi1>
    %broadcast_in_dim3A_1120 = vector.broadcast %jit3A_1117 : f32 to vector<729x64xf32>
    %select_n3A_1121 = arith.select %broadcast_in_dim3A_1119, %slice3A_1075, %broadcast_in_dim3A_1120 : vector<729x64xi1>, vector<729x64xf32>
    %get3A_1122 = arith.constant 17 : index
    %get3A_1123 = arith.constant 0 : index
    %get3A_1124 = arith.constant 0 : index
    %get3A_1125 = vector.load %arg9[%get3A_1122, %get3A_1123, %get3A_1124] : memref<27x64x64xf32, #tpu.memory_space<vmem>>, vector<1x64x64xf32>
    %get3A_1126 = vector.shape_cast %get3A_1125 : vector<1x64x64xf32> to vector<64x64xf32>
    %dot_general3A_1127 = arith.constant dense<0.000000e+00> : vector<729x64xf32>
    %dot_general3A_1128 = tpu.matmul %select_n3A_1121, %get3A_1126, %dot_general3A_1127 {dimension_numbers = #tpu.dot_dimension_numbers<[1], [0], [0], [1], [0, 0, 1, 1], [], []>, transpose_lhs_hint = false} : vector<729x64xf32>, vector<64x64xf32>, vector<729x64xf32> -> vector<729x64xf32>
    %add3A_1129 = arith.addf %add3A_1074, %dot_general3A_1128 : vector<729x64xf32>
    %slice3A_1130 = vector.extract_strided_slice %concatenate3A {offsets = [167, 0], sizes = [729, 64], strides = [1, 1]} : vector<921x64xf32> to vector<729x64xf32>
    %add3A_1131 = arith.constant 1 : i32
    %add3A_1132 = vector.broadcast %add3A_1131 : i32 to vector<729x1xi32>
    %add3A_1133 = arith.addi %select_n3A, %add3A_1132 : vector<729x1xi32>
    %ge3A_1134 = arith.constant 0 : i32
    %ge3A_1135 = vector.broadcast %ge3A_1134 : i32 to vector<729x1xi32>
    %ge3A_1136 = arith.cmpi sge, %add3A_1133, %ge3A_1135 : vector<729x1xi32>
    %add3A_1137 = arith.constant 1 : i32
    %add3A_1138 = vector.broadcast %add3A_1137 : i32 to vector<729x1xi32>
    %add3A_1139 = arith.addi %select_n3A, %add3A_1138 : vector<729x1xi32>
    %lt3A_1140 = arith.constant 9 : i32
    %lt3A_1141 = vector.broadcast %lt3A_1140 : i32 to vector<729x1xi32>
    %lt3A_1142 = arith.cmpi slt, %add3A_1139, %lt3A_1141 : vector<729x1xi32>
    %and3A_1143 = arith.andi %ge3A_1136, %lt3A_1142 : vector<729x1xi1>
    %add3A_1144 = arith.constant -1 : i32
    %add3A_1145 = vector.broadcast %add3A_1144 : i32 to vector<729x1xi32>
    %add3A_1146 = arith.addi %select_n3A_117, %add3A_1145 : vector<729x1xi32>
    %ge3A_1147 = arith.constant 0 : i32
    %ge3A_1148 = vector.broadcast %ge3A_1147 : i32 to vector<729x1xi32>
    %ge3A_1149 = arith.cmpi sge, %add3A_1146, %ge3A_1148 : vector<729x1xi32>
    %add3A_1150 = arith.constant -1 : i32
    %add3A_1151 = vector.broadcast %add3A_1150 : i32 to vector<729x1xi32>
    %add3A_1152 = arith.addi %select_n3A_117, %add3A_1151 : vector<729x1xi32>
    %lt3A_1153 = arith.constant 9 : i32
    %lt3A_1154 = vector.broadcast %lt3A_1153 : i32 to vector<729x1xi32>
    %lt3A_1155 = arith.cmpi slt, %add3A_1152, %lt3A_1154 : vector<729x1xi32>
    %and3A_1156 = arith.andi %ge3A_1149, %lt3A_1155 : vector<729x1xi1>
    %add3A_1157 = arith.constant -1 : i32
    %add3A_1158 = vector.broadcast %add3A_1157 : i32 to vector<729x1xi32>
    %add3A_1159 = arith.addi %select_n3A_139, %add3A_1158 : vector<729x1xi32>
    %ge3A_1160 = arith.constant 0 : i32
    %ge3A_1161 = vector.broadcast %ge3A_1160 : i32 to vector<729x1xi32>
    %ge3A_1162 = arith.cmpi sge, %add3A_1159, %ge3A_1161 : vector<729x1xi32>
    %add3A_1163 = arith.constant -1 : i32
    %add3A_1164 = vector.broadcast %add3A_1163 : i32 to vector<729x1xi32>
    %add3A_1165 = arith.addi %select_n3A_139, %add3A_1164 : vector<729x1xi32>
    %lt3A_1166 = arith.constant 9 : i32
    %lt3A_1167 = vector.broadcast %lt3A_1166 : i32 to vector<729x1xi32>
    %lt3A_1168 = arith.cmpi slt, %add3A_1165, %lt3A_1167 : vector<729x1xi32>
    %and3A_1169 = arith.andi %ge3A_1162, %lt3A_1168 : vector<729x1xi1>
    %and3A_1170 = arith.andi %and3A_1156, %and3A_1169 : vector<729x1xi1>
    %and3A_1171 = arith.andi %and3A_1143, %and3A_1170 : vector<729x1xi1>
    %jit3A_1172 = arith.constant 0.000000e+00 : f32
    %broadcast_in_dim3A_1173 = vector.shape_cast %and3A_1171 : vector<729x1xi1> to vector<729x1xi1>
    %broadcast_in_dim3A_1174 = vector.broadcast %broadcast_in_dim3A_1173 : vector<729x1xi1> to vector<729x64xi1>
    %broadcast_in_dim3A_1175 = vector.broadcast %jit3A_1172 : f32 to vector<729x64xf32>
    %select_n3A_1176 = arith.select %broadcast_in_dim3A_1174, %slice3A_1130, %broadcast_in_dim3A_1175 : vector<729x64xi1>, vector<729x64xf32>
    %get3A_1177 = arith.constant 18 : index
    %get3A_1178 = arith.constant 0 : index
    %get3A_1179 = arith.constant 0 : index
    %get3A_1180 = vector.load %arg9[%get3A_1177, %get3A_1178, %get3A_1179] : memref<27x64x64xf32, #tpu.memory_space<vmem>>, vector<1x64x64xf32>
    %get3A_1181 = vector.shape_cast %get3A_1180 : vector<1x64x64xf32> to vector<64x64xf32>
    %dot_general3A_1182 = arith.constant dense<0.000000e+00> : vector<729x64xf32>
    %dot_general3A_1183 = tpu.matmul %select_n3A_1176, %get3A_1181, %dot_general3A_1182 {dimension_numbers = #tpu.dot_dimension_numbers<[1], [0], [0], [1], [0, 0, 1, 1], [], []>, transpose_lhs_hint = false} : vector<729x64xf32>, vector<64x64xf32>, vector<729x64xf32> -> vector<729x64xf32>
    %add3A_1184 = arith.addf %add3A_1129, %dot_general3A_1183 : vector<729x64xf32>
    %slice3A_1185 = vector.extract_strided_slice %concatenate3A {offsets = [168, 0], sizes = [729, 64], strides = [1, 1]} : vector<921x64xf32> to vector<729x64xf32>
    %add3A_1186 = arith.constant 1 : i32
    %add3A_1187 = vector.broadcast %add3A_1186 : i32 to vector<729x1xi32>
    %add3A_1188 = arith.addi %select_n3A, %add3A_1187 : vector<729x1xi32>
    %ge3A_1189 = arith.constant 0 : i32
    %ge3A_1190 = vector.broadcast %ge3A_1189 : i32 to vector<729x1xi32>
    %ge3A_1191 = arith.cmpi sge, %add3A_1188, %ge3A_1190 : vector<729x1xi32>
    %add3A_1192 = arith.constant 1 : i32
    %add3A_1193 = vector.broadcast %add3A_1192 : i32 to vector<729x1xi32>
    %add3A_1194 = arith.addi %select_n3A, %add3A_1193 : vector<729x1xi32>
    %lt3A_1195 = arith.constant 9 : i32
    %lt3A_1196 = vector.broadcast %lt3A_1195 : i32 to vector<729x1xi32>
    %lt3A_1197 = arith.cmpi slt, %add3A_1194, %lt3A_1196 : vector<729x1xi32>
    %and3A_1198 = arith.andi %ge3A_1191, %lt3A_1197 : vector<729x1xi1>
    %add3A_1199 = arith.constant -1 : i32
    %add3A_1200 = vector.broadcast %add3A_1199 : i32 to vector<729x1xi32>
    %add3A_1201 = arith.addi %select_n3A_117, %add3A_1200 : vector<729x1xi32>
    %ge3A_1202 = arith.constant 0 : i32
    %ge3A_1203 = vector.broadcast %ge3A_1202 : i32 to vector<729x1xi32>
    %ge3A_1204 = arith.cmpi sge, %add3A_1201, %ge3A_1203 : vector<729x1xi32>
    %add3A_1205 = arith.constant -1 : i32
    %add3A_1206 = vector.broadcast %add3A_1205 : i32 to vector<729x1xi32>
    %add3A_1207 = arith.addi %select_n3A_117, %add3A_1206 : vector<729x1xi32>
    %lt3A_1208 = arith.constant 9 : i32
    %lt3A_1209 = vector.broadcast %lt3A_1208 : i32 to vector<729x1xi32>
    %lt3A_1210 = arith.cmpi slt, %add3A_1207, %lt3A_1209 : vector<729x1xi32>
    %and3A_1211 = arith.andi %ge3A_1204, %lt3A_1210 : vector<729x1xi1>
    %add3A_1212 = arith.constant 0 : i32
    %add3A_1213 = vector.broadcast %add3A_1212 : i32 to vector<729x1xi32>
    %add3A_1214 = arith.addi %select_n3A_139, %add3A_1213 : vector<729x1xi32>
    %ge3A_1215 = arith.constant 0 : i32
    %ge3A_1216 = vector.broadcast %ge3A_1215 : i32 to vector<729x1xi32>
    %ge3A_1217 = arith.cmpi sge, %add3A_1214, %ge3A_1216 : vector<729x1xi32>
    %add3A_1218 = arith.constant 0 : i32
    %add3A_1219 = vector.broadcast %add3A_1218 : i32 to vector<729x1xi32>
    %add3A_1220 = arith.addi %select_n3A_139, %add3A_1219 : vector<729x1xi32>
    %lt3A_1221 = arith.constant 9 : i32
    %lt3A_1222 = vector.broadcast %lt3A_1221 : i32 to vector<729x1xi32>
    %lt3A_1223 = arith.cmpi slt, %add3A_1220, %lt3A_1222 : vector<729x1xi32>
    %and3A_1224 = arith.andi %ge3A_1217, %lt3A_1223 : vector<729x1xi1>
    %and3A_1225 = arith.andi %and3A_1211, %and3A_1224 : vector<729x1xi1>
    %and3A_1226 = arith.andi %and3A_1198, %and3A_1225 : vector<729x1xi1>
    %jit3A_1227 = arith.constant 0.000000e+00 : f32
    %broadcast_in_dim3A_1228 = vector.shape_cast %and3A_1226 : vector<729x1xi1> to vector<729x1xi1>
    %broadcast_in_dim3A_1229 = vector.broadcast %broadcast_in_dim3A_1228 : vector<729x1xi1> to vector<729x64xi1>
    %broadcast_in_dim3A_1230 = vector.broadcast %jit3A_1227 : f32 to vector<729x64xf32>
    %select_n3A_1231 = arith.select %broadcast_in_dim3A_1229, %slice3A_1185, %broadcast_in_dim3A_1230 : vector<729x64xi1>, vector<729x64xf32>
    %get3A_1232 = arith.constant 19 : index
    %get3A_1233 = arith.constant 0 : index
    %get3A_1234 = arith.constant 0 : index
    %get3A_1235 = vector.load %arg9[%get3A_1232, %get3A_1233, %get3A_1234] : memref<27x64x64xf32, #tpu.memory_space<vmem>>, vector<1x64x64xf32>
    %get3A_1236 = vector.shape_cast %get3A_1235 : vector<1x64x64xf32> to vector<64x64xf32>
    %dot_general3A_1237 = arith.constant dense<0.000000e+00> : vector<729x64xf32>
    %dot_general3A_1238 = tpu.matmul %select_n3A_1231, %get3A_1236, %dot_general3A_1237 {dimension_numbers = #tpu.dot_dimension_numbers<[1], [0], [0], [1], [0, 0, 1, 1], [], []>, transpose_lhs_hint = false} : vector<729x64xf32>, vector<64x64xf32>, vector<729x64xf32> -> vector<729x64xf32>
    %add3A_1239 = arith.addf %add3A_1184, %dot_general3A_1238 : vector<729x64xf32>
    %slice3A_1240 = vector.extract_strided_slice %concatenate3A {offsets = [169, 0], sizes = [729, 64], strides = [1, 1]} : vector<921x64xf32> to vector<729x64xf32>
    %add3A_1241 = arith.constant 1 : i32
    %add3A_1242 = vector.broadcast %add3A_1241 : i32 to vector<729x1xi32>
    %add3A_1243 = arith.addi %select_n3A, %add3A_1242 : vector<729x1xi32>
    %ge3A_1244 = arith.constant 0 : i32
    %ge3A_1245 = vector.broadcast %ge3A_1244 : i32 to vector<729x1xi32>
    %ge3A_1246 = arith.cmpi sge, %add3A_1243, %ge3A_1245 : vector<729x1xi32>
    %add3A_1247 = arith.constant 1 : i32
    %add3A_1248 = vector.broadcast %add3A_1247 : i32 to vector<729x1xi32>
    %add3A_1249 = arith.addi %select_n3A, %add3A_1248 : vector<729x1xi32>
    %lt3A_1250 = arith.constant 9 : i32
    %lt3A_1251 = vector.broadcast %lt3A_1250 : i32 to vector<729x1xi32>
    %lt3A_1252 = arith.cmpi slt, %add3A_1249, %lt3A_1251 : vector<729x1xi32>
    %and3A_1253 = arith.andi %ge3A_1246, %lt3A_1252 : vector<729x1xi1>
    %add3A_1254 = arith.constant -1 : i32
    %add3A_1255 = vector.broadcast %add3A_1254 : i32 to vector<729x1xi32>
    %add3A_1256 = arith.addi %select_n3A_117, %add3A_1255 : vector<729x1xi32>
    %ge3A_1257 = arith.constant 0 : i32
    %ge3A_1258 = vector.broadcast %ge3A_1257 : i32 to vector<729x1xi32>
    %ge3A_1259 = arith.cmpi sge, %add3A_1256, %ge3A_1258 : vector<729x1xi32>
    %add3A_1260 = arith.constant -1 : i32
    %add3A_1261 = vector.broadcast %add3A_1260 : i32 to vector<729x1xi32>
    %add3A_1262 = arith.addi %select_n3A_117, %add3A_1261 : vector<729x1xi32>
    %lt3A_1263 = arith.constant 9 : i32
    %lt3A_1264 = vector.broadcast %lt3A_1263 : i32 to vector<729x1xi32>
    %lt3A_1265 = arith.cmpi slt, %add3A_1262, %lt3A_1264 : vector<729x1xi32>
    %and3A_1266 = arith.andi %ge3A_1259, %lt3A_1265 : vector<729x1xi1>
    %add3A_1267 = arith.constant 1 : i32
    %add3A_1268 = vector.broadcast %add3A_1267 : i32 to vector<729x1xi32>
    %add3A_1269 = arith.addi %select_n3A_139, %add3A_1268 : vector<729x1xi32>
    %ge3A_1270 = arith.constant 0 : i32
    %ge3A_1271 = vector.broadcast %ge3A_1270 : i32 to vector<729x1xi32>
    %ge3A_1272 = arith.cmpi sge, %add3A_1269, %ge3A_1271 : vector<729x1xi32>
    %add3A_1273 = arith.constant 1 : i32
    %add3A_1274 = vector.broadcast %add3A_1273 : i32 to vector<729x1xi32>
    %add3A_1275 = arith.addi %select_n3A_139, %add3A_1274 : vector<729x1xi32>
    %lt3A_1276 = arith.constant 9 : i32
    %lt3A_1277 = vector.broadcast %lt3A_1276 : i32 to vector<729x1xi32>
    %lt3A_1278 = arith.cmpi slt, %add3A_1275, %lt3A_1277 : vector<729x1xi32>
    %and3A_1279 = arith.andi %ge3A_1272, %lt3A_1278 : vector<729x1xi1>
    %and3A_1280 = arith.andi %and3A_1266, %and3A_1279 : vector<729x1xi1>
    %and3A_1281 = arith.andi %and3A_1253, %and3A_1280 : vector<729x1xi1>
    %jit3A_1282 = arith.constant 0.000000e+00 : f32
    %broadcast_in_dim3A_1283 = vector.shape_cast %and3A_1281 : vector<729x1xi1> to vector<729x1xi1>
    %broadcast_in_dim3A_1284 = vector.broadcast %broadcast_in_dim3A_1283 : vector<729x1xi1> to vector<729x64xi1>
    %broadcast_in_dim3A_1285 = vector.broadcast %jit3A_1282 : f32 to vector<729x64xf32>
    %select_n3A_1286 = arith.select %broadcast_in_dim3A_1284, %slice3A_1240, %broadcast_in_dim3A_1285 : vector<729x64xi1>, vector<729x64xf32>
    %get3A_1287 = arith.constant 20 : index
    %get3A_1288 = arith.constant 0 : index
    %get3A_1289 = arith.constant 0 : index
    %get3A_1290 = vector.load %arg9[%get3A_1287, %get3A_1288, %get3A_1289] : memref<27x64x64xf32, #tpu.memory_space<vmem>>, vector<1x64x64xf32>
    %get3A_1291 = vector.shape_cast %get3A_1290 : vector<1x64x64xf32> to vector<64x64xf32>
    %dot_general3A_1292 = arith.constant dense<0.000000e+00> : vector<729x64xf32>
    %dot_general3A_1293 = tpu.matmul %select_n3A_1286, %get3A_1291, %dot_general3A_1292 {dimension_numbers = #tpu.dot_dimension_numbers<[1], [0], [0], [1], [0, 0, 1, 1], [], []>, transpose_lhs_hint = false} : vector<729x64xf32>, vector<64x64xf32>, vector<729x64xf32> -> vector<729x64xf32>
    %add3A_1294 = arith.addf %add3A_1239, %dot_general3A_1293 : vector<729x64xf32>
    %slice3A_1295 = vector.extract_strided_slice %concatenate3A {offsets = [176, 0], sizes = [729, 64], strides = [1, 1]} : vector<921x64xf32> to vector<729x64xf32>
    %add3A_1296 = arith.constant 1 : i32
    %add3A_1297 = vector.broadcast %add3A_1296 : i32 to vector<729x1xi32>
    %add3A_1298 = arith.addi %select_n3A, %add3A_1297 : vector<729x1xi32>
    %ge3A_1299 = arith.constant 0 : i32
    %ge3A_1300 = vector.broadcast %ge3A_1299 : i32 to vector<729x1xi32>
    %ge3A_1301 = arith.cmpi sge, %add3A_1298, %ge3A_1300 : vector<729x1xi32>
    %add3A_1302 = arith.constant 1 : i32
    %add3A_1303 = vector.broadcast %add3A_1302 : i32 to vector<729x1xi32>
    %add3A_1304 = arith.addi %select_n3A, %add3A_1303 : vector<729x1xi32>
    %lt3A_1305 = arith.constant 9 : i32
    %lt3A_1306 = vector.broadcast %lt3A_1305 : i32 to vector<729x1xi32>
    %lt3A_1307 = arith.cmpi slt, %add3A_1304, %lt3A_1306 : vector<729x1xi32>
    %and3A_1308 = arith.andi %ge3A_1301, %lt3A_1307 : vector<729x1xi1>
    %add3A_1309 = arith.constant 0 : i32
    %add3A_1310 = vector.broadcast %add3A_1309 : i32 to vector<729x1xi32>
    %add3A_1311 = arith.addi %select_n3A_117, %add3A_1310 : vector<729x1xi32>
    %ge3A_1312 = arith.constant 0 : i32
    %ge3A_1313 = vector.broadcast %ge3A_1312 : i32 to vector<729x1xi32>
    %ge3A_1314 = arith.cmpi sge, %add3A_1311, %ge3A_1313 : vector<729x1xi32>
    %add3A_1315 = arith.constant 0 : i32
    %add3A_1316 = vector.broadcast %add3A_1315 : i32 to vector<729x1xi32>
    %add3A_1317 = arith.addi %select_n3A_117, %add3A_1316 : vector<729x1xi32>
    %lt3A_1318 = arith.constant 9 : i32
    %lt3A_1319 = vector.broadcast %lt3A_1318 : i32 to vector<729x1xi32>
    %lt3A_1320 = arith.cmpi slt, %add3A_1317, %lt3A_1319 : vector<729x1xi32>
    %and3A_1321 = arith.andi %ge3A_1314, %lt3A_1320 : vector<729x1xi1>
    %add3A_1322 = arith.constant -1 : i32
    %add3A_1323 = vector.broadcast %add3A_1322 : i32 to vector<729x1xi32>
    %add3A_1324 = arith.addi %select_n3A_139, %add3A_1323 : vector<729x1xi32>
    %ge3A_1325 = arith.constant 0 : i32
    %ge3A_1326 = vector.broadcast %ge3A_1325 : i32 to vector<729x1xi32>
    %ge3A_1327 = arith.cmpi sge, %add3A_1324, %ge3A_1326 : vector<729x1xi32>
    %add3A_1328 = arith.constant -1 : i32
    %add3A_1329 = vector.broadcast %add3A_1328 : i32 to vector<729x1xi32>
    %add3A_1330 = arith.addi %select_n3A_139, %add3A_1329 : vector<729x1xi32>
    %lt3A_1331 = arith.constant 9 : i32
    %lt3A_1332 = vector.broadcast %lt3A_1331 : i32 to vector<729x1xi32>
    %lt3A_1333 = arith.cmpi slt, %add3A_1330, %lt3A_1332 : vector<729x1xi32>
    %and3A_1334 = arith.andi %ge3A_1327, %lt3A_1333 : vector<729x1xi1>
    %and3A_1335 = arith.andi %and3A_1321, %and3A_1334 : vector<729x1xi1>
    %and3A_1336 = arith.andi %and3A_1308, %and3A_1335 : vector<729x1xi1>
    %jit3A_1337 = arith.constant 0.000000e+00 : f32
    %broadcast_in_dim3A_1338 = vector.shape_cast %and3A_1336 : vector<729x1xi1> to vector<729x1xi1>
    %broadcast_in_dim3A_1339 = vector.broadcast %broadcast_in_dim3A_1338 : vector<729x1xi1> to vector<729x64xi1>
    %broadcast_in_dim3A_1340 = vector.broadcast %jit3A_1337 : f32 to vector<729x64xf32>
    %select_n3A_1341 = arith.select %broadcast_in_dim3A_1339, %slice3A_1295, %broadcast_in_dim3A_1340 : vector<729x64xi1>, vector<729x64xf32>
    %get3A_1342 = arith.constant 21 : index
    %get3A_1343 = arith.constant 0 : index
    %get3A_1344 = arith.constant 0 : index
    %get3A_1345 = vector.load %arg9[%get3A_1342, %get3A_1343, %get3A_1344] : memref<27x64x64xf32, #tpu.memory_space<vmem>>, vector<1x64x64xf32>
    %get3A_1346 = vector.shape_cast %get3A_1345 : vector<1x64x64xf32> to vector<64x64xf32>
    %dot_general3A_1347 = arith.constant dense<0.000000e+00> : vector<729x64xf32>
    %dot_general3A_1348 = tpu.matmul %select_n3A_1341, %get3A_1346, %dot_general3A_1347 {dimension_numbers = #tpu.dot_dimension_numbers<[1], [0], [0], [1], [0, 0, 1, 1], [], []>, transpose_lhs_hint = false} : vector<729x64xf32>, vector<64x64xf32>, vector<729x64xf32> -> vector<729x64xf32>
    %add3A_1349 = arith.addf %add3A_1294, %dot_general3A_1348 : vector<729x64xf32>
    %slice3A_1350 = vector.extract_strided_slice %concatenate3A {offsets = [177, 0], sizes = [729, 64], strides = [1, 1]} : vector<921x64xf32> to vector<729x64xf32>
    %add3A_1351 = arith.constant 1 : i32
    %add3A_1352 = vector.broadcast %add3A_1351 : i32 to vector<729x1xi32>
    %add3A_1353 = arith.addi %select_n3A, %add3A_1352 : vector<729x1xi32>
    %ge3A_1354 = arith.constant 0 : i32
    %ge3A_1355 = vector.broadcast %ge3A_1354 : i32 to vector<729x1xi32>
    %ge3A_1356 = arith.cmpi sge, %add3A_1353, %ge3A_1355 : vector<729x1xi32>
    %add3A_1357 = arith.constant 1 : i32
    %add3A_1358 = vector.broadcast %add3A_1357 : i32 to vector<729x1xi32>
    %add3A_1359 = arith.addi %select_n3A, %add3A_1358 : vector<729x1xi32>
    %lt3A_1360 = arith.constant 9 : i32
    %lt3A_1361 = vector.broadcast %lt3A_1360 : i32 to vector<729x1xi32>
    %lt3A_1362 = arith.cmpi slt, %add3A_1359, %lt3A_1361 : vector<729x1xi32>
    %and3A_1363 = arith.andi %ge3A_1356, %lt3A_1362 : vector<729x1xi1>
    %add3A_1364 = arith.constant 0 : i32
    %add3A_1365 = vector.broadcast %add3A_1364 : i32 to vector<729x1xi32>
    %add3A_1366 = arith.addi %select_n3A_117, %add3A_1365 : vector<729x1xi32>
    %ge3A_1367 = arith.constant 0 : i32
    %ge3A_1368 = vector.broadcast %ge3A_1367 : i32 to vector<729x1xi32>
    %ge3A_1369 = arith.cmpi sge, %add3A_1366, %ge3A_1368 : vector<729x1xi32>
    %add3A_1370 = arith.constant 0 : i32
    %add3A_1371 = vector.broadcast %add3A_1370 : i32 to vector<729x1xi32>
    %add3A_1372 = arith.addi %select_n3A_117, %add3A_1371 : vector<729x1xi32>
    %lt3A_1373 = arith.constant 9 : i32
    %lt3A_1374 = vector.broadcast %lt3A_1373 : i32 to vector<729x1xi32>
    %lt3A_1375 = arith.cmpi slt, %add3A_1372, %lt3A_1374 : vector<729x1xi32>
    %and3A_1376 = arith.andi %ge3A_1369, %lt3A_1375 : vector<729x1xi1>
    %add3A_1377 = arith.constant 0 : i32
    %add3A_1378 = vector.broadcast %add3A_1377 : i32 to vector<729x1xi32>
    %add3A_1379 = arith.addi %select_n3A_139, %add3A_1378 : vector<729x1xi32>
    %ge3A_1380 = arith.constant 0 : i32
    %ge3A_1381 = vector.broadcast %ge3A_1380 : i32 to vector<729x1xi32>
    %ge3A_1382 = arith.cmpi sge, %add3A_1379, %ge3A_1381 : vector<729x1xi32>
    %add3A_1383 = arith.constant 0 : i32
    %add3A_1384 = vector.broadcast %add3A_1383 : i32 to vector<729x1xi32>
    %add3A_1385 = arith.addi %select_n3A_139, %add3A_1384 : vector<729x1xi32>
    %lt3A_1386 = arith.constant 9 : i32
    %lt3A_1387 = vector.broadcast %lt3A_1386 : i32 to vector<729x1xi32>
    %lt3A_1388 = arith.cmpi slt, %add3A_1385, %lt3A_1387 : vector<729x1xi32>
    %and3A_1389 = arith.andi %ge3A_1382, %lt3A_1388 : vector<729x1xi1>
    %and3A_1390 = arith.andi %and3A_1376, %and3A_1389 : vector<729x1xi1>
    %and3A_1391 = arith.andi %and3A_1363, %and3A_1390 : vector<729x1xi1>
    %jit3A_1392 = arith.constant 0.000000e+00 : f32
    %broadcast_in_dim3A_1393 = vector.shape_cast %and3A_1391 : vector<729x1xi1> to vector<729x1xi1>
    %broadcast_in_dim3A_1394 = vector.broadcast %broadcast_in_dim3A_1393 : vector<729x1xi1> to vector<729x64xi1>
    %broadcast_in_dim3A_1395 = vector.broadcast %jit3A_1392 : f32 to vector<729x64xf32>
    %select_n3A_1396 = arith.select %broadcast_in_dim3A_1394, %slice3A_1350, %broadcast_in_dim3A_1395 : vector<729x64xi1>, vector<729x64xf32>
    %get3A_1397 = arith.constant 22 : index
    %get3A_1398 = arith.constant 0 : index
    %get3A_1399 = arith.constant 0 : index
    %get3A_1400 = vector.load %arg9[%get3A_1397, %get3A_1398, %get3A_1399] : memref<27x64x64xf32, #tpu.memory_space<vmem>>, vector<1x64x64xf32>
    %get3A_1401 = vector.shape_cast %get3A_1400 : vector<1x64x64xf32> to vector<64x64xf32>
    %dot_general3A_1402 = arith.constant dense<0.000000e+00> : vector<729x64xf32>
    %dot_general3A_1403 = tpu.matmul %select_n3A_1396, %get3A_1401, %dot_general3A_1402 {dimension_numbers = #tpu.dot_dimension_numbers<[1], [0], [0], [1], [0, 0, 1, 1], [], []>, transpose_lhs_hint = false} : vector<729x64xf32>, vector<64x64xf32>, vector<729x64xf32> -> vector<729x64xf32>
    %add3A_1404 = arith.addf %add3A_1349, %dot_general3A_1403 : vector<729x64xf32>
    %slice3A_1405 = vector.extract_strided_slice %concatenate3A {offsets = [178, 0], sizes = [729, 64], strides = [1, 1]} : vector<921x64xf32> to vector<729x64xf32>
    %add3A_1406 = arith.constant 1 : i32
    %add3A_1407 = vector.broadcast %add3A_1406 : i32 to vector<729x1xi32>
    %add3A_1408 = arith.addi %select_n3A, %add3A_1407 : vector<729x1xi32>
    %ge3A_1409 = arith.constant 0 : i32
    %ge3A_1410 = vector.broadcast %ge3A_1409 : i32 to vector<729x1xi32>
    %ge3A_1411 = arith.cmpi sge, %add3A_1408, %ge3A_1410 : vector<729x1xi32>
    %add3A_1412 = arith.constant 1 : i32
    %add3A_1413 = vector.broadcast %add3A_1412 : i32 to vector<729x1xi32>
    %add3A_1414 = arith.addi %select_n3A, %add3A_1413 : vector<729x1xi32>
    %lt3A_1415 = arith.constant 9 : i32
    %lt3A_1416 = vector.broadcast %lt3A_1415 : i32 to vector<729x1xi32>
    %lt3A_1417 = arith.cmpi slt, %add3A_1414, %lt3A_1416 : vector<729x1xi32>
    %and3A_1418 = arith.andi %ge3A_1411, %lt3A_1417 : vector<729x1xi1>
    %add3A_1419 = arith.constant 0 : i32
    %add3A_1420 = vector.broadcast %add3A_1419 : i32 to vector<729x1xi32>
    %add3A_1421 = arith.addi %select_n3A_117, %add3A_1420 : vector<729x1xi32>
    %ge3A_1422 = arith.constant 0 : i32
    %ge3A_1423 = vector.broadcast %ge3A_1422 : i32 to vector<729x1xi32>
    %ge3A_1424 = arith.cmpi sge, %add3A_1421, %ge3A_1423 : vector<729x1xi32>
    %add3A_1425 = arith.constant 0 : i32
    %add3A_1426 = vector.broadcast %add3A_1425 : i32 to vector<729x1xi32>
    %add3A_1427 = arith.addi %select_n3A_117, %add3A_1426 : vector<729x1xi32>
    %lt3A_1428 = arith.constant 9 : i32
    %lt3A_1429 = vector.broadcast %lt3A_1428 : i32 to vector<729x1xi32>
    %lt3A_1430 = arith.cmpi slt, %add3A_1427, %lt3A_1429 : vector<729x1xi32>
    %and3A_1431 = arith.andi %ge3A_1424, %lt3A_1430 : vector<729x1xi1>
    %add3A_1432 = arith.constant 1 : i32
    %add3A_1433 = vector.broadcast %add3A_1432 : i32 to vector<729x1xi32>
    %add3A_1434 = arith.addi %select_n3A_139, %add3A_1433 : vector<729x1xi32>
    %ge3A_1435 = arith.constant 0 : i32
    %ge3A_1436 = vector.broadcast %ge3A_1435 : i32 to vector<729x1xi32>
    %ge3A_1437 = arith.cmpi sge, %add3A_1434, %ge3A_1436 : vector<729x1xi32>
    %add3A_1438 = arith.constant 1 : i32
    %add3A_1439 = vector.broadcast %add3A_1438 : i32 to vector<729x1xi32>
    %add3A_1440 = arith.addi %select_n3A_139, %add3A_1439 : vector<729x1xi32>
    %lt3A_1441 = arith.constant 9 : i32
    %lt3A_1442 = vector.broadcast %lt3A_1441 : i32 to vector<729x1xi32>
    %lt3A_1443 = arith.cmpi slt, %add3A_1440, %lt3A_1442 : vector<729x1xi32>
    %and3A_1444 = arith.andi %ge3A_1437, %lt3A_1443 : vector<729x1xi1>
    %and3A_1445 = arith.andi %and3A_1431, %and3A_1444 : vector<729x1xi1>
    %and3A_1446 = arith.andi %and3A_1418, %and3A_1445 : vector<729x1xi1>
    %jit3A_1447 = arith.constant 0.000000e+00 : f32
    %broadcast_in_dim3A_1448 = vector.shape_cast %and3A_1446 : vector<729x1xi1> to vector<729x1xi1>
    %broadcast_in_dim3A_1449 = vector.broadcast %broadcast_in_dim3A_1448 : vector<729x1xi1> to vector<729x64xi1>
    %broadcast_in_dim3A_1450 = vector.broadcast %jit3A_1447 : f32 to vector<729x64xf32>
    %select_n3A_1451 = arith.select %broadcast_in_dim3A_1449, %slice3A_1405, %broadcast_in_dim3A_1450 : vector<729x64xi1>, vector<729x64xf32>
    %get3A_1452 = arith.constant 23 : index
    %get3A_1453 = arith.constant 0 : index
    %get3A_1454 = arith.constant 0 : index
    %get3A_1455 = vector.load %arg9[%get3A_1452, %get3A_1453, %get3A_1454] : memref<27x64x64xf32, #tpu.memory_space<vmem>>, vector<1x64x64xf32>
    %get3A_1456 = vector.shape_cast %get3A_1455 : vector<1x64x64xf32> to vector<64x64xf32>
    %dot_general3A_1457 = arith.constant dense<0.000000e+00> : vector<729x64xf32>
    %dot_general3A_1458 = tpu.matmul %select_n3A_1451, %get3A_1456, %dot_general3A_1457 {dimension_numbers = #tpu.dot_dimension_numbers<[1], [0], [0], [1], [0, 0, 1, 1], [], []>, transpose_lhs_hint = false} : vector<729x64xf32>, vector<64x64xf32>, vector<729x64xf32> -> vector<729x64xf32>
    %add3A_1459 = arith.addf %add3A_1404, %dot_general3A_1458 : vector<729x64xf32>
    %slice3A_1460 = vector.extract_strided_slice %concatenate3A {offsets = [185, 0], sizes = [729, 64], strides = [1, 1]} : vector<921x64xf32> to vector<729x64xf32>
    %add3A_1461 = arith.constant 1 : i32
    %add3A_1462 = vector.broadcast %add3A_1461 : i32 to vector<729x1xi32>
    %add3A_1463 = arith.addi %select_n3A, %add3A_1462 : vector<729x1xi32>
    %ge3A_1464 = arith.constant 0 : i32
    %ge3A_1465 = vector.broadcast %ge3A_1464 : i32 to vector<729x1xi32>
    %ge3A_1466 = arith.cmpi sge, %add3A_1463, %ge3A_1465 : vector<729x1xi32>
    %add3A_1467 = arith.constant 1 : i32
    %add3A_1468 = vector.broadcast %add3A_1467 : i32 to vector<729x1xi32>
    %add3A_1469 = arith.addi %select_n3A, %add3A_1468 : vector<729x1xi32>
    %lt3A_1470 = arith.constant 9 : i32
    %lt3A_1471 = vector.broadcast %lt3A_1470 : i32 to vector<729x1xi32>
    %lt3A_1472 = arith.cmpi slt, %add3A_1469, %lt3A_1471 : vector<729x1xi32>
    %and3A_1473 = arith.andi %ge3A_1466, %lt3A_1472 : vector<729x1xi1>
    %add3A_1474 = arith.constant 1 : i32
    %add3A_1475 = vector.broadcast %add3A_1474 : i32 to vector<729x1xi32>
    %add3A_1476 = arith.addi %select_n3A_117, %add3A_1475 : vector<729x1xi32>
    %ge3A_1477 = arith.constant 0 : i32
    %ge3A_1478 = vector.broadcast %ge3A_1477 : i32 to vector<729x1xi32>
    %ge3A_1479 = arith.cmpi sge, %add3A_1476, %ge3A_1478 : vector<729x1xi32>
    %add3A_1480 = arith.constant 1 : i32
    %add3A_1481 = vector.broadcast %add3A_1480 : i32 to vector<729x1xi32>
    %add3A_1482 = arith.addi %select_n3A_117, %add3A_1481 : vector<729x1xi32>
    %lt3A_1483 = arith.constant 9 : i32
    %lt3A_1484 = vector.broadcast %lt3A_1483 : i32 to vector<729x1xi32>
    %lt3A_1485 = arith.cmpi slt, %add3A_1482, %lt3A_1484 : vector<729x1xi32>
    %and3A_1486 = arith.andi %ge3A_1479, %lt3A_1485 : vector<729x1xi1>
    %add3A_1487 = arith.constant -1 : i32
    %add3A_1488 = vector.broadcast %add3A_1487 : i32 to vector<729x1xi32>
    %add3A_1489 = arith.addi %select_n3A_139, %add3A_1488 : vector<729x1xi32>
    %ge3A_1490 = arith.constant 0 : i32
    %ge3A_1491 = vector.broadcast %ge3A_1490 : i32 to vector<729x1xi32>
    %ge3A_1492 = arith.cmpi sge, %add3A_1489, %ge3A_1491 : vector<729x1xi32>
    %add3A_1493 = arith.constant -1 : i32
    %add3A_1494 = vector.broadcast %add3A_1493 : i32 to vector<729x1xi32>
    %add3A_1495 = arith.addi %select_n3A_139, %add3A_1494 : vector<729x1xi32>
    %lt3A_1496 = arith.constant 9 : i32
    %lt3A_1497 = vector.broadcast %lt3A_1496 : i32 to vector<729x1xi32>
    %lt3A_1498 = arith.cmpi slt, %add3A_1495, %lt3A_1497 : vector<729x1xi32>
    %and3A_1499 = arith.andi %ge3A_1492, %lt3A_1498 : vector<729x1xi1>
    %and3A_1500 = arith.andi %and3A_1486, %and3A_1499 : vector<729x1xi1>
    %and3A_1501 = arith.andi %and3A_1473, %and3A_1500 : vector<729x1xi1>
    %jit3A_1502 = arith.constant 0.000000e+00 : f32
    %broadcast_in_dim3A_1503 = vector.shape_cast %and3A_1501 : vector<729x1xi1> to vector<729x1xi1>
    %broadcast_in_dim3A_1504 = vector.broadcast %broadcast_in_dim3A_1503 : vector<729x1xi1> to vector<729x64xi1>
    %broadcast_in_dim3A_1505 = vector.broadcast %jit3A_1502 : f32 to vector<729x64xf32>
    %select_n3A_1506 = arith.select %broadcast_in_dim3A_1504, %slice3A_1460, %broadcast_in_dim3A_1505 : vector<729x64xi1>, vector<729x64xf32>
    %get3A_1507 = arith.constant 24 : index
    %get3A_1508 = arith.constant 0 : index
    %get3A_1509 = arith.constant 0 : index
    %get3A_1510 = vector.load %arg9[%get3A_1507, %get3A_1508, %get3A_1509] : memref<27x64x64xf32, #tpu.memory_space<vmem>>, vector<1x64x64xf32>
    %get3A_1511 = vector.shape_cast %get3A_1510 : vector<1x64x64xf32> to vector<64x64xf32>
    %dot_general3A_1512 = arith.constant dense<0.000000e+00> : vector<729x64xf32>
    %dot_general3A_1513 = tpu.matmul %select_n3A_1506, %get3A_1511, %dot_general3A_1512 {dimension_numbers = #tpu.dot_dimension_numbers<[1], [0], [0], [1], [0, 0, 1, 1], [], []>, transpose_lhs_hint = false} : vector<729x64xf32>, vector<64x64xf32>, vector<729x64xf32> -> vector<729x64xf32>
    %add3A_1514 = arith.addf %add3A_1459, %dot_general3A_1513 : vector<729x64xf32>
    %slice3A_1515 = vector.extract_strided_slice %concatenate3A {offsets = [186, 0], sizes = [729, 64], strides = [1, 1]} : vector<921x64xf32> to vector<729x64xf32>
    %add3A_1516 = arith.constant 1 : i32
    %add3A_1517 = vector.broadcast %add3A_1516 : i32 to vector<729x1xi32>
    %add3A_1518 = arith.addi %select_n3A, %add3A_1517 : vector<729x1xi32>
    %ge3A_1519 = arith.constant 0 : i32
    %ge3A_1520 = vector.broadcast %ge3A_1519 : i32 to vector<729x1xi32>
    %ge3A_1521 = arith.cmpi sge, %add3A_1518, %ge3A_1520 : vector<729x1xi32>
    %add3A_1522 = arith.constant 1 : i32
    %add3A_1523 = vector.broadcast %add3A_1522 : i32 to vector<729x1xi32>
    %add3A_1524 = arith.addi %select_n3A, %add3A_1523 : vector<729x1xi32>
    %lt3A_1525 = arith.constant 9 : i32
    %lt3A_1526 = vector.broadcast %lt3A_1525 : i32 to vector<729x1xi32>
    %lt3A_1527 = arith.cmpi slt, %add3A_1524, %lt3A_1526 : vector<729x1xi32>
    %and3A_1528 = arith.andi %ge3A_1521, %lt3A_1527 : vector<729x1xi1>
    %add3A_1529 = arith.constant 1 : i32
    %add3A_1530 = vector.broadcast %add3A_1529 : i32 to vector<729x1xi32>
    %add3A_1531 = arith.addi %select_n3A_117, %add3A_1530 : vector<729x1xi32>
    %ge3A_1532 = arith.constant 0 : i32
    %ge3A_1533 = vector.broadcast %ge3A_1532 : i32 to vector<729x1xi32>
    %ge3A_1534 = arith.cmpi sge, %add3A_1531, %ge3A_1533 : vector<729x1xi32>
    %add3A_1535 = arith.constant 1 : i32
    %add3A_1536 = vector.broadcast %add3A_1535 : i32 to vector<729x1xi32>
    %add3A_1537 = arith.addi %select_n3A_117, %add3A_1536 : vector<729x1xi32>
    %lt3A_1538 = arith.constant 9 : i32
    %lt3A_1539 = vector.broadcast %lt3A_1538 : i32 to vector<729x1xi32>
    %lt3A_1540 = arith.cmpi slt, %add3A_1537, %lt3A_1539 : vector<729x1xi32>
    %and3A_1541 = arith.andi %ge3A_1534, %lt3A_1540 : vector<729x1xi1>
    %add3A_1542 = arith.constant 0 : i32
    %add3A_1543 = vector.broadcast %add3A_1542 : i32 to vector<729x1xi32>
    %add3A_1544 = arith.addi %select_n3A_139, %add3A_1543 : vector<729x1xi32>
    %ge3A_1545 = arith.constant 0 : i32
    %ge3A_1546 = vector.broadcast %ge3A_1545 : i32 to vector<729x1xi32>
    %ge3A_1547 = arith.cmpi sge, %add3A_1544, %ge3A_1546 : vector<729x1xi32>
    %add3A_1548 = arith.constant 0 : i32
    %add3A_1549 = vector.broadcast %add3A_1548 : i32 to vector<729x1xi32>
    %add3A_1550 = arith.addi %select_n3A_139, %add3A_1549 : vector<729x1xi32>
    %lt3A_1551 = arith.constant 9 : i32
    %lt3A_1552 = vector.broadcast %lt3A_1551 : i32 to vector<729x1xi32>
    %lt3A_1553 = arith.cmpi slt, %add3A_1550, %lt3A_1552 : vector<729x1xi32>
    %and3A_1554 = arith.andi %ge3A_1547, %lt3A_1553 : vector<729x1xi1>
    %and3A_1555 = arith.andi %and3A_1541, %and3A_1554 : vector<729x1xi1>
    %and3A_1556 = arith.andi %and3A_1528, %and3A_1555 : vector<729x1xi1>
    %jit3A_1557 = arith.constant 0.000000e+00 : f32
    %broadcast_in_dim3A_1558 = vector.shape_cast %and3A_1556 : vector<729x1xi1> to vector<729x1xi1>
    %broadcast_in_dim3A_1559 = vector.broadcast %broadcast_in_dim3A_1558 : vector<729x1xi1> to vector<729x64xi1>
    %broadcast_in_dim3A_1560 = vector.broadcast %jit3A_1557 : f32 to vector<729x64xf32>
    %select_n3A_1561 = arith.select %broadcast_in_dim3A_1559, %slice3A_1515, %broadcast_in_dim3A_1560 : vector<729x64xi1>, vector<729x64xf32>
    %get3A_1562 = arith.constant 25 : index
    %get3A_1563 = arith.constant 0 : index
    %get3A_1564 = arith.constant 0 : index
    %get3A_1565 = vector.load %arg9[%get3A_1562, %get3A_1563, %get3A_1564] : memref<27x64x64xf32, #tpu.memory_space<vmem>>, vector<1x64x64xf32>
    %get3A_1566 = vector.shape_cast %get3A_1565 : vector<1x64x64xf32> to vector<64x64xf32>
    %dot_general3A_1567 = arith.constant dense<0.000000e+00> : vector<729x64xf32>
    %dot_general3A_1568 = tpu.matmul %select_n3A_1561, %get3A_1566, %dot_general3A_1567 {dimension_numbers = #tpu.dot_dimension_numbers<[1], [0], [0], [1], [0, 0, 1, 1], [], []>, transpose_lhs_hint = false} : vector<729x64xf32>, vector<64x64xf32>, vector<729x64xf32> -> vector<729x64xf32>
    %add3A_1569 = arith.addf %add3A_1514, %dot_general3A_1568 : vector<729x64xf32>
    %slice3A_1570 = vector.extract_strided_slice %concatenate3A {offsets = [187, 0], sizes = [729, 64], strides = [1, 1]} : vector<921x64xf32> to vector<729x64xf32>
    %add3A_1571 = arith.constant 1 : i32
    %add3A_1572 = vector.broadcast %add3A_1571 : i32 to vector<729x1xi32>
    %add3A_1573 = arith.addi %select_n3A, %add3A_1572 : vector<729x1xi32>
    %ge3A_1574 = arith.constant 0 : i32
    %ge3A_1575 = vector.broadcast %ge3A_1574 : i32 to vector<729x1xi32>
    %ge3A_1576 = arith.cmpi sge, %add3A_1573, %ge3A_1575 : vector<729x1xi32>
    %add3A_1577 = arith.constant 1 : i32
    %add3A_1578 = vector.broadcast %add3A_1577 : i32 to vector<729x1xi32>
    %add3A_1579 = arith.addi %select_n3A, %add3A_1578 : vector<729x1xi32>
    %lt3A_1580 = arith.constant 9 : i32
    %lt3A_1581 = vector.broadcast %lt3A_1580 : i32 to vector<729x1xi32>
    %lt3A_1582 = arith.cmpi slt, %add3A_1579, %lt3A_1581 : vector<729x1xi32>
    %and3A_1583 = arith.andi %ge3A_1576, %lt3A_1582 : vector<729x1xi1>
    %add3A_1584 = arith.constant 1 : i32
    %add3A_1585 = vector.broadcast %add3A_1584 : i32 to vector<729x1xi32>
    %add3A_1586 = arith.addi %select_n3A_117, %add3A_1585 : vector<729x1xi32>
    %ge3A_1587 = arith.constant 0 : i32
    %ge3A_1588 = vector.broadcast %ge3A_1587 : i32 to vector<729x1xi32>
    %ge3A_1589 = arith.cmpi sge, %add3A_1586, %ge3A_1588 : vector<729x1xi32>
    %add3A_1590 = arith.constant 1 : i32
    %add3A_1591 = vector.broadcast %add3A_1590 : i32 to vector<729x1xi32>
    %add3A_1592 = arith.addi %select_n3A_117, %add3A_1591 : vector<729x1xi32>
    %lt3A_1593 = arith.constant 9 : i32
    %lt3A_1594 = vector.broadcast %lt3A_1593 : i32 to vector<729x1xi32>
    %lt3A_1595 = arith.cmpi slt, %add3A_1592, %lt3A_1594 : vector<729x1xi32>
    %and3A_1596 = arith.andi %ge3A_1589, %lt3A_1595 : vector<729x1xi1>
    %add3A_1597 = arith.constant 1 : i32
    %add3A_1598 = vector.broadcast %add3A_1597 : i32 to vector<729x1xi32>
    %add3A_1599 = arith.addi %select_n3A_139, %add3A_1598 : vector<729x1xi32>
    %ge3A_1600 = arith.constant 0 : i32
    %ge3A_1601 = vector.broadcast %ge3A_1600 : i32 to vector<729x1xi32>
    %ge3A_1602 = arith.cmpi sge, %add3A_1599, %ge3A_1601 : vector<729x1xi32>
    %add3A_1603 = arith.constant 1 : i32
    %add3A_1604 = vector.broadcast %add3A_1603 : i32 to vector<729x1xi32>
    %add3A_1605 = arith.addi %select_n3A_139, %add3A_1604 : vector<729x1xi32>
    %lt3A_1606 = arith.constant 9 : i32
    %lt3A_1607 = vector.broadcast %lt3A_1606 : i32 to vector<729x1xi32>
    %lt3A_1608 = arith.cmpi slt, %add3A_1605, %lt3A_1607 : vector<729x1xi32>
    %and3A_1609 = arith.andi %ge3A_1602, %lt3A_1608 : vector<729x1xi1>
    %and3A_1610 = arith.andi %and3A_1596, %and3A_1609 : vector<729x1xi1>
    %and3A_1611 = arith.andi %and3A_1583, %and3A_1610 : vector<729x1xi1>
    %jit3A_1612 = arith.constant 0.000000e+00 : f32
    %broadcast_in_dim3A_1613 = vector.shape_cast %and3A_1611 : vector<729x1xi1> to vector<729x1xi1>
    %broadcast_in_dim3A_1614 = vector.broadcast %broadcast_in_dim3A_1613 : vector<729x1xi1> to vector<729x64xi1>
    %broadcast_in_dim3A_1615 = vector.broadcast %jit3A_1612 : f32 to vector<729x64xf32>
    %select_n3A_1616 = arith.select %broadcast_in_dim3A_1614, %slice3A_1570, %broadcast_in_dim3A_1615 : vector<729x64xi1>, vector<729x64xf32>
    %get3A_1617 = arith.constant 26 : index
    %get3A_1618 = arith.constant 0 : index
    %get3A_1619 = arith.constant 0 : index
    %get3A_1620 = vector.load %arg9[%get3A_1617, %get3A_1618, %get3A_1619] : memref<27x64x64xf32, #tpu.memory_space<vmem>>, vector<1x64x64xf32>
    %get3A_1621 = vector.shape_cast %get3A_1620 : vector<1x64x64xf32> to vector<64x64xf32>
    %dot_general3A_1622 = arith.constant dense<0.000000e+00> : vector<729x64xf32>
    %dot_general3A_1623 = tpu.matmul %select_n3A_1616, %get3A_1621, %dot_general3A_1622 {dimension_numbers = #tpu.dot_dimension_numbers<[1], [0], [0], [1], [0, 0, 1, 1], [], []>, transpose_lhs_hint = false} : vector<729x64xf32>, vector<64x64xf32>, vector<729x64xf32> -> vector<729x64xf32>
    %add3A_1624 = arith.addf %add3A_1569, %dot_general3A_1623 : vector<729x64xf32>
    %add3A_1625 = vector.broadcast %get3A_38 : vector<1x64xf32> to vector<729x64xf32>
    %add3A_1626 = arith.addf %add3A_1624, %add3A_1625 : vector<729x64xf32>
    %get3A_1627 = arith.constant 0 : index
    %get3A_1628 = arith.constant 0 : index
    %get3A_1629 = vector.load %arg4[%get3A_1627, %get3A_1628] : memref<736x128xf32, #tpu.memory_space<vmem>>, vector<729x64xf32>
    %get3A_1630 = arith.constant 0 : index
    %get3A_1631 = arith.constant 0 : index
    %get3A_1632 = vector.load %arg7[%get3A_1630, %get3A_1631] : memref<64x64xf32, #tpu.memory_space<vmem>>, vector<64x64xf32>
    %dot_general3A_1633 = arith.constant dense<0.000000e+00> : vector<729x64xf32>
    %dot_general3A_1634 = tpu.matmul %get3A_1629, %get3A_1632, %dot_general3A_1633 {dimension_numbers = #tpu.dot_dimension_numbers<[1], [1], [0], [0], [0, 0, 1, 0], [], []>, transpose_lhs_hint = false} : vector<729x64xf32>, vector<64x64xf32>, vector<729x64xf32> -> vector<729x64xf32>
    %add3A_1635 = arith.addf %add3A_1626, %dot_general3A_1634 : vector<729x64xf32>
    %swap3A = arith.constant 0 : index
    %swap3A_1636 = arith.constant 0 : index
    %swap3A_1637 = vector.load %arg11[%swap3A, %swap3A_1636] : memref<729x64xf32, #tpu.memory_space<vmem>>, vector<729x64xf32>
    tpu.vector_store %arg11[%swap3A, %swap3A_1636], %add3A_1635 {strides = array<i32>} : memref<729x64xf32, #tpu.memory_space<vmem>>, vector<729x64xf32>,
    %get3A_1638 = arith.constant 0 : index
    %get3A_1639 = arith.constant 0 : index
    %get3A_1640 = vector.load %arg5[%get3A_1638, %get3A_1639] : memref<64x3xf32, #tpu.memory_space<vmem>>, vector<64x3xf32>
    %get3A_1641 = arith.constant 0 : index
    %get3A_1642 = arith.constant 0 : index
    %get3A_1643 = vector.load %arg7[%get3A_1641, %get3A_1642] : memref<64x64xf32, #tpu.memory_space<vmem>>, vector<64x64xf32>
    %dot_general3A_1644 = arith.constant dense<0.000000e+00> : vector<3x64xf32>
    %dot_general3A_1645 = tpu.matmul %get3A_1640, %get3A_1643, %dot_general3A_1644 {dimension_numbers = #tpu.dot_dimension_numbers<[0], [1], [1], [0], [0, 1, 1, 0], [], []>, transpose_lhs_hint = false} : vector<64x3xf32>, vector<64x64xf32>, vector<3x64xf32> -> vector<3x64xf32>
    %swap3A_1646 = arith.constant 0 : index
    %swap3A_1647 = arith.constant 0 : index
    %swap3A_1648 = vector.load %arg12[%swap3A_1646, %swap3A_1647] : memref<3x64xf32, #tpu.memory_space<vmem>>, vector<3x64xf32>
    tpu.vector_store %arg12[%swap3A_1646, %swap3A_1647], %dot_general3A_1645 {strides = array<i32>} : memref<3x64xf32, #tpu.memory_space<vmem>>, vector<3x64xf32>,
    %get3A_1649 = arith.constant 0 : index
    %get3A_1650 = arith.constant 0 : index
    %get3A_1651 = vector.load %arg6[%get3A_1649, %get3A_1650] : memref<1x64xf32, #tpu.memory_space<vmem>>, vector<1x64xf32>
    %get3A_1652 = arith.constant 0 : index
    %get3A_1653 = arith.constant 0 : index
    %get3A_1654 = vector.load %arg7[%get3A_1652, %get3A_1653] : memref<64x64xf32, #tpu.memory_space<vmem>>, vector<64x64xf32>
    %dot_general3A_1655 = arith.constant dense<0.000000e+00> : vector<1x64xf32>
    %dot_general3A_1656 = tpu.matmul %get3A_1651, %get3A_1654, %dot_general3A_1655 {dimension_numbers = #tpu.dot_dimension_numbers<[1], [1], [0], [0], [0, 0, 1, 0], [], []>, transpose_lhs_hint = false} : vector<1x64xf32>, vector<64x64xf32>, vector<1x64xf32> -> vector<1x64xf32>
    %get3A_1657 = arith.constant 0 : index
    %get3A_1658 = arith.constant 0 : index
    %get3A_1659 = vector.load %arg8[%get3A_1657, %get3A_1658] : memref<1x64xf32, #tpu.memory_space<vmem>>, vector<1x64xf32>
    %add3A_1660 = arith.addf %dot_general3A_1656, %get3A_1659 : vector<1x64xf32>
    %swap3A_1661 = arith.constant 0 : index
    %swap3A_1662 = arith.constant 0 : index
    %swap3A_1663 = vector.load %arg13[%swap3A_1661, %swap3A_1662] : memref<1x64xf32, #tpu.memory_space<vmem>>, vector<1x64xf32>
    tpu.vector_store %arg13[%swap3A_1661, %swap3A_1662], %add3A_1660 {strides = array<i32>} : memref<1x64xf32, #tpu.memory_space<vmem>>, vector<1x64xf32>,
    return
  }
}

module attributes {stable_mosaic.version = 14 : i64} {
  func.func @_out_kernel(%arg0: i32, %arg1: memref<2000x3xf32, #tpu.memory_space<vmem>>, %arg2: memref<1x1x2000xi32, #tpu.memory_space<vmem>>, %arg3: memref<729x64xf32, #tpu.memory_space<vmem>>, %arg4: memref<3x64xf32, #tpu.memory_space<vmem>>, %arg5: memref<1x64xf32, #tpu.memory_space<vmem>>, %arg6: memref<2000x64xf32, #tpu.memory_space<vmem>>) attributes {dimension_semantics = [#tpu.dimension_semantics<arbitrary>], iteration_bounds = array<i64: 50>, scalar_prefetch = 0 : i64, scratch_operands = 0 : i64, tpu.core_type = #tpu.core_type<tc>, window_params = [{transform_indices = @transform_0, window_bounds = array<i64: 2000, 3>}, {transform_indices = @transform_1, window_bounds = array<i64: 1, 1, 2000>}, {pipeline_mode = #tpu.pipeline_mode<synchronous>, transform_indices = @transform_2, window_bounds = array<i64: 729, 64>}, {pipeline_mode = #tpu.pipeline_mode<synchronous>, transform_indices = @transform_3, window_bounds = array<i64: 3, 64>}, {pipeline_mode = #tpu.pipeline_mode<synchronous>, transform_indices = @transform_4, window_bounds = array<i64: 1, 64>}, {transform_indices = @transform_5, window_bounds = array<i64: 2000, 64>}]} {
    %get3A = arith.constant 0 : index
    %get3A_0 = arith.constant 0 : index
    %get3A_1 = arith.constant 0 : index
    %get3A_2 = vector.load %arg2[%get3A, %get3A_0, %get3A_1] : memref<1x1x2000xi32, #tpu.memory_space<vmem>>, vector<1x1x2000xi32>
    %get3A_3 = vector.shape_cast %get3A_2 : vector<1x1x2000xi32> to vector<2000xi32>
    %iota3A = tpu.iota {dimensions = array<i32: 1>} : vector<2000x729xi32>
    %broadcast_in_dim3A = vector.shape_cast %get3A_3 : vector<2000xi32> to vector<2000x1xi32>
    %eq3A = vector.broadcast %broadcast_in_dim3A : vector<2000x1xi32> to vector<2000x729xi32>
    %eq3A_4 = arith.cmpi eq, %eq3A, %iota3A : vector<2000x729xi32>
    %convert_element_type3A = arith.extui %eq3A_4 : vector<2000x729xi1> to vector<2000x729xi32>
    %convert_element_type3A_5 = arith.sitofp %convert_element_type3A : vector<2000x729xi32> to vector<2000x729xf32>
    %get3A_6 = arith.constant 0 : index
    %get3A_7 = arith.constant 0 : index
    %get3A_8 = vector.load %arg3[%get3A_6, %get3A_7] : memref<729x64xf32, #tpu.memory_space<vmem>>, vector<729x64xf32>
    %dot_general3A = arith.constant dense<0.000000e+00> : vector<2000x64xf32>
    %dot_general3A_9 = tpu.matmul %convert_element_type3A_5, %get3A_8, %dot_general3A {dimension_numbers = #tpu.dot_dimension_numbers<[1], [0], [0], [1], [0, 0, 1, 1], [], []>, transpose_lhs_hint = false} : vector<2000x729xf32>, vector<729x64xf32>, vector<2000x64xf32> -> vector<2000x64xf32>
    %get3A_10 = arith.constant 0 : index
    %get3A_11 = arith.constant 0 : index
    %get3A_12 = vector.load %arg1[%get3A_10, %get3A_11] : memref<2000x3xf32, #tpu.memory_space<vmem>>, vector<2000x3xf32>
    %get3A_13 = arith.constant 0 : index
    %get3A_14 = arith.constant 0 : index
    %get3A_15 = vector.load %arg4[%get3A_13, %get3A_14] : memref<3x64xf32, #tpu.memory_space<vmem>>, vector<3x64xf32>
    %dot_general3A_16 = arith.constant dense<0.000000e+00> : vector<2000x64xf32>
    %dot_general3A_17 = tpu.matmul %get3A_12, %get3A_15, %dot_general3A_16 {dimension_numbers = #tpu.dot_dimension_numbers<[1], [0], [0], [1], [0, 0, 1, 1], [], []>, transpose_lhs_hint = false} : vector<2000x3xf32>, vector<3x64xf32>, vector<2000x64xf32> -> vector<2000x64xf32>
    %add3A = arith.addf %dot_general3A_17, %dot_general3A_9 : vector<2000x64xf32>
    %get3A_18 = arith.constant 0 : index
    %get3A_19 = arith.constant 0 : index
    %get3A_20 = vector.load %arg5[%get3A_18, %get3A_19] : memref<1x64xf32, #tpu.memory_space<vmem>>, vector<1x64xf32>
    %add3A_21 = vector.broadcast %get3A_20 : vector<1x64xf32> to vector<2000x64xf32>
    %add3A_22 = arith.addf %add3A, %add3A_21 : vector<2000x64xf32>
    %swap3A = arith.constant 0 : index
    %swap3A_23 = arith.constant 0 : index
    %swap3A_24 = vector.load %arg6[%swap3A, %swap3A_23] : memref<2000x64xf32, #tpu.memory_space<vmem>>, vector<2000x64xf32>
    tpu.vector_store %arg6[%swap3A, %swap3A_23], %add3A_22 {strides = array<i32>} : memref<2000x64xf32, #tpu.memory_space<vmem>>, vector<2000x64xf32>,
    return
  }
  func.func @transform_0(%arg0: i32) -> (i32, i32) {
    %c0_i32 = arith.constant 0 : i32
    %c0_i32_0 = arith.constant 0 : i32
    return %arg0, %c0_i32 : i32, i32
  }
  func.func @transform_1(%arg0: i32) -> (i32, i32, i32) {
    %c0_i32 = arith.constant 0 : i32
    %c0_i32_0 = arith.constant 0 : i32
    %c0_i32_1 = arith.constant 0 : i32
    return %arg0, %c0_i32, %c0_i32_0 : i32, i32, i32
  }
  func.func @transform_2(%arg0: i32) -> (i32, i32) {
    %c0_i32 = arith.constant 0 : i32
    %c0_i32_0 = arith.constant 0 : i32
    %c0_i32_1 = arith.constant 0 : i32
    return %c0_i32, %c0_i32_0 : i32, i32
  }
  func.func @transform_3(%arg0: i32) -> (i32, i32) {
    %c0_i32 = arith.constant 0 : i32
    %c0_i32_0 = arith.constant 0 : i32
    %c0_i32_1 = arith.constant 0 : i32
    return %c0_i32, %c0_i32_0 : i32, i32
  }
  func.func @transform_4(%arg0: i32) -> (i32, i32) {
    %c0_i32 = arith.constant 0 : i32
    %c0_i32_0 = arith.constant 0 : i32
    %c0_i32_1 = arith.constant 0 : i32
    return %c0_i32, %c0_i32_0 : i32, i32
  }
  func.func @transform_5(%arg0: i32) -> (i32, i32) {
    %c0_i32 = arith.constant 0 : i32
    %c0_i32_0 = arith.constant 0 : i32
    return %arg0, %c0_i32 : i32, i32
  }
}

</mosaic_0001>

<sc_bundles>
// kernel: kernel.7.cloned.1.call-start
scs
__scs_entry_jumppad:
0x0: {  	(pc) =	sbr.rel $0x88, $3  }
0x1: {  	(tag) =	ssettag $0x0;
	lr =	simm.s32 $0x1  }
0x2: {  	[smem:$0x3F96] =	sst lr;
	_ =	strace $0xD0000000  }
0x3: {  	_ = 	snop  }
0x4: {  	_ = 	snop  }
0x5: {  	_ = 	snop  }
0x6: {  	_ = 	snop  }
0x7: {  	_ = 	snop  }
__scs_overlays_trampoline_lowered:
0x8: {  	[smem:$0x3FA5] =	sst s0  }
0x9: {  	[smem:$0x3FA6] =	sst s1  }
0xa: {  	[smem:$0x3FA7] =	sst s2  }
0xb: {  	[smem:$0x3FA8] =	sst s3  }
0xc: {  	[smem:$0x3FA9] =	sst s4  }
0xd: {  	[smem:$0x3FAA] =	sst s5  }
0xe: {  	[smem:$0x3FAB] =	sst s6  }
0xf: {  	[smem:$0x3FAC] =	sst s7  }
0x10: {  	[smem:$0x3FAD] =	sst s8  }
0x11: {  	[smem:$0x3FAE] =	sst s9;
	s0 =	simm.s32 @!p0 $0x0  }
0x12: {  	s1 =	sld [smem:$0x3F94];
	s0 =	simm.s32 @p0 $0x1  }
0x13: {  	[smem:$0x3FAF] =	sst s0;
	s0 =	simm.s32 @!p1 $0x0  }
0x14: {  	s2 =	sld [smem:$0x3F93];
	s0 =	simm.s32 @p1 $0x1  }
0x15: {  	[smem:$0x3FB0] =	sst s0;
	s0 =	simm.s32 @!p2 $0x0  }
0x16: {  	s3 =	sld [smem:$0x3FDB];
	s0 =	simm.s32 @p2 $0x1  }
0x17: {  	s4 =	simm.s32 $0x1BF5;
	[smem:$0x3FB2] =	sst s0  }
0x18: {  	s0 =	sld [smem:$0x3F95];
	_ =	swait.ge [sflag:s4], $0x0  }
0x19: {  	s7 =	sld [smem:$0x3F96]  }
0x1a: {  	s8 =	sadd.s32 $0xFFFFE003, lr  }
0x1b: {  	s9 =	sadd.s32 $0xFFFFFEF7, lr;
	s5 =	simm.s32 $0xFFFFFFFF;
	p2 =	slt.u32 s8, $0xFFFFF086  }
0x1c: {  	p1 =	slt.u32 s9, $0xF7A;
	s5 =	simm.s32 @!p2 $0x0  }
0x1d: {  	s5 =	simm.s32 @p1 $0x1;
	p0 =	seq.s32 s7, s2  }
0x1e: {  	s7 =	smul.u32 @!p0 $0xF7A, s2;
	p2 =	seq.s32 @!p0 s5, $0x0  }
0x1f: {  	s9 =	smul.u32 $0xF7A, s1;
	s8 =	simm.s32 @!p0 $0x1BF5;
	p2 =	por !p2, p0  }
0x20: {  	[sflag:s8] =	ssyncset.s32 @!p0 $0xFFFFF086;
	s6 =	sadd.s32 @!p0 s3, s7;
	s7 =	simm.s32 @!p0 $0x108  }
0x21: {  	s3 =	sadd.s32 s3, s9;
	s6 =	sadd.s32 @!p0 $0x88, s6;
	s7 =	simm.s32 @p2 $0x1082  }
0x22: {  	[simem:s7], [sflag:s8] =	dma.local @!p0 [hbm:s6], $0xF7A  }
0x23: {  	s9 =	sor.u32 $0xD0000000, s2;
	s6 =	simm.s32 $0x108;
	_ =	swait.ge @!p0 [sflag:s8], $0x0  }
0x24: {  	s3 =	sadd.s32 $0x88, s3;
	s6 =	simm.s32 @!p1 $0x1082;
	[sflag:s4] =	ssyncset.s32 $0xFFFFF086  }
0x25: {  	[simem:s6], [sflag:s4] =	dma.local [hbm:s3], $0xF7A  }
0x26: {  	[smem:$0x3F96] =	sst s1;
	(tag) =	ssettag s2;
	_ =	strace s9  }
0x27: {  	s1 =	sld [smem:$0x3FA6]  }
0x28: {  	s2 =	sld [smem:$0x3FA7]  }
0x29: {  	s4 =	sld [smem:$0x3FA9]  }
0x2a: {  	p0 =	seq.s32 s5, $0x0;
	s5 =	sld [smem:$0x3FAA]  }
0x2b: {  	s6 =	sld [smem:$0x3FAB]  }
0x2c: {  	s7 =	sld [smem:$0x3FAC]  }
0x2d: {  	s3 =	simm.s32 $0x108;
	s8 =	sld [smem:$0x3FAD]  }
0x2e: {  	s3 =	simm.s32 @!p0 $0x1082;
	s9 =	sld [smem:$0x3FAE]  }
0x2f: {  	lr =	sadd.s32 s0, s3;
	s0 =	sld [smem:$0x3FA5]  }
0x30: {  	s3 =	sld [smem:$0x3FA8]  }
0x31: {  	[smem:$0x3FB1] =	sst s10  }
0x32: {  	s10 =	sld [smem:$0x3FAF];
	_ =	sdelay $0x3  }
0x33: {  	p0 =	seq.s32 s10, $0x1;
	s10 =	sld [smem:$0x3FB1];
	_ =	sdelay $0x3  }
0x34: {  	[smem:$0x3FB1] =	sst s10  }
0x35: {  	s10 =	sld [smem:$0x3FB0];
	_ =	sdelay $0x3  }
0x36: {  	p1 =	seq.s32 s10, $0x1;
	s10 =	sld [smem:$0x3FB1];
	_ =	sdelay $0x3  }
0x37: {  	[smem:$0x3FB1] =	sst s10  }
0x38: {  	s10 =	sld [smem:$0x3FB2]  }
0x39: {  	_ = 	snop;
	(pc) =	sbr.ind lr, $3  }
0x3a: {  	_ = 	snop  }
0x3b: {  	_ = 	snop  }
0x3c: {  	p2 =	seq.s32 s10, $0x1;
	s10 =	sld [smem:$0x3FB1]  }
0x3d: {  	_ =	shalt  }
0x3e: {  	_ =	shalt  }
0x3f: {  	_ =	shalt  }
0x40: {  	_ =	shalt  }
0x41: {  	_ =	shalt  }
0x42: {  	_ =	shalt  }
0x43: {  	_ =	shalt  }
0x44: {  	_ =	shalt  }
0x45: {  	_ =	shalt  }
0x46: {  	_ =	shalt  }
0x47: {  	_ =	shalt  }
0x48: {  	_ =	shalt  }
0x49: {  	_ =	shalt  }
0x4a: {  	_ =	shalt  }
0x4b: {  	_ =	shalt  }
0x4c: {  	_ =	shalt  }
0x4d: {  	_ =	shalt  }
0x4e: {  	_ =	shalt  }
0x4f: {  	_ =	shalt  }
0x50: {  	_ =	shalt  }
0x51: {  	_ =	shalt  }
0x52: {  	_ =	shalt  }
0x53: {  	_ =	shalt  }
0x54: {  	_ =	shalt  }
0x55: {  	_ =	shalt  }
0x56: {  	_ =	shalt  }
0x57: {  	_ =	shalt  }
0x58: {  	_ =	shalt  }
0x59: {  	_ =	shalt  }
0x5a: {  	_ =	shalt  }
0x5b: {  	_ =	shalt  }
0x5c: {  	_ =	shalt  }
0x5d: {  	_ =	shalt  }
0x5e: {  	_ =	shalt  }
0x5f: {  	_ =	shalt  }
0x60: {  	_ =	shalt  }
0x61: {  	_ =	shalt  }
0x62: {  	_ =	shalt  }
0x63: {  	_ =	shalt  }
0x64: {  	_ =	shalt  }
0x65: {  	_ =	shalt  }
0x66: {  	_ =	shalt  }
0x67: {  	_ =	shalt  }
0x68: {  	_ =	shalt  }
0x69: {  	_ =	shalt  }
0x6a: {  	_ =	shalt  }
0x6b: {  	_ =	shalt  }
0x6c: {  	_ =	shalt  }
0x6d: {  	_ =	shalt  }
0x6e: {  	_ =	shalt  }
0x6f: {  	_ =	shalt  }
0x70: {  	_ =	shalt  }
0x71: {  	_ =	shalt  }
0x72: {  	_ =	shalt  }
0x73: {  	_ =	shalt  }
0x74: {  	_ =	shalt  }
0x75: {  	_ =	shalt  }
0x76: {  	_ =	shalt  }
0x77: {  	_ =	shalt  }
0x78: {  	_ =	shalt  }
0x79: {  	_ =	shalt  }
0x7a: {  	_ =	shalt  }
0x7b: {  	_ =	shalt  }
0x7c: {  	_ =	shalt  }
0x7d: {  	_ =	shalt  }
0x7e: {  	_ =	shalt  }
0x7f: {  	_ =	shalt  }
0x80: {  	_ =	shalt  }
0x81: {  	_ =	shalt  }
0x82: {  	_ =	shalt  }
0x83: {  	_ =	shalt  }
0x84: {  	_ =	shalt  }
0x85: {  	_ =	shalt  }
0x86: {  	_ =	shalt  }
0x87: {  	_ =	shalt  }
.Lfunc_end0:
.L_simem_size_0:
called_computation_lowered:
.L_overlay_start_0:
0x88: {  	s2 =	sld [smem:$0x3FD9]  }
0x89: {  	s3 =	sld [smem:$0x3FFE];
	_ =	sdelay $0x1  }
0x8a: {  	s1 =	srdreg.scid  }
0x8b: {  	s0 =	sand.u32 $0x1, s1  }
0x8c: {  	s17 =	sshll.u32 s0, $0xA;
	s2 =	sadd.s32 s3, s2  }
0x8d: {  	s2 =	sadd.s32 s2, s17  }
0x8e: {  	[smem:$0x3FBD] =	sst s2  }
0x8f: {  	_ = 	snop  }
0x90: {  	s2 =	sld [smem:$0x3FD0];
	(tm) =	ssettm $0x1  }
0x91: {  	s18 =	sld [smem:$0x3FFB];
	_ =	sdelay $0x3  }
0x92: {  	_ =	strace s18  }
0x93: {  	s3 =	sld [smem:$0x3FFC];
	_ =	sdelay $0x3  }
0x94: {  	_ =	strace s3  }
0x95: {  	s3 =	sld [smem:$0x3FFD];
	_ =	sdelay $0x3  }
0x96: {  	_ =	strace s3  }
0x97: {  	_ =	strace $0x8FFFFFFF  }
0x98: {  	s19 =	sld [smem:$0x3FDB];
	_ =	sdelay $0x1  }
0x99: {  	s4 =	simm.s32 $_scs_section_size  }
0x9a: {  	s5 =	simm.s32 $_size__tile_overlayer_lowered;
	s6 =	simm.s32 $_tile_overlayer_lowered  }
0x9b: {  	s22 =	simm.s32 $0x1BFF;
	s21 =	sshll.u32 s6, $0x1;
	s3 =	sadd.s32 s4, s19  }
0x9c: {  	s7 =	simm.s32 $0x0;
	s20 =	sshll.u32 s5, $0x1;
	s5 =	sadd.s32 s21, s3  }
0x9d: {  	[timem:s7], [sflag:s22] =	dma.local [hbm:s5], s20  }
0x9e: {  	_ =	swait.ge [sflag:s22], s20  }
0x9f: {  	s4 =	ssub.s32 $0x0, s20;
	[sflag:s22] =	ssyncset.done $0x0  }
0xa0: {  	[sflag:s22] =	ssyncadd.s32 s4;
	_ =	sdelay $0x1  }
0xa1: {  	s23 =	simm.s32 $0x1B8B  }
0xa2: {  	_ =	swait.ge [sflag:s23], $0x1  }
0xa3: {  	[sflag:s23] =	ssyncset.done $0x0  }
0xa4: {  	s25 =	simm.s32 $0x1B8E;
	s24 =	sld [smem:$0x3FFE];
	[sflag:s23] =	ssyncadd.s32 $0xFFFFFFFF  }
0xa5: {  	s26 =	simm.s32 $execute0_lowered;
	[smem:$0x3FD2] =	sst s25  }
0xa6: {  	s5 =	sshll.u32 s26, $0x1;
	_ =	strace $0x80000046;
	[dreg:$0x1] =	wrdreg $0xFFFFFFFF  }
0xa7: {  	s28 =	simm.s32 $_size_execute0_lowered;
	s3 =	sadd.s32 s3, s5;
	[dreg:$0x0] =	wrdreg $0x0  }
0xa8: {  	s5 =	sshll.u32 s28, $0x1;
	[dreg:$0x2] =	wrdreg s3  }
0xa9: {  	[dreg:$0x3] =	wrdreg s5  }
0xaa: {  	[dreg:$0x4] =	wrdreg $0xC0  }
0xab: {  	_ =	task [dreg:s7], $0x5FFFF  }
0xac: {  	[dreg:$0x1] =	wrdreg $0xFFFFFFFF  }
0xad: {  	[dreg:$0x0] =	wrdreg $0x60  }
0xae: {  	[dreg:$0x2] =	wrdreg s24  }
0xaf: {  	[dreg:$0x3] =	wrdreg s2  }
0xb0: {  	[dreg:$0x4] =	wrdreg $0x0  }
0xb1: {  	[dreg:$0x5] =	wrdreg $0x9  }
0xb2: {  	_ =	task.clear_ibuf [dreg:s7], $0x6FFFF;
	_ =	strace $0x90000046  }
0xb3: {  	s29 =	simm.s32 $0x9;
	_ =	strace $0x80000048  }
0xb4: {  	_ =	swait.ge [sflag:s29], $0x1  }
0xb5: {  	[sflag:s29] =	ssyncadd.s32 $0xFFFFFFFF  }
0xb6: {  	_ =	strace $0x90000048  }
0xb7: {  	_ =	sfence  }
0xb8: {  	s30 =	sld [smem:$0x0];
	_ =	sdelay $0x2  }
0xb9: {  	s31 =	sshll.u32 s1, $0xD;
	s1 =	sshrl.u32 s1, $0x2  }
0xba: {  	s3 =	sand.u32 $0x4000, s31;
	s1 =	sadd.s32 s1, s30  }
0xbb: {  	s0 =	sor.u32 s3, s0;
	s1 =	sshll.u32 s1, $0x11  }
0xbc: {  	s0 =	sor.u32 s1, s0  }
0xbd: {  	s0 =	sadd.s32 $0x8F2B, s0  }
0xbe: {  	[sflag:s0] =	ssyncadd.remote.s32 $0x1  }
0xbf: {  	_ =	sfence.sel $0xFFFF  }
0xc0: {  	[dreg:$0x0] =	wrdreg $0xFFFFFFFF;
	(pc) =	sbr.abs _section_cstart, $3  }
0xc1: {  	[dreg:$0x1] =	wrdreg $0xFFFFFFFF  }
0xc2: {  	_ =	task.clear_ibuf [dreg:s7], $0x2FFFF;
	_ =	strace $0x9FFFFFFF  }
0xc3: {  	(tm) =	ssettm $0x7FFFFFFF  }
tec
execute0_lowered:
.L_overlay_start_1:
0x0: {  	(tag) =	ssettag $0x1  }
0x1: {  	s5 =	rddreg [dreg:$0x0]  }
0x2: {  	s8 =	rddreg [dreg:$0x1]  }
0x3: {  	s1 =	rddreg [dreg:$0x2]  }
0x4: {  	s0 =	rddreg [dreg:$0x3]  }
0x5: {  	s3 =	srdreg.scid;
	s13 =	stileid.u32;
	s2 =	simm.s32 $0x0  }
0x6: {  	s16 =	simm.s32 $0x3;
	s17 =	simm.s32 $0x80;
	s18 =	simm.s32 $0x1880  }
0x7: {  	s19 =	simm.s32 $0x1780;
	s20 =	simm.s32 $0x5880;
	s21 =	simm.s32 $0x1  }
0x8: {  	s22 =	simm.s32 $0x1800;
	s23 =	simm.s32 $0x2;
	s24 =	simm.s32 $0x0  }
0x9: {  	s6 =	sand.u32 $0x1, s3;
	s29 =	sshll.u32 s13, $0x1;
	[smem:$0x7FF] =	sst s2  }
0xa: {  	s10 =	smul.u32 $0x1900, s13;
	s4 =	sadd.s32 $0x4E00, s5;
	s14 =	sadd.s32 $0x1C00, s5  }
0xb: {  	p0 =	sne.s32 s13, $0x0;
	s3 =	sor.u32 s6, s29;
	s12 =	smul.u32 $0xC80, s6  }
0xc: {  	_ =	strace $0x80000047;
	s9 =	ssub.s32 $0x2, s6;
	s30 =	smul.u32 $0x2E00, s6  }
0xd: {  	s7 =	smul.u32 $0xC80, s3;
	s3 =	sadd.s32 $0x18EA00, s5;
	s11 =	sshrl.u32 s9, $0x1  }
0xe: {  	s5 =	sadd.s32 $0x191800, s5;
	s9 =	ssub.s32 s9, s11;
	s15 =	sadd.s32 s12, s10  }
0xf: {  	s8 =	sadd.s32 s8, s30;
	s7 =	sshrl.u32 s7, $0x3;
	s10 =	sadd.s32 $0x80, s15  }
0x10: {  	s9 =	smax.u32 s9, $0x1;
	s6 =	sadd.s32 s4, s7;
	s7 =	sadd.s32 s14, s7  }
0x11: {  	s31 =	sshrl.u32 s10, $0x3;
	s10 =	sadd.s32 $0x100, s15;
	s15 =	sshrl.u32 s15, $0x3  }
0x12: {  	s7 =	sadd.s32 $0x180, s7;
	s11 =	sadd.s32 s31, s14;
	s12 =	sadd.s32 s31, s4  }
0x13: {  	s13 =	sadd.s32 s15, s14;
	s14 =	sshrl.u32 @!p0 s1, $0x3;
	s15 =	simm.s32 $0x1700  }
.LBB2_1:
0x14: {  	s25 =	simm.s32 @!p0 $0x1C03  }
0x15: {  	[spmem:s14], [sflag:s25] =	dma.local @!p0 [hbm:s5], $0x2E00  }
0x16: {  	s25 =	simm.s32 @!p0 $0x3  }
0x17: {  	_ =	swait.ge @!p0 [sflag:s25], $0x2E00  }
0x18: {  	[sflag:s25] =	ssyncset.done @!p0 $0x0  }
0x19: {  	[sflag:s25] =	ssyncadd.s32 @!p0 $0xFFFFD200  }
0x1a: {  	[bflag:$0x0] =	sbarrier.arrive $0xFFFF  }
0x1b: {  	[tilespmem:s15], [sflag:$0x3] =	stream.linear.gather [hbm4b:s6+s2], $0x80, $0x38;
	[tilespmem:$0x9880] =	vst v63  }
0x1c: {  	_ =	swait.ge [sflag:s16], $0x80  }
0x1d: {  	[sflag:s16] =	ssyncset.done $0x0  }
0x1e: {  	[sflag:s16] =	ssyncadd.s32 $0xFFFFFF80  }
0x1f: {  	[tilespmem:s18], [sflag:$0x1] =	stream.indirect.gather [hbm4b:s3+s17], $0x80, s15, s17, $0xb8;
	[tilespmem:$0x9880] =	vst v63  }
0x20: {  	s26 =	sadd.s32 $0x0, s12  }
0x21: {  	[tilespmem:s19], [sflag:$0x3] =	stream.linear.gather [hbm4b:s26+s2], $0x80, $0x38;
	[tilespmem:$0x9880] =	vst v63  }
0x22: {  	_ =	swait.ge [sflag:s16], $0x80  }
0x23: {  	[sflag:s16] =	ssyncset.done $0x0  }
0x24: {  	[sflag:s16] =	ssyncadd.s32 $0xFFFFFF80  }
0x25: {  	[tilespmem:s20], [sflag:$0x2] =	stream.indirect.gather [hbm4b:s3+s17], $0x80, s19, s17, $0xb8;
	[tilespmem:$0x9880] =	vst v63  }
0x26: {  	_ =	swait.ge [sflag:s21], $0x4000  }
0x27: {  	[sflag:s21] =	ssyncset.done $0x0  }
0x28: {  	s28 =	sadd.s32 $0x0, s13;
	[sflag:s21] =	ssyncadd.s32 $0xFFFFC000  }
0x29: {  	[tilespmem:s22], [sflag:$0x3] =	stream.linear.gather [hbm4b:s28+s2], $0x80, $0x38;
	[tilespmem:$0x9880] =	vst v63  }
0x2a: {  	_ =	swait.ge [sflag:s16], $0x80  }
0x2b: {  	[sflag:s16] =	ssyncset.done $0x0  }
0x2c: {  	[sflag:s16] =	ssyncadd.s32 $0xFFFFFF80  }
0x2d: {  	[spmem:s1] =	stream.indirect.scatter.add.f32 [tilespmem:s18], [sflag:$0x3], $0x80, s22, s17, $0xb8;
	[tilespmem:$0x9880] =	vst v63  }
0x2e: {  	_ =	swait.ge [sflag:s16], $0x4000  }
0x2f: {  	s30 =	sshrl.u32 s10, $0x3;
	[sflag:s16] =	ssyncset.done $0x0  }
0x30: {  	s25 =	sadd.s32 s4, s30;
	[sflag:s16] =	ssyncadd.s32 $0xFFFFC000  }
0x31: {  	[tilespmem:s15], [sflag:$0x3] =	stream.linear.gather [hbm4b:s25+s2], $0x80, $0x38;
	[tilespmem:$0x9880] =	vst v63  }
0x32: {  	_ =	swait.ge [sflag:s16], $0x80  }
0x33: {  	[sflag:s16] =	ssyncset.done $0x0  }
0x34: {  	[sflag:s16] =	ssyncadd.s32 $0xFFFFFF80  }
0x35: {  	[tilespmem:s18], [sflag:$0x1] =	stream.indirect.gather [hbm4b:s3+s17], $0x80, s15, s17, $0xb8;
	[tilespmem:$0x9880] =	vst v63  }
0x36: {  	_ =	swait.ge [sflag:s23], $0x4000  }
0x37: {  	[sflag:s23] =	ssyncset.done $0x0  }
0x38: {  	s31 =	sadd.s32 $0x0, s11;
	[sflag:s23] =	ssyncadd.s32 $0xFFFFC000  }
0x39: {  	[tilespmem:s22], [sflag:$0x3] =	stream.linear.gather [hbm4b:s31+s2], $0x80, $0x38;
	[tilespmem:$0x9880] =	vst v63  }
0x3a: {  	_ =	swait.ge [sflag:s16], $0x80  }
0x3b: {  	[sflag:s16] =	ssyncset.done $0x0  }
0x3c: {  	[sflag:s16] =	ssyncadd.s32 $0xFFFFFF80  }
0x3d: {  	[spmem:s1] =	stream.indirect.scatter.add.f32 [tilespmem:s20], [sflag:$0x3], $0x80, s22, s17, $0xb8;
	[tilespmem:$0x9880] =	vst v63  }
0x3e: {  	s29 =	simm.s32 $0x40;
	_ =	swait.ge [sflag:s16], $0x4000  }
0x3f: {  	s26 =	sadd.s32 $0x100, s10;
	s25 =	simm.s32 $0x20;
	[sflag:s16] =	ssyncset.done $0x0  }
.LBB2_2:
0x40: {  	s30 =	sadd.s32 s25, s12  }
0x41: {  	[sflag:s16] =	ssyncadd.s32 $0xFFFFC000;
	s31 =	smov.u32 s29;
	s28 =	sadd.s32 $0x20, s29  }
0x42: {  	[tilespmem:s19], [sflag:$0x3] =	stream.linear.gather [hbm4b:s30+s2], $0x80, $0x38;
	[tilespmem:$0x9880] =	vst v63  }
0x43: {  	p1 =	sne.s32 s29, $0x160;
	_ =	swait.ge [sflag:s16], $0x80  }
0x44: {  	[sflag:s16] =	ssyncset.done $0x0  }
0x45: {  	[sflag:s16] =	ssyncadd.s32 $0xFFFFFF80  }
0x46: {  	[tilespmem:s20], [sflag:$0x2] =	stream.indirect.gather [hbm4b:s3+s17], $0x80, s19, s17, $0xb8;
	[tilespmem:$0x9880] =	vst v63  }
0x47: {  	_ =	swait.ge [sflag:s21], $0x4000  }
0x48: {  	[sflag:s21] =	ssyncset.done $0x0  }
0x49: {  	s29 =	sadd.s32 s25, s13;
	[sflag:s21] =	ssyncadd.s32 $0xFFFFC000  }
0x4a: {  	[tilespmem:s22], [sflag:$0x3] =	stream.linear.gather [hbm4b:s29+s2], $0x80, $0x38;
	[tilespmem:$0x9880] =	vst v63  }
0x4b: {  	_ =	swait.ge [sflag:s16], $0x80  }
0x4c: {  	[sflag:s16] =	ssyncset.done $0x0  }
0x4d: {  	[sflag:s16] =	ssyncadd.s32 $0xFFFFFF80  }
0x4e: {  	[spmem:s1] =	stream.indirect.scatter.add.f32 [tilespmem:s18], [sflag:$0x3], $0x80, s22, s17, $0xb8;
	[tilespmem:$0x9880] =	vst v63  }
0x4f: {  	_ =	swait.ge [sflag:s16], $0x4000  }
0x50: {  	s29 =	sshrl.u32 s26, $0x3;
	[sflag:s16] =	ssyncset.done $0x0  }
0x51: {  	s29 =	sadd.s32 s4, s29;
	[sflag:s16] =	ssyncadd.s32 $0xFFFFC000  }
0x52: {  	[tilespmem:s15], [sflag:$0x3] =	stream.linear.gather [hbm4b:s29+s2], $0x80, $0x38;
	[tilespmem:$0x9880] =	vst v63  }
0x53: {  	_ =	swait.ge [sflag:s16], $0x80  }
0x54: {  	[sflag:s16] =	ssyncset.done $0x0  }
0x55: {  	[sflag:s16] =	ssyncadd.s32 $0xFFFFFF80  }
0x56: {  	[tilespmem:s18], [sflag:$0x1] =	stream.indirect.gather [hbm4b:s3+s17], $0x80, s15, s17, $0xb8;
	[tilespmem:$0x9880] =	vst v63  }
0x57: {  	_ =	swait.ge [sflag:s23], $0x4000  }
0x58: {  	[sflag:s23] =	ssyncset.done $0x0  }
0x59: {  	s29 =	sadd.s32 s25, s11;
	s25 =	smov.u32 s31;
	[sflag:s23] =	ssyncadd.s32 $0xFFFFC000  }
0x5a: {  	[tilespmem:s22], [sflag:$0x3] =	stream.linear.gather [hbm4b:s29+s2], $0x80, $0x38;
	[tilespmem:$0x9880] =	vst v63  }
0x5b: {  	_ =	swait.ge [sflag:s16], $0x80  }
.Ltmp0:
0x5c: {  	[sflag:s16] =	ssyncset.done $0x0;
	(pc) =	sbr.rel @p1 .LBB2_2-.Ltmp0, $4  }
0x5d: {  	[sflag:s16] =	ssyncadd.s32 $0xFFFFFF80  }
0x5e: {  	[spmem:s1] =	stream.indirect.scatter.add.f32 [tilespmem:s20], [sflag:$0x3], $0x80, s22, s17, $0xb8;
	[tilespmem:$0x9880] =	vst v63  }
0x5f: {  	_ =	swait.ge [sflag:s16], $0x4000  }
0x60: {  	s26 =	sadd.s32 $0x100, s26;
	s29 =	smov.u32 s28;
	[sflag:s16] =	ssyncset.done $0x0  }
0x61: {  	s28 =	sadd.s32 s25, s12;
	[sflag:s16] =	ssyncadd.s32 $0xFFFFC000  }
0x62: {  	[tilespmem:s19], [sflag:$0x3] =	stream.linear.gather [hbm4b:s28+s2], $0x80, $0x38;
	[tilespmem:$0x9880] =	vst v63  }
0x63: {  	_ =	swait.ge [sflag:s16], $0x80  }
0x64: {  	[sflag:s16] =	ssyncset.done $0x0  }
0x65: {  	[sflag:s16] =	ssyncadd.s32 $0xFFFFFF80  }
0x66: {  	[tilespmem:s20], [sflag:$0x2] =	stream.indirect.gather [hbm4b:s3+s17], $0x80, s19, s17, $0xb8;
	[tilespmem:$0x9880] =	vst v63  }
0x67: {  	_ =	swait.ge [sflag:s21], $0x4000  }
0x68: {  	[sflag:s21] =	ssyncset.done $0x0  }
0x69: {  	s30 =	sadd.s32 s25, s13;
	[sflag:s21] =	ssyncadd.s32 $0xFFFFC000  }
0x6a: {  	[tilespmem:s22], [sflag:$0x3] =	stream.linear.gather [hbm4b:s30+s2], $0x80, $0x38;
	[tilespmem:$0x9880] =	vst v63  }
0x6b: {  	_ =	swait.ge [sflag:s16], $0x80  }
0x6c: {  	[sflag:s16] =	ssyncset.done $0x0  }
0x6d: {  	[sflag:s16] =	ssyncadd.s32 $0xFFFFFF80  }
0x6e: {  	[spmem:s1] =	stream.indirect.scatter.add.f32 [tilespmem:s18], [sflag:$0x3], $0x80, s22, s17, $0xb8;
	[tilespmem:$0x9880] =	vst v63  }
0x6f: {  	_ =	swait.ge [sflag:s16], $0x4000  }
0x70: {  	s26 =	sshrl.u32 s26, $0x3;
	[sflag:s16] =	ssyncset.done $0x0  }
0x71: {  	s26 =	sadd.s32 s4, s26;
	[sflag:s16] =	ssyncadd.s32 $0xFFFFC000  }
0x72: {  	[tilespmem:s15], [sflag:$0x3] =	stream.linear.gather [hbm4b:s26+s2], $0x80, $0x38;
	[tilespmem:$0x9880] =	vst v63  }
0x73: {  	_ =	swait.ge [sflag:s16], $0x80  }
0x74: {  	[sflag:s16] =	ssyncset.done $0x0  }
0x75: {  	[sflag:s16] =	ssyncadd.s32 $0xFFFFFF80  }
0x76: {  	[tilespmem:s18], [sflag:$0x1] =	stream.indirect.gather [hbm4b:s3+s17], $0x80, s15, s17, $0xb8;
	[tilespmem:$0x9880] =	vst v63  }
0x77: {  	_ =	swait.ge [sflag:s23], $0x4000  }
0x78: {  	[sflag:s23] =	ssyncset.done $0x0  }
0x79: {  	s31 =	sadd.s32 s25, s11;
	[sflag:s23] =	ssyncadd.s32 $0xFFFFC000  }
0x7a: {  	[tilespmem:s22], [sflag:$0x3] =	stream.linear.gather [hbm4b:s31+s2], $0x80, $0x38;
	[tilespmem:$0x9880] =	vst v63  }
0x7b: {  	_ =	swait.ge [sflag:s16], $0x80  }
0x7c: {  	[sflag:s16] =	ssyncset.done $0x0  }
0x7d: {  	[sflag:s16] =	ssyncadd.s32 $0xFFFFFF80  }
0x7e: {  	[spmem:s1] =	stream.indirect.scatter.add.f32 [tilespmem:s20], [sflag:$0x3], $0x80, s22, s17, $0xb8;
	[tilespmem:$0x9880] =	vst v63  }
0x7f: {  	_ =	swait.ge [sflag:s16], $0x4000  }
0x80: {  	[sflag:s16] =	ssyncset.done $0x0  }
0x81: {  	[sflag:s16] =	ssyncadd.s32 $0xFFFFC000  }
0x82: {  	_ =	swait.ge [sflag:s21], $0x4000  }
0x83: {  	[sflag:s21] =	ssyncset.done $0x0  }
0x84: {  	[sflag:s21] =	ssyncadd.s32 $0xFFFFC000  }
0x85: {  	[tilespmem:s22], [sflag:$0x3] =	stream.linear.gather [hbm4b:s7+s2], $0x80, $0x38;
	[tilespmem:$0x9880] =	vst v63  }
0x86: {  	_ =	swait.ge [sflag:s16], $0x80  }
0x87: {  	[sflag:s16] =	ssyncset.done $0x0  }
0x88: {  	[sflag:s16] =	ssyncadd.s32 $0xFFFFFF80  }
0x89: {  	[spmem:s1] =	stream.indirect.scatter.add.f32 [tilespmem:s18], [sflag:$0x3], $0x80, s22, s17, $0xb8;
	[tilespmem:$0x9880] =	vst v63  }
0x8a: {  	_ =	swait.ge [sflag:s16], $0x4000  }
0x8b: {  	[sflag:s16] =	ssyncset.done $0x0  }
0x8c: {  	s24 =	sadd.s32 $0x1, s24;
	[sflag:s16] =	ssyncadd.s32 $0xFFFFC000  }
0x8d: {  	s25 =	simm.s32 @!p0 $0x1C03;
	p1 =	sne.s32 s24, s9;
	[bflag:$0x0] =	sbarrier.arrive $0xFFFF  }
0x8e: {  	[hbm:s8], [sflag:s25] =	dma.local @!p0 [spmem:s14], $0x2E00  }
.Ltmp1:
0x8f: {  	_ = 	snop;
	(pc) =	sbr.rel @p1 .LBB2_1-.Ltmp1, $4  }
0x90: {  	s25 =	simm.s32 @!p0 $0x3  }
0x91: {  	_ =	swait.ge @!p0 [sflag:s25], $0x2E00  }
0x92: {  	[sflag:s25] =	ssyncset.done @!p0 $0x0  }
0x93: {  	[sflag:s25] =	ssyncadd.s32 @!p0 $0xFFFFD200  }
0x94: {  	_ =	sfence.sel $0x180000  }
0x95: {  	[bflag:$0x0] =	sbarrier.arrive $0xFFFF  }
0x96: {  	_ =	strace $0x90000047  }
0x97: {  	s0 =	sadd.s32 @!p0 $0x100000, s0;
	[bflag:$0x2] =	sbarrier.arrive $0xFFFF  }
0x98: {  	[sflag:s0] =	ssyncadd.tile.s32 @!p0 $0x1;
	_ =	shalt  }
.Lfunc_end2:
_tile_overlayer_lowered:
.L_overlay_start_2:
0x99: {  	(tag) =	ssettag $0x2  }
0x9a: {  	s0 =	rddreg [dreg:$0x0];
	s2 =	stileid.u32  }
0x9b: {  	s1 =	rddreg [dreg:$0x1];
	p0 =	sne.s32 s2, $0x0  }
0x9c: {  	s3 =	rddreg [dreg:$0x2];
	[bflag:$0x3] =	sbarrier.arrive $0xFFFF;
	s2 =	simm.s32 @!p0 $0x1C03  }
0x9d: {  	[timem:s3], [sflag:s2] =	dma.local @!p0 [hbm:s0], s1  }
0x9e: {  	s0 =	simm.s32 @!p0 $0x3  }
0x9f: {  	_ =	swait.ge @!p0 [sflag:s0], s1  }
0xa0: {  	s1 =	ssub.s32 @!p0 $0x0, s1;
	[sflag:s0] =	ssyncset.done @!p0 $0x0  }
0xa1: {  	[sflag:s0] =	ssyncadd.s32 @!p0 s1  }
0xa2: {  	[bflag:$0x3] =	sbarrier.arrive $0xFFFF  }
0xa3: {  	_ =	shalt  }

</sc_bundles>
